<compile_context>
chip_gen: v7x
topology: tpu7x:2x2x1
jax: 0.10.2.dev20260603
libtpu: 0.0.44.dev20260713+nightly
codegen_flags: <defaults>
</compile_context>

<pallas_src>
import functools

import jax
import jax.numpy as jnp
from jax import lax
from jax.experimental import pallas as pl
from jax.experimental.pallas import tpu as pltpu
from jax.experimental.pallas import tpu_sc as plsc

_NODE = 100000
_DIM = 64
_B = 16384
_NEG = 5

_NC = 2
_NS = 16
_NW = _NC * _NS
_CHUNK = _B // _NW
_SUB = 128
_NSUB = _CHUNK // _SUB


_UNROLL = 4


def _sc_body(vi_hbm, vj_hbm, ng_hbm, emb_hbm, ctx_hbm, out_hbm,
             idx_i, idx_j, idx_n,
             vi_a, vj_a, ng_a, vi_b, vj_b, ng_b, dots, sem_a, sem_b):
    cid = lax.axis_index("c")
    sid = lax.axis_index("s")
    wid = sid * _NC + cid

    pltpu.sync_copy(vi_hbm.at[pl.ds(wid * _CHUNK, _CHUNK)], idx_i)
    pltpu.sync_copy(vj_hbm.at[pl.ds(wid * _CHUNK, _CHUNK)], idx_j)
    for k in range(_NEG):
        pltpu.sync_copy(ng_hbm.at[k, pl.ds(wid * _CHUNK, _CHUNK)], idx_n.at[k])

    iota = lax.iota(jnp.int32, 16)
    bufs = [(vi_a, vj_a, ng_a, sem_a), (vi_b, vj_b, ng_b, sem_b)]

    def fire(s):
        vi_r, vj_r, ng_r, sem = bufs[s % 2]
        cps = [pltpu.async_copy(emb_hbm.at[idx_i.at[pl.ds(s * _SUB, _SUB)]],
                                vi_r, sem),
               pltpu.async_copy(ctx_hbm.at[idx_j.at[pl.ds(s * _SUB, _SUB)]],
                                vj_r, sem)]
        cps += [pltpu.async_copy(
                    ctx_hbm.at[idx_n.at[k, pl.ds(s * _SUB, _SUB)]],
                    ng_r.at[pl.ds(k * _SUB, _SUB)], sem)
                for k in range(_NEG)]
        return cps

    inflight = fire(0)
    for s in range(_NSUB):
        for c in inflight:
            c.wait()
        inflight = fire(s + 1) if s + 1 < _NSUB else []
        vi_r, vj_r, ng_r, _ = bufs[s % 2]

        def group(g, carry2):
            rows = g * 16 + iota
            ngrows = [rows + k * _SUB for k in range(_NEG)]

            def dstep(t, accs):
                d0 = t * _UNROLL
                for j in range(_UNROLL):
                    dcol = (jnp.full((16,), d0 + j, jnp.int32) + iota) & (_DIM - 1)
                    vi = plsc.load_gather(vi_r, [rows, dcol])
                    vj = plsc.load_gather(vj_r, [rows, dcol])
                    out = [accs[0] + vi * vj]
                    for k in range(_NEG):
                        ng = plsc.load_gather(ng_r, [ngrows[k], dcol])
                        out.append(accs[k + 1] + vi * ng)
                    accs = tuple(out)
                return accs

            zero = jnp.zeros((16,), jnp.float32)
            accs = lax.fori_loop(0, _DIM // _UNROLL, dstep, (zero,) * 6)
            off = s * _SUB + g * 16
            for t in range(6):
                dots[t, pl.ds(off, 16)] = accs[t]
            return carry2

        lax.fori_loop(0, _SUB // 16, group, 0)

    for t in range(6):
        pltpu.sync_copy(dots.at[t], out_hbm.at[t, pl.ds(wid * _CHUNK, _CHUNK)])


_sc_dots = functools.partial(
    pl.kernel,
    out_type=jax.ShapeDtypeStruct((6, _B), jnp.float32),
    mesh=plsc.VectorSubcoreMesh(core_axis_name="c", subcore_axis_name="s"),
    scratch_types=[
        pltpu.VMEM((_CHUNK,), jnp.int32),
        pltpu.VMEM((_CHUNK,), jnp.int32),
        pltpu.VMEM((_NEG, _CHUNK), jnp.int32),
        pltpu.VMEM((_SUB, _DIM), jnp.float32),
        pltpu.VMEM((_SUB, _DIM), jnp.float32),
        pltpu.VMEM((_SUB * _NEG, _DIM), jnp.float32),
        pltpu.VMEM((_SUB, _DIM), jnp.float32),
        pltpu.VMEM((_SUB, _DIM), jnp.float32),
        pltpu.VMEM((_SUB * _NEG, _DIM), jnp.float32),
        pltpu.VMEM((6, _CHUNK), jnp.float32),
        pltpu.SemaphoreType.DMA,
        pltpu.SemaphoreType.DMA,
    ],
    compiler_params=pltpu.CompilerParams(
        needs_layout_passes=False, use_tc_tiling_on_sc=False),
)(_sc_body)


def _finish_body(dots_ref, out_ref):
    x = dots_ref[...]
    pos = x[0:1, :]
    neg = x[1:6, :]

    def logsig(v):
        return jnp.minimum(v, 0.0) - jnp.log1p(jnp.exp(-jnp.abs(v)))

    tot = jnp.sum(logsig(pos)) + jnp.sum(logsig(-neg))
    out_ref[0, 0] = -tot / _B


_finish = pl.pallas_call(
    _finish_body,
    out_shape=jax.ShapeDtypeStruct((1, 1), jnp.float32),
    out_specs=pl.BlockSpec(memory_space=pltpu.SMEM),
)


def kernel(emb_table, ctx_table, v_i, v_j, negative):
    vi_r = v_i.astype(jnp.int32)
    vj_r = v_j.astype(jnp.int32)
    ng_r = negative.astype(jnp.int32).T
    dots = _sc_dots(vi_r, vj_r, ng_r, emb_table, ctx_table)
    return _finish(dots)[0, 0]

# --- scband reference (transcript-rebuilt; emitter-appended) ---
"""Pipeline reference for scband-line-8607114461287 (READ-ONLY COPY).

The authoritative reference and input builder live on the scoring server;
editing this copy changes nothing except your own understanding.
"""

import jax, jax.numpy as jnp
import numpy as np

NODE_SIZE = 100000
DIM = 64
BATCH = 16384
NEG = 5


def setup_inputs(seed: int = 0) -> dict:
    key = jax.random.key(seed)
    k1, k2, k3, k4, k5 = jax.random.split(key, 5)
    # xavier_uniform init as in init_embedding()
    limit = float(np.sqrt(6.0 / (NODE_SIZE + DIM)))
    emb_table = jax.random.uniform(k1, (NODE_SIZE, DIM), minval=-limit, maxval=limit, dtype=jnp.float32)
    ctx_table = jax.random.uniform(k2, (NODE_SIZE, DIM), minval=-limit, maxval=limit, dtype=jnp.float32)
    v_i = jax.random.randint(k3, (BATCH,), 0, NODE_SIZE, dtype=jnp.int64 if jax.config.jax_enable_x64 else jnp.int32)
    v_j = jax.random.randint(k4, (BATCH,), 0, NODE_SIZE, dtype=jnp.int64 if jax.config.jax_enable_x64 else jnp.int32)
    negative = jax.random.randint(k5, (BATCH, NEG), 0, NODE_SIZE, dtype=jnp.int64 if jax.config.jax_enable_x64 else jnp.int32)
    return {"emb_table": emb_table, "ctx_table": ctx_table, "v_i": v_i, "v_j": v_j, "negative": negative}


def reference(emb_table, ctx_table, v_i, v_j, negative):
    # order == 3 (default) branch of _Line.forward
    v_i_emb = jnp.take(emb_table, v_i, axis=0)            # [B, D] gather
    v_j_emb = jnp.take(ctx_table, v_j, axis=0)            # [B, D] gather
    negative_emb = jnp.take(ctx_table, negative, axis=0)  # [B, NEG, D] gather
    pos_score = jax.nn.log_sigmoid(jnp.sum(v_i_emb * v_j_emb, axis=1))
    neg_score = jnp.sum(
        jax.nn.log_sigmoid(jnp.sum(v_i_emb.reshape(BATCH, 1, -1) * (-negative_emb), axis=2)),
        axis=1,
    )
    loss = -(pos_score + neg_score)
    return jnp.mean(loss)

if __name__ == "__main__":
    import jax
    _d = setup_inputs()
    print(jax.jit(kernel)(*tuple(_d.values())))

</pallas_src>

<mosaic_0001>
#map = affine_map<(d0, d1) -> (0)>
#map1 = affine_map<(d0, d1) -> (0, 0)>
module attributes {stable_mosaic.version = 14 : i64} {
  func.func @_sc_body(%arg0: i32, %arg1: i32, %arg2: memref<16384xi32, #tpu.memory_space<hbm>>, %arg3: memref<16384xi32, #tpu.memory_space<hbm>>, %arg4: memref<5x16384xi32, #tpu.memory_space<hbm>>, %arg5: memref<100000x64xf32, #tpu.memory_space<hbm>>, %arg6: memref<100000x64xf32, #tpu.memory_space<hbm>>, %arg7: memref<6x16384xf32, #tpu.memory_space<hbm>>, %arg8: memref<512xi32, #tpu.memory_space<vmem>>, %arg9: memref<512xi32, #tpu.memory_space<vmem>>, %arg10: memref<5x512xi32, #tpu.memory_space<vmem>>, %arg11: memref<128x64xf32, #tpu.memory_space<vmem>>, %arg12: memref<128x64xf32, #tpu.memory_space<vmem>>, %arg13: memref<640x64xf32, #tpu.memory_space<vmem>>, %arg14: memref<128x64xf32, #tpu.memory_space<vmem>>, %arg15: memref<128x64xf32, #tpu.memory_space<vmem>>, %arg16: memref<640x64xf32, #tpu.memory_space<vmem>>, %arg17: memref<6x512xf32, #tpu.memory_space<vmem>>, %arg18: memref<!tpu.dma_semaphore, #tpu.memory_space<semaphore_mem>>, %arg19: memref<!tpu.dma_semaphore, #tpu.memory_space<semaphore_mem>>) attributes {dimension_semantics = [#tpu.dimension_semantics<core_parallel>, #tpu.dimension_semantics<subcore_parallel>], iteration_bounds = array<i64: 2, 16>, scalar_prefetch = 0 : i64, scratch_operands = 12 : i64, tpu.core_type = #tpu.core_type<sc_vector_subcore>, window_params = [{transform_indices = #map}, {transform_indices = #map}, {transform_indices = #map1}, {transform_indices = #map1}, {transform_indices = #map1}, {transform_indices = #map1}]} {
    %mul3A = arith.constant 2 : i32
    %mul3A_0 = arith.muli %arg1, %mul3A : i32
    %add3A = arith.addi %mul3A_0, %arg0 : i32
    %mul3A_1 = arith.constant 512 : i32
    %mul3A_2 = arith.muli %add3A, %mul3A_1 : i32
    "tpu.region"() ({
      %run_scoped3A_549 = tpu.sem_alloc : memref<!tpu.dma_semaphore, #tpu.memory_space<semaphore_mem>>
      %dma_start3A_550 = tpu.memref_slice %arg2[%mul3A_2] : memref<16384xi32, #tpu.memory_space<hbm>> -> memref<512xi32, #tpu.memory_space<hbm>>
      %dma_start3A_551 = tpu.memref_slice %arg2[%mul3A_2] : memref<16384xi32, #tpu.memory_space<hbm>> -> memref<512xi32, #tpu.memory_space<hbm>>
      tpu.enqueue_dma source(%dma_start3A_551 : memref<512xi32, #tpu.memory_space<hbm>>) target(%arg8 : memref<512xi32, #tpu.memory_space<vmem>>) target_semaphore(%run_scoped3A_549 : memref<!tpu.dma_semaphore, #tpu.memory_space<semaphore_mem>>)
      %dma_wait3A_552 = tpu.memref_slice %arg2[%mul3A_2] : memref<16384xi32, #tpu.memory_space<hbm>> -> memref<512xi32, #tpu.memory_space<hbm>>
      %dma_wait3A_553 = tpu.memref_slice %arg2[%mul3A_2] : memref<16384xi32, #tpu.memory_space<hbm>> -> memref<512xi32, #tpu.memory_space<hbm>>
      tpu.wait_dma2 semaphore(%run_scoped3A_549 : memref<!tpu.dma_semaphore, #tpu.memory_space<semaphore_mem>>) src(%dma_wait3A_553 : memref<512xi32, #tpu.memory_space<hbm>>) dst(%arg8 : memref<512xi32, #tpu.memory_space<vmem>>)
      tpu.yield
    }) : () -> ()
    %mul3A_3 = arith.constant 512 : i32
    %mul3A_4 = arith.muli %add3A, %mul3A_3 : i32
    "tpu.region"() ({
      %run_scoped3A_549 = tpu.sem_alloc : memref<!tpu.dma_semaphore, #tpu.memory_space<semaphore_mem>>
      %dma_start3A_550 = tpu.memref_slice %arg3[%mul3A_4] : memref<16384xi32, #tpu.memory_space<hbm>> -> memref<512xi32, #tpu.memory_space<hbm>>
      %dma_start3A_551 = tpu.memref_slice %arg3[%mul3A_4] : memref<16384xi32, #tpu.memory_space<hbm>> -> memref<512xi32, #tpu.memory_space<hbm>>
      tpu.enqueue_dma source(%dma_start3A_551 : memref<512xi32, #tpu.memory_space<hbm>>) target(%arg9 : memref<512xi32, #tpu.memory_space<vmem>>) target_semaphore(%run_scoped3A_549 : memref<!tpu.dma_semaphore, #tpu.memory_space<semaphore_mem>>)
      %dma_wait3A_552 = tpu.memref_slice %arg3[%mul3A_4] : memref<16384xi32, #tpu.memory_space<hbm>> -> memref<512xi32, #tpu.memory_space<hbm>>
      %dma_wait3A_553 = tpu.memref_slice %arg3[%mul3A_4] : memref<16384xi32, #tpu.memory_space<hbm>> -> memref<512xi32, #tpu.memory_space<hbm>>
      tpu.wait_dma2 semaphore(%run_scoped3A_549 : memref<!tpu.dma_semaphore, #tpu.memory_space<semaphore_mem>>) src(%dma_wait3A_553 : memref<512xi32, #tpu.memory_space<hbm>>) dst(%arg9 : memref<512xi32, #tpu.memory_space<vmem>>)
      tpu.yield
    }) : () -> ()
    %mul3A_5 = arith.constant 512 : i32
    %mul3A_6 = arith.muli %add3A, %mul3A_5 : i32
    %run_scoped3A = arith.constant 0 : i32
    %run_scoped3A_7 = arith.constant 0 : i32
    "tpu.region"() ({
      %run_scoped3A_549 = tpu.sem_alloc : memref<!tpu.dma_semaphore, #tpu.memory_space<semaphore_mem>>
      %dma_start3A_550 = arith.constant 0 : i32
      %dma_start3A_551 = tpu.memref_slice %arg10[%run_scoped3A_7, %dma_start3A_550] : memref<5x512xi32, #tpu.memory_space<vmem>> -> memref<1x512xi32, #tpu.memory_space<vmem>>
      %dma_start3A_552 = tpu.memref_squeeze %dma_start3A_551 : memref<1x512xi32, #tpu.memory_space<vmem>> -> memref<512xi32, #tpu.memory_space<vmem>>
      %dma_start3A_553 = tpu.memref_slice %arg4[%run_scoped3A, %mul3A_6] : memref<5x16384xi32, #tpu.memory_space<hbm>> -> memref<1x512xi32, #tpu.memory_space<hbm>>
      %dma_start3A_554 = tpu.memref_squeeze %dma_start3A_553 : memref<1x512xi32, #tpu.memory_space<hbm>> -> memref<512xi32, #tpu.memory_space<hbm>>
      %dma_start3A_555 = arith.constant 0 : i32
      %dma_start3A_556 = tpu.memref_slice %arg10[%run_scoped3A_7, %dma_start3A_555] : memref<5x512xi32, #tpu.memory_space<vmem>> -> memref<1x512xi32, #tpu.memory_space<vmem>>
      %dma_start3A_557 = tpu.memref_squeeze %dma_start3A_556 : memref<1x512xi32, #tpu.memory_space<vmem>> -> memref<512xi32, #tpu.memory_space<vmem>>
      %dma_start3A_558 = tpu.memref_slice %arg4[%run_scoped3A, %mul3A_6] : memref<5x16384xi32, #tpu.memory_space<hbm>> -> memref<1x512xi32, #tpu.memory_space<hbm>>
      %dma_start3A_559 = tpu.memref_squeeze %dma_start3A_558 : memref<1x512xi32, #tpu.memory_space<hbm>> -> memref<512xi32, #tpu.memory_space<hbm>>
      tpu.enqueue_dma source(%dma_start3A_559 : memref<512xi32, #tpu.memory_space<hbm>>) target(%dma_start3A_557 : memref<512xi32, #tpu.memory_space<vmem>>) target_semaphore(%run_scoped3A_549 : memref<!tpu.dma_semaphore, #tpu.memory_space<semaphore_mem>>)
      %dma_wait3A_560 = arith.constant 0 : i32
      %dma_wait3A_561 = tpu.memref_slice %arg10[%run_scoped3A_7, %dma_wait3A_560] : memref<5x512xi32, #tpu.memory_space<vmem>> -> memref<1x512xi32, #tpu.memory_space<vmem>>
      %dma_wait3A_562 = tpu.memref_squeeze %dma_wait3A_561 : memref<1x512xi32, #tpu.memory_space<vmem>> -> memref<512xi32, #tpu.memory_space<vmem>>
      %dma_wait3A_563 = tpu.memref_slice %arg4[%run_scoped3A, %mul3A_6] : memref<5x16384xi32, #tpu.memory_space<hbm>> -> memref<1x512xi32, #tpu.memory_space<hbm>>
      %dma_wait3A_564 = tpu.memref_squeeze %dma_wait3A_563 : memref<1x512xi32, #tpu.memory_space<hbm>> -> memref<512xi32, #tpu.memory_space<hbm>>
      %dma_wait3A_565 = arith.constant 0 : i32
      %dma_wait3A_566 = tpu.memref_slice %arg10[%run_scoped3A_7, %dma_wait3A_565] : memref<5x512xi32, #tpu.memory_space<vmem>> -> memref<1x512xi32, #tpu.memory_space<vmem>>
      %dma_wait3A_567 = tpu.memref_squeeze %dma_wait3A_566 : memref<1x512xi32, #tpu.memory_space<vmem>> -> memref<512xi32, #tpu.memory_space<vmem>>
      %dma_wait3A_568 = tpu.memref_slice %arg4[%run_scoped3A, %mul3A_6] : memref<5x16384xi32, #tpu.memory_space<hbm>> -> memref<1x512xi32, #tpu.memory_space<hbm>>
      %dma_wait3A_569 = tpu.memref_squeeze %dma_wait3A_568 : memref<1x512xi32, #tpu.memory_space<hbm>> -> memref<512xi32, #tpu.memory_space<hbm>>
      tpu.wait_dma2 semaphore(%run_scoped3A_549 : memref<!tpu.dma_semaphore, #tpu.memory_space<semaphore_mem>>) src(%dma_wait3A_569 : memref<512xi32, #tpu.memory_space<hbm>>) dst(%dma_wait3A_567 : memref<512xi32, #tpu.memory_space<vmem>>)
      tpu.yield
    }) : () -> ()
    %mul3A_8 = arith.constant 512 : i32
    %mul3A_9 = arith.muli %add3A, %mul3A_8 : i32
    %run_scoped3A_10 = arith.constant 1 : i32
    %run_scoped3A_11 = arith.constant 1 : i32
    "tpu.region"() ({
      %run_scoped3A_549 = tpu.sem_alloc : memref<!tpu.dma_semaphore, #tpu.memory_space<semaphore_mem>>
      %dma_start3A_550 = arith.constant 0 : i32
      %dma_start3A_551 = tpu.memref_slice %arg10[%run_scoped3A_11, %dma_start3A_550] : memref<5x512xi32, #tpu.memory_space<vmem>> -> memref<1x512xi32, #tpu.memory_space<vmem>>
      %dma_start3A_552 = tpu.memref_squeeze %dma_start3A_551 : memref<1x512xi32, #tpu.memory_space<vmem>> -> memref<512xi32, #tpu.memory_space<vmem>>
      %dma_start3A_553 = tpu.memref_slice %arg4[%run_scoped3A_10, %mul3A_9] : memref<5x16384xi32, #tpu.memory_space<hbm>> -> memref<1x512xi32, #tpu.memory_space<hbm>>
      %dma_start3A_554 = tpu.memref_squeeze %dma_start3A_553 : memref<1x512xi32, #tpu.memory_space<hbm>> -> memref<512xi32, #tpu.memory_space<hbm>>
      %dma_start3A_555 = arith.constant 0 : i32
      %dma_start3A_556 = tpu.memref_slice %arg10[%run_scoped3A_11, %dma_start3A_555] : memref<5x512xi32, #tpu.memory_space<vmem>> -> memref<1x512xi32, #tpu.memory_space<vmem>>
      %dma_start3A_557 = tpu.memref_squeeze %dma_start3A_556 : memref<1x512xi32, #tpu.memory_space<vmem>> -> memref<512xi32, #tpu.memory_space<vmem>>
      %dma_start3A_558 = tpu.memref_slice %arg4[%run_scoped3A_10, %mul3A_9] : memref<5x16384xi32, #tpu.memory_space<hbm>> -> memref<1x512xi32, #tpu.memory_space<hbm>>
      %dma_start3A_559 = tpu.memref_squeeze %dma_start3A_558 : memref<1x512xi32, #tpu.memory_space<hbm>> -> memref<512xi32, #tpu.memory_space<hbm>>
      tpu.enqueue_dma source(%dma_start3A_559 : memref<512xi32, #tpu.memory_space<hbm>>) target(%dma_start3A_557 : memref<512xi32, #tpu.memory_space<vmem>>) target_semaphore(%run_scoped3A_549 : memref<!tpu.dma_semaphore, #tpu.memory_space<semaphore_mem>>)
      %dma_wait3A_560 = arith.constant 0 : i32
      %dma_wait3A_561 = tpu.memref_slice %arg10[%run_scoped3A_11, %dma_wait3A_560] : memref<5x512xi32, #tpu.memory_space<vmem>> -> memref<1x512xi32, #tpu.memory_space<vmem>>
      %dma_wait3A_562 = tpu.memref_squeeze %dma_wait3A_561 : memref<1x512xi32, #tpu.memory_space<vmem>> -> memref<512xi32, #tpu.memory_space<vmem>>
      %dma_wait3A_563 = tpu.memref_slice %arg4[%run_scoped3A_10, %mul3A_9] : memref<5x16384xi32, #tpu.memory_space<hbm>> -> memref<1x512xi32, #tpu.memory_space<hbm>>
      %dma_wait3A_564 = tpu.memref_squeeze %dma_wait3A_563 : memref<1x512xi32, #tpu.memory_space<hbm>> -> memref<512xi32, #tpu.memory_space<hbm>>
      %dma_wait3A_565 = arith.constant 0 : i32
      %dma_wait3A_566 = tpu.memref_slice %arg10[%run_scoped3A_11, %dma_wait3A_565] : memref<5x512xi32, #tpu.memory_space<vmem>> -> memref<1x512xi32, #tpu.memory_space<vmem>>
      %dma_wait3A_567 = tpu.memref_squeeze %dma_wait3A_566 : memref<1x512xi32, #tpu.memory_space<vmem>> -> memref<512xi32, #tpu.memory_space<vmem>>
      %dma_wait3A_568 = tpu.memref_slice %arg4[%run_scoped3A_10, %mul3A_9] : memref<5x16384xi32, #tpu.memory_space<hbm>> -> memref<1x512xi32, #tpu.memory_space<hbm>>
      %dma_wait3A_569 = tpu.memref_squeeze %dma_wait3A_568 : memref<1x512xi32, #tpu.memory_space<hbm>> -> memref<512xi32, #tpu.memory_space<hbm>>
      tpu.wait_dma2 semaphore(%run_scoped3A_549 : memref<!tpu.dma_semaphore, #tpu.memory_space<semaphore_mem>>) src(%dma_wait3A_569 : memref<512xi32, #tpu.memory_space<hbm>>) dst(%dma_wait3A_567 : memref<512xi32, #tpu.memory_space<vmem>>)
      tpu.yield
    }) : () -> ()
    %mul3A_12 = arith.constant 512 : i32
    %mul3A_13 = arith.muli %add3A, %mul3A_12 : i32
    %run_scoped3A_14 = arith.constant 2 : i32
    %run_scoped3A_15 = arith.constant 2 : i32
    "tpu.region"() ({
      %run_scoped3A_549 = tpu.sem_alloc : memref<!tpu.dma_semaphore, #tpu.memory_space<semaphore_mem>>
      %dma_start3A_550 = arith.constant 0 : i32
      %dma_start3A_551 = tpu.memref_slice %arg10[%run_scoped3A_15, %dma_start3A_550] : memref<5x512xi32, #tpu.memory_space<vmem>> -> memref<1x512xi32, #tpu.memory_space<vmem>>
      %dma_start3A_552 = tpu.memref_squeeze %dma_start3A_551 : memref<1x512xi32, #tpu.memory_space<vmem>> -> memref<512xi32, #tpu.memory_space<vmem>>
      %dma_start3A_553 = tpu.memref_slice %arg4[%run_scoped3A_14, %mul3A_13] : memref<5x16384xi32, #tpu.memory_space<hbm>> -> memref<1x512xi32, #tpu.memory_space<hbm>>
      %dma_start3A_554 = tpu.memref_squeeze %dma_start3A_553 : memref<1x512xi32, #tpu.memory_space<hbm>> -> memref<512xi32, #tpu.memory_space<hbm>>
      %dma_start3A_555 = arith.constant 0 : i32
      %dma_start3A_556 = tpu.memref_slice %arg10[%run_scoped3A_15, %dma_start3A_555] : memref<5x512xi32, #tpu.memory_space<vmem>> -> memref<1x512xi32, #tpu.memory_space<vmem>>
      %dma_start3A_557 = tpu.memref_squeeze %dma_start3A_556 : memref<1x512xi32, #tpu.memory_space<vmem>> -> memref<512xi32, #tpu.memory_space<vmem>>
      %dma_start3A_558 = tpu.memref_slice %arg4[%run_scoped3A_14, %mul3A_13] : memref<5x16384xi32, #tpu.memory_space<hbm>> -> memref<1x512xi32, #tpu.memory_space<hbm>>
      %dma_start3A_559 = tpu.memref_squeeze %dma_start3A_558 : memref<1x512xi32, #tpu.memory_space<hbm>> -> memref<512xi32, #tpu.memory_space<hbm>>
      tpu.enqueue_dma source(%dma_start3A_559 : memref<512xi32, #tpu.memory_space<hbm>>) target(%dma_start3A_557 : memref<512xi32, #tpu.memory_space<vmem>>) target_semaphore(%run_scoped3A_549 : memref<!tpu.dma_semaphore, #tpu.memory_space<semaphore_mem>>)
      %dma_wait3A_560 = arith.constant 0 : i32
      %dma_wait3A_561 = tpu.memref_slice %arg10[%run_scoped3A_15, %dma_wait3A_560] : memref<5x512xi32, #tpu.memory_space<vmem>> -> memref<1x512xi32, #tpu.memory_space<vmem>>
      %dma_wait3A_562 = tpu.memref_squeeze %dma_wait3A_561 : memref<1x512xi32, #tpu.memory_space<vmem>> -> memref<512xi32, #tpu.memory_space<vmem>>
      %dma_wait3A_563 = tpu.memref_slice %arg4[%run_scoped3A_14, %mul3A_13] : memref<5x16384xi32, #tpu.memory_space<hbm>> -> memref<1x512xi32, #tpu.memory_space<hbm>>
      %dma_wait3A_564 = tpu.memref_squeeze %dma_wait3A_563 : memref<1x512xi32, #tpu.memory_space<hbm>> -> memref<512xi32, #tpu.memory_space<hbm>>
      %dma_wait3A_565 = arith.constant 0 : i32
      %dma_wait3A_566 = tpu.memref_slice %arg10[%run_scoped3A_15, %dma_wait3A_565] : memref<5x512xi32, #tpu.memory_space<vmem>> -> memref<1x512xi32, #tpu.memory_space<vmem>>
      %dma_wait3A_567 = tpu.memref_squeeze %dma_wait3A_566 : memref<1x512xi32, #tpu.memory_space<vmem>> -> memref<512xi32, #tpu.memory_space<vmem>>
      %dma_wait3A_568 = tpu.memref_slice %arg4[%run_scoped3A_14, %mul3A_13] : memref<5x16384xi32, #tpu.memory_space<hbm>> -> memref<1x512xi32, #tpu.memory_space<hbm>>
      %dma_wait3A_569 = tpu.memref_squeeze %dma_wait3A_568 : memref<1x512xi32, #tpu.memory_space<hbm>> -> memref<512xi32, #tpu.memory_space<hbm>>
      tpu.wait_dma2 semaphore(%run_scoped3A_549 : memref<!tpu.dma_semaphore, #tpu.memory_space<semaphore_mem>>) src(%dma_wait3A_569 : memref<512xi32, #tpu.memory_space<hbm>>) dst(%dma_wait3A_567 : memref<512xi32, #tpu.memory_space<vmem>>)
      tpu.yield
    }) : () -> ()
    %mul3A_16 = arith.constant 512 : i32
    %mul3A_17 = arith.muli %add3A, %mul3A_16 : i32
    %run_scoped3A_18 = arith.constant 3 : i32
    %run_scoped3A_19 = arith.constant 3 : i32
    "tpu.region"() ({
      %run_scoped3A_549 = tpu.sem_alloc : memref<!tpu.dma_semaphore, #tpu.memory_space<semaphore_mem>>
      %dma_start3A_550 = arith.constant 0 : i32
      %dma_start3A_551 = tpu.memref_slice %arg10[%run_scoped3A_19, %dma_start3A_550] : memref<5x512xi32, #tpu.memory_space<vmem>> -> memref<1x512xi32, #tpu.memory_space<vmem>>
      %dma_start3A_552 = tpu.memref_squeeze %dma_start3A_551 : memref<1x512xi32, #tpu.memory_space<vmem>> -> memref<512xi32, #tpu.memory_space<vmem>>
      %dma_start3A_553 = tpu.memref_slice %arg4[%run_scoped3A_18, %mul3A_17] : memref<5x16384xi32, #tpu.memory_space<hbm>> -> memref<1x512xi32, #tpu.memory_space<hbm>>
      %dma_start3A_554 = tpu.memref_squeeze %dma_start3A_553 : memref<1x512xi32, #tpu.memory_space<hbm>> -> memref<512xi32, #tpu.memory_space<hbm>>
      %dma_start3A_555 = arith.constant 0 : i32
      %dma_start3A_556 = tpu.memref_slice %arg10[%run_scoped3A_19, %dma_start3A_555] : memref<5x512xi32, #tpu.memory_space<vmem>> -> memref<1x512xi32, #tpu.memory_space<vmem>>
      %dma_start3A_557 = tpu.memref_squeeze %dma_start3A_556 : memref<1x512xi32, #tpu.memory_space<vmem>> -> memref<512xi32, #tpu.memory_space<vmem>>
      %dma_start3A_558 = tpu.memref_slice %arg4[%run_scoped3A_18, %mul3A_17] : memref<5x16384xi32, #tpu.memory_space<hbm>> -> memref<1x512xi32, #tpu.memory_space<hbm>>
      %dma_start3A_559 = tpu.memref_squeeze %dma_start3A_558 : memref<1x512xi32, #tpu.memory_space<hbm>> -> memref<512xi32, #tpu.memory_space<hbm>>
      tpu.enqueue_dma source(%dma_start3A_559 : memref<512xi32, #tpu.memory_space<hbm>>) target(%dma_start3A_557 : memref<512xi32, #tpu.memory_space<vmem>>) target_semaphore(%run_scoped3A_549 : memref<!tpu.dma_semaphore, #tpu.memory_space<semaphore_mem>>)
      %dma_wait3A_560 = arith.constant 0 : i32
      %dma_wait3A_561 = tpu.memref_slice %arg10[%run_scoped3A_19, %dma_wait3A_560] : memref<5x512xi32, #tpu.memory_space<vmem>> -> memref<1x512xi32, #tpu.memory_space<vmem>>
      %dma_wait3A_562 = tpu.memref_squeeze %dma_wait3A_561 : memref<1x512xi32, #tpu.memory_space<vmem>> -> memref<512xi32, #tpu.memory_space<vmem>>
      %dma_wait3A_563 = tpu.memref_slice %arg4[%run_scoped3A_18, %mul3A_17] : memref<5x16384xi32, #tpu.memory_space<hbm>> -> memref<1x512xi32, #tpu.memory_space<hbm>>
      %dma_wait3A_564 = tpu.memref_squeeze %dma_wait3A_563 : memref<1x512xi32, #tpu.memory_space<hbm>> -> memref<512xi32, #tpu.memory_space<hbm>>
      %dma_wait3A_565 = arith.constant 0 : i32
      %dma_wait3A_566 = tpu.memref_slice %arg10[%run_scoped3A_19, %dma_wait3A_565] : memref<5x512xi32, #tpu.memory_space<vmem>> -> memref<1x512xi32, #tpu.memory_space<vmem>>
      %dma_wait3A_567 = tpu.memref_squeeze %dma_wait3A_566 : memref<1x512xi32, #tpu.memory_space<vmem>> -> memref<512xi32, #tpu.memory_space<vmem>>
      %dma_wait3A_568 = tpu.memref_slice %arg4[%run_scoped3A_18, %mul3A_17] : memref<5x16384xi32, #tpu.memory_space<hbm>> -> memref<1x512xi32, #tpu.memory_space<hbm>>
      %dma_wait3A_569 = tpu.memref_squeeze %dma_wait3A_568 : memref<1x512xi32, #tpu.memory_space<hbm>> -> memref<512xi32, #tpu.memory_space<hbm>>
      tpu.wait_dma2 semaphore(%run_scoped3A_549 : memref<!tpu.dma_semaphore, #tpu.memory_space<semaphore_mem>>) src(%dma_wait3A_569 : memref<512xi32, #tpu.memory_space<hbm>>) dst(%dma_wait3A_567 : memref<512xi32, #tpu.memory_space<vmem>>)
      tpu.yield
    }) : () -> ()
    %mul3A_20 = arith.constant 512 : i32
    %mul3A_21 = arith.muli %add3A, %mul3A_20 : i32
    %run_scoped3A_22 = arith.constant 4 : i32
    %run_scoped3A_23 = arith.constant 4 : i32
    "tpu.region"() ({
      %run_scoped3A_549 = tpu.sem_alloc : memref<!tpu.dma_semaphore, #tpu.memory_space<semaphore_mem>>
      %dma_start3A_550 = arith.constant 0 : i32
      %dma_start3A_551 = tpu.memref_slice %arg10[%run_scoped3A_23, %dma_start3A_550] : memref<5x512xi32, #tpu.memory_space<vmem>> -> memref<1x512xi32, #tpu.memory_space<vmem>>
      %dma_start3A_552 = tpu.memref_squeeze %dma_start3A_551 : memref<1x512xi32, #tpu.memory_space<vmem>> -> memref<512xi32, #tpu.memory_space<vmem>>
      %dma_start3A_553 = tpu.memref_slice %arg4[%run_scoped3A_22, %mul3A_21] : memref<5x16384xi32, #tpu.memory_space<hbm>> -> memref<1x512xi32, #tpu.memory_space<hbm>>
      %dma_start3A_554 = tpu.memref_squeeze %dma_start3A_553 : memref<1x512xi32, #tpu.memory_space<hbm>> -> memref<512xi32, #tpu.memory_space<hbm>>
      %dma_start3A_555 = arith.constant 0 : i32
      %dma_start3A_556 = tpu.memref_slice %arg10[%run_scoped3A_23, %dma_start3A_555] : memref<5x512xi32, #tpu.memory_space<vmem>> -> memref<1x512xi32, #tpu.memory_space<vmem>>
      %dma_start3A_557 = tpu.memref_squeeze %dma_start3A_556 : memref<1x512xi32, #tpu.memory_space<vmem>> -> memref<512xi32, #tpu.memory_space<vmem>>
      %dma_start3A_558 = tpu.memref_slice %arg4[%run_scoped3A_22, %mul3A_21] : memref<5x16384xi32, #tpu.memory_space<hbm>> -> memref<1x512xi32, #tpu.memory_space<hbm>>
      %dma_start3A_559 = tpu.memref_squeeze %dma_start3A_558 : memref<1x512xi32, #tpu.memory_space<hbm>> -> memref<512xi32, #tpu.memory_space<hbm>>
      tpu.enqueue_dma source(%dma_start3A_559 : memref<512xi32, #tpu.memory_space<hbm>>) target(%dma_start3A_557 : memref<512xi32, #tpu.memory_space<vmem>>) target_semaphore(%run_scoped3A_549 : memref<!tpu.dma_semaphore, #tpu.memory_space<semaphore_mem>>)
      %dma_wait3A_560 = arith.constant 0 : i32
      %dma_wait3A_561 = tpu.memref_slice %arg10[%run_scoped3A_23, %dma_wait3A_560] : memref<5x512xi32, #tpu.memory_space<vmem>> -> memref<1x512xi32, #tpu.memory_space<vmem>>
      %dma_wait3A_562 = tpu.memref_squeeze %dma_wait3A_561 : memref<1x512xi32, #tpu.memory_space<vmem>> -> memref<512xi32, #tpu.memory_space<vmem>>
      %dma_wait3A_563 = tpu.memref_slice %arg4[%run_scoped3A_22, %mul3A_21] : memref<5x16384xi32, #tpu.memory_space<hbm>> -> memref<1x512xi32, #tpu.memory_space<hbm>>
      %dma_wait3A_564 = tpu.memref_squeeze %dma_wait3A_563 : memref<1x512xi32, #tpu.memory_space<hbm>> -> memref<512xi32, #tpu.memory_space<hbm>>
      %dma_wait3A_565 = arith.constant 0 : i32
      %dma_wait3A_566 = tpu.memref_slice %arg10[%run_scoped3A_23, %dma_wait3A_565] : memref<5x512xi32, #tpu.memory_space<vmem>> -> memref<1x512xi32, #tpu.memory_space<vmem>>
      %dma_wait3A_567 = tpu.memref_squeeze %dma_wait3A_566 : memref<1x512xi32, #tpu.memory_space<vmem>> -> memref<512xi32, #tpu.memory_space<vmem>>
      %dma_wait3A_568 = tpu.memref_slice %arg4[%run_scoped3A_22, %mul3A_21] : memref<5x16384xi32, #tpu.memory_space<hbm>> -> memref<1x512xi32, #tpu.memory_space<hbm>>
      %dma_wait3A_569 = tpu.memref_squeeze %dma_wait3A_568 : memref<1x512xi32, #tpu.memory_space<hbm>> -> memref<512xi32, #tpu.memory_space<hbm>>
      tpu.wait_dma2 semaphore(%run_scoped3A_549 : memref<!tpu.dma_semaphore, #tpu.memory_space<semaphore_mem>>) src(%dma_wait3A_569 : memref<512xi32, #tpu.memory_space<hbm>>) dst(%dma_wait3A_567 : memref<512xi32, #tpu.memory_space<vmem>>)
      tpu.yield
    }) : () -> ()
    %iota3A = tpu.iota {dimensions = array<i32: 0>} : vector<16xi32>
    %dma_start3A = arith.constant 0 : i32
    %dma_start3A_24 = tpu.memref_slice %arg8[%dma_start3A] : memref<512xi32, #tpu.memory_space<vmem>> -> memref<128xi32, #tpu.memory_space<vmem>>
    %dma_start3A_25 = arith.constant 0 : i32
    %dma_start3A_26 = arith.constant 0 : i32
    %dma_start3A_27 = tpu.memref_slice %arg5[%dma_start3A_25, %dma_start3A_26] : memref<100000x64xf32, #tpu.memory_space<hbm>> -> memref<100000x64xf32, #tpu.memory_space<hbm>>
    tpu.enqueue_indirect_dma source(%dma_start3A_27 : memref<100000x64xf32, #tpu.memory_space<hbm>>) target(%arg11 : memref<128x64xf32, #tpu.memory_space<vmem>>) offsets(%dma_start3A_24 : memref<128xi32, #tpu.memory_space<vmem>>) semaphore(%arg18 : memref<!tpu.dma_semaphore, #tpu.memory_space<semaphore_mem>>)
    %dma_start3A_28 = arith.constant 0 : i32
    %dma_start3A_29 = tpu.memref_slice %arg9[%dma_start3A_28] : memref<512xi32, #tpu.memory_space<vmem>> -> memref<128xi32, #tpu.memory_space<vmem>>
    %dma_start3A_30 = arith.constant 0 : i32
    %dma_start3A_31 = arith.constant 0 : i32
    %dma_start3A_32 = tpu.memref_slice %arg6[%dma_start3A_30, %dma_start3A_31] : memref<100000x64xf32, #tpu.memory_space<hbm>> -> memref<100000x64xf32, #tpu.memory_space<hbm>>
    tpu.enqueue_indirect_dma source(%dma_start3A_32 : memref<100000x64xf32, #tpu.memory_space<hbm>>) target(%arg12 : memref<128x64xf32, #tpu.memory_space<vmem>>) offsets(%dma_start3A_29 : memref<128xi32, #tpu.memory_space<vmem>>) semaphore(%arg18 : memref<!tpu.dma_semaphore, #tpu.memory_space<semaphore_mem>>)
    %dma_start3A_33 = arith.constant 0 : i32
    %dma_start3A_34 = arith.constant 0 : i32
    %dma_start3A_35 = arith.constant 0 : i32
    %dma_start3A_36 = tpu.memref_slice %arg13[%dma_start3A_34, %dma_start3A_35] : memref<640x64xf32, #tpu.memory_space<vmem>> -> memref<128x64xf32, #tpu.memory_space<vmem>>
    %dma_start3A_37 = arith.constant 0 : i32
    %dma_start3A_38 = tpu.memref_slice %arg10[%dma_start3A_33, %dma_start3A_37] : memref<5x512xi32, #tpu.memory_space<vmem>> -> memref<1x128xi32, #tpu.memory_space<vmem>>
    %dma_start3A_39 = tpu.memref_squeeze %dma_start3A_38 : memref<1x128xi32, #tpu.memory_space<vmem>> -> memref<128xi32, #tpu.memory_space<vmem>>
    %dma_start3A_40 = arith.constant 0 : i32
    %dma_start3A_41 = arith.constant 0 : i32
    %dma_start3A_42 = tpu.memref_slice %arg6[%dma_start3A_40, %dma_start3A_41] : memref<100000x64xf32, #tpu.memory_space<hbm>> -> memref<100000x64xf32, #tpu.memory_space<hbm>>
    tpu.enqueue_indirect_dma source(%dma_start3A_42 : memref<100000x64xf32, #tpu.memory_space<hbm>>) target(%dma_start3A_36 : memref<128x64xf32, #tpu.memory_space<vmem>>) offsets(%dma_start3A_39 : memref<128xi32, #tpu.memory_space<vmem>>) semaphore(%arg18 : memref<!tpu.dma_semaphore, #tpu.memory_space<semaphore_mem>>)
    %dma_start3A_43 = arith.constant 1 : i32
    %dma_start3A_44 = arith.constant 128 : i32
    %dma_start3A_45 = arith.constant 0 : i32
    %dma_start3A_46 = tpu.memref_slice %arg13[%dma_start3A_44, %dma_start3A_45] : memref<640x64xf32, #tpu.memory_space<vmem>> -> memref<128x64xf32, #tpu.memory_space<vmem>>
    %dma_start3A_47 = arith.constant 0 : i32
    %dma_start3A_48 = tpu.memref_slice %arg10[%dma_start3A_43, %dma_start3A_47] : memref<5x512xi32, #tpu.memory_space<vmem>> -> memref<1x128xi32, #tpu.memory_space<vmem>>
    %dma_start3A_49 = tpu.memref_squeeze %dma_start3A_48 : memref<1x128xi32, #tpu.memory_space<vmem>> -> memref<128xi32, #tpu.memory_space<vmem>>
    %dma_start3A_50 = arith.constant 0 : i32
    %dma_start3A_51 = arith.constant 0 : i32
    %dma_start3A_52 = tpu.memref_slice %arg6[%dma_start3A_50, %dma_start3A_51] : memref<100000x64xf32, #tpu.memory_space<hbm>> -> memref<100000x64xf32, #tpu.memory_space<hbm>>
    tpu.enqueue_indirect_dma source(%dma_start3A_52 : memref<100000x64xf32, #tpu.memory_space<hbm>>) target(%dma_start3A_46 : memref<128x64xf32, #tpu.memory_space<vmem>>) offsets(%dma_start3A_49 : memref<128xi32, #tpu.memory_space<vmem>>) semaphore(%arg18 : memref<!tpu.dma_semaphore, #tpu.memory_space<semaphore_mem>>)
    %dma_start3A_53 = arith.constant 2 : i32
    %dma_start3A_54 = arith.constant 256 : i32
    %dma_start3A_55 = arith.constant 0 : i32
    %dma_start3A_56 = tpu.memref_slice %arg13[%dma_start3A_54, %dma_start3A_55] : memref<640x64xf32, #tpu.memory_space<vmem>> -> memref<128x64xf32, #tpu.memory_space<vmem>>
    %dma_start3A_57 = arith.constant 0 : i32
    %dma_start3A_58 = tpu.memref_slice %arg10[%dma_start3A_53, %dma_start3A_57] : memref<5x512xi32, #tpu.memory_space<vmem>> -> memref<1x128xi32, #tpu.memory_space<vmem>>
    %dma_start3A_59 = tpu.memref_squeeze %dma_start3A_58 : memref<1x128xi32, #tpu.memory_space<vmem>> -> memref<128xi32, #tpu.memory_space<vmem>>
    %dma_start3A_60 = arith.constant 0 : i32
    %dma_start3A_61 = arith.constant 0 : i32
    %dma_start3A_62 = tpu.memref_slice %arg6[%dma_start3A_60, %dma_start3A_61] : memref<100000x64xf32, #tpu.memory_space<hbm>> -> memref<100000x64xf32, #tpu.memory_space<hbm>>
    tpu.enqueue_indirect_dma source(%dma_start3A_62 : memref<100000x64xf32, #tpu.memory_space<hbm>>) target(%dma_start3A_56 : memref<128x64xf32, #tpu.memory_space<vmem>>) offsets(%dma_start3A_59 : memref<128xi32, #tpu.memory_space<vmem>>) semaphore(%arg18 : memref<!tpu.dma_semaphore, #tpu.memory_space<semaphore_mem>>)
    %dma_start3A_63 = arith.constant 3 : i32
    %dma_start3A_64 = arith.constant 384 : i32
    %dma_start3A_65 = arith.constant 0 : i32
    %dma_start3A_66 = tpu.memref_slice %arg13[%dma_start3A_64, %dma_start3A_65] : memref<640x64xf32, #tpu.memory_space<vmem>> -> memref<128x64xf32, #tpu.memory_space<vmem>>
    %dma_start3A_67 = arith.constant 0 : i32
    %dma_start3A_68 = tpu.memref_slice %arg10[%dma_start3A_63, %dma_start3A_67] : memref<5x512xi32, #tpu.memory_space<vmem>> -> memref<1x128xi32, #tpu.memory_space<vmem>>
    %dma_start3A_69 = tpu.memref_squeeze %dma_start3A_68 : memref<1x128xi32, #tpu.memory_space<vmem>> -> memref<128xi32, #tpu.memory_space<vmem>>
    %dma_start3A_70 = arith.constant 0 : i32
    %dma_start3A_71 = arith.constant 0 : i32
    %dma_start3A_72 = tpu.memref_slice %arg6[%dma_start3A_70, %dma_start3A_71] : memref<100000x64xf32, #tpu.memory_space<hbm>> -> memref<100000x64xf32, #tpu.memory_space<hbm>>
    tpu.enqueue_indirect_dma source(%dma_start3A_72 : memref<100000x64xf32, #tpu.memory_space<hbm>>) target(%dma_start3A_66 : memref<128x64xf32, #tpu.memory_space<vmem>>) offsets(%dma_start3A_69 : memref<128xi32, #tpu.memory_space<vmem>>) semaphore(%arg18 : memref<!tpu.dma_semaphore, #tpu.memory_space<semaphore_mem>>)
    %dma_start3A_73 = arith.constant 4 : i32
    %dma_start3A_74 = arith.constant 512 : i32
    %dma_start3A_75 = arith.constant 0 : i32
    %dma_start3A_76 = tpu.memref_slice %arg13[%dma_start3A_74, %dma_start3A_75] : memref<640x64xf32, #tpu.memory_space<vmem>> -> memref<128x64xf32, #tpu.memory_space<vmem>>
    %dma_start3A_77 = arith.constant 0 : i32
    %dma_start3A_78 = tpu.memref_slice %arg10[%dma_start3A_73, %dma_start3A_77] : memref<5x512xi32, #tpu.memory_space<vmem>> -> memref<1x128xi32, #tpu.memory_space<vmem>>
    %dma_start3A_79 = tpu.memref_squeeze %dma_start3A_78 : memref<1x128xi32, #tpu.memory_space<vmem>> -> memref<128xi32, #tpu.memory_space<vmem>>
    %dma_start3A_80 = arith.constant 0 : i32
    %dma_start3A_81 = arith.constant 0 : i32
    %dma_start3A_82 = tpu.memref_slice %arg6[%dma_start3A_80, %dma_start3A_81] : memref<100000x64xf32, #tpu.memory_space<hbm>> -> memref<100000x64xf32, #tpu.memory_space<hbm>>
    tpu.enqueue_indirect_dma source(%dma_start3A_82 : memref<100000x64xf32, #tpu.memory_space<hbm>>) target(%dma_start3A_76 : memref<128x64xf32, #tpu.memory_space<vmem>>) offsets(%dma_start3A_79 : memref<128xi32, #tpu.memory_space<vmem>>) semaphore(%arg18 : memref<!tpu.dma_semaphore, #tpu.memory_space<semaphore_mem>>)
    %dma_wait3A = arith.constant 0 : i32
    %dma_wait3A_83 = tpu.memref_slice %arg8[%dma_wait3A] : memref<512xi32, #tpu.memory_space<vmem>> -> memref<128xi32, #tpu.memory_space<vmem>>
    %dma_wait3A_84 = arith.constant 0 : i32
    %dma_wait3A_85 = arith.constant 0 : i32
    %dma_wait3A_86 = tpu.memref_slice %arg5[%dma_wait3A_84, %dma_wait3A_85] : memref<100000x64xf32, #tpu.memory_space<hbm>> -> memref<100000x64xf32, #tpu.memory_space<hbm>>
    tpu.wait_indirect_dma semaphore(%arg18 : memref<!tpu.dma_semaphore, #tpu.memory_space<semaphore_mem>>) src(%dma_wait3A_86 : memref<100000x64xf32, #tpu.memory_space<hbm>>) dst(%arg11 : memref<128x64xf32, #tpu.memory_space<vmem>>)
    %dma_wait3A_87 = arith.constant 0 : i32
    %dma_wait3A_88 = tpu.memref_slice %arg9[%dma_wait3A_87] : memref<512xi32, #tpu.memory_space<vmem>> -> memref<128xi32, #tpu.memory_space<vmem>>
    %dma_wait3A_89 = arith.constant 0 : i32
    %dma_wait3A_90 = arith.constant 0 : i32
    %dma_wait3A_91 = tpu.memref_slice %arg6[%dma_wait3A_89, %dma_wait3A_90] : memref<100000x64xf32, #tpu.memory_space<hbm>> -> memref<100000x64xf32, #tpu.memory_space<hbm>>
    tpu.wait_indirect_dma semaphore(%arg18 : memref<!tpu.dma_semaphore, #tpu.memory_space<semaphore_mem>>) src(%dma_wait3A_91 : memref<100000x64xf32, #tpu.memory_space<hbm>>) dst(%arg12 : memref<128x64xf32, #tpu.memory_space<vmem>>)
    %dma_wait3A_92 = arith.constant 0 : i32
    %dma_wait3A_93 = arith.constant 0 : i32
    %dma_wait3A_94 = arith.constant 0 : i32
    %dma_wait3A_95 = tpu.memref_slice %arg13[%dma_wait3A_93, %dma_wait3A_94] : memref<640x64xf32, #tpu.memory_space<vmem>> -> memref<128x64xf32, #tpu.memory_space<vmem>>
    %dma_wait3A_96 = arith.constant 0 : i32
    %dma_wait3A_97 = tpu.memref_slice %arg10[%dma_wait3A_92, %dma_wait3A_96] : memref<5x512xi32, #tpu.memory_space<vmem>> -> memref<1x128xi32, #tpu.memory_space<vmem>>
    %dma_wait3A_98 = tpu.memref_squeeze %dma_wait3A_97 : memref<1x128xi32, #tpu.memory_space<vmem>> -> memref<128xi32, #tpu.memory_space<vmem>>
    %dma_wait3A_99 = arith.constant 0 : i32
    %dma_wait3A_100 = arith.constant 0 : i32
    %dma_wait3A_101 = tpu.memref_slice %arg6[%dma_wait3A_99, %dma_wait3A_100] : memref<100000x64xf32, #tpu.memory_space<hbm>> -> memref<100000x64xf32, #tpu.memory_space<hbm>>
    tpu.wait_indirect_dma semaphore(%arg18 : memref<!tpu.dma_semaphore, #tpu.memory_space<semaphore_mem>>) src(%dma_wait3A_101 : memref<100000x64xf32, #tpu.memory_space<hbm>>) dst(%dma_wait3A_95 : memref<128x64xf32, #tpu.memory_space<vmem>>)
    %dma_wait3A_102 = arith.constant 1 : i32
    %dma_wait3A_103 = arith.constant 128 : i32
    %dma_wait3A_104 = arith.constant 0 : i32
    %dma_wait3A_105 = tpu.memref_slice %arg13[%dma_wait3A_103, %dma_wait3A_104] : memref<640x64xf32, #tpu.memory_space<vmem>> -> memref<128x64xf32, #tpu.memory_space<vmem>>
    %dma_wait3A_106 = arith.constant 0 : i32
    %dma_wait3A_107 = tpu.memref_slice %arg10[%dma_wait3A_102, %dma_wait3A_106] : memref<5x512xi32, #tpu.memory_space<vmem>> -> memref<1x128xi32, #tpu.memory_space<vmem>>
    %dma_wait3A_108 = tpu.memref_squeeze %dma_wait3A_107 : memref<1x128xi32, #tpu.memory_space<vmem>> -> memref<128xi32, #tpu.memory_space<vmem>>
    %dma_wait3A_109 = arith.constant 0 : i32
    %dma_wait3A_110 = arith.constant 0 : i32
    %dma_wait3A_111 = tpu.memref_slice %arg6[%dma_wait3A_109, %dma_wait3A_110] : memref<100000x64xf32, #tpu.memory_space<hbm>> -> memref<100000x64xf32, #tpu.memory_space<hbm>>
    tpu.wait_indirect_dma semaphore(%arg18 : memref<!tpu.dma_semaphore, #tpu.memory_space<semaphore_mem>>) src(%dma_wait3A_111 : memref<100000x64xf32, #tpu.memory_space<hbm>>) dst(%dma_wait3A_105 : memref<128x64xf32, #tpu.memory_space<vmem>>)
    %dma_wait3A_112 = arith.constant 2 : i32
    %dma_wait3A_113 = arith.constant 256 : i32
    %dma_wait3A_114 = arith.constant 0 : i32
    %dma_wait3A_115 = tpu.memref_slice %arg13[%dma_wait3A_113, %dma_wait3A_114] : memref<640x64xf32, #tpu.memory_space<vmem>> -> memref<128x64xf32, #tpu.memory_space<vmem>>
    %dma_wait3A_116 = arith.constant 0 : i32
    %dma_wait3A_117 = tpu.memref_slice %arg10[%dma_wait3A_112, %dma_wait3A_116] : memref<5x512xi32, #tpu.memory_space<vmem>> -> memref<1x128xi32, #tpu.memory_space<vmem>>
    %dma_wait3A_118 = tpu.memref_squeeze %dma_wait3A_117 : memref<1x128xi32, #tpu.memory_space<vmem>> -> memref<128xi32, #tpu.memory_space<vmem>>
    %dma_wait3A_119 = arith.constant 0 : i32
    %dma_wait3A_120 = arith.constant 0 : i32
    %dma_wait3A_121 = tpu.memref_slice %arg6[%dma_wait3A_119, %dma_wait3A_120] : memref<100000x64xf32, #tpu.memory_space<hbm>> -> memref<100000x64xf32, #tpu.memory_space<hbm>>
    tpu.wait_indirect_dma semaphore(%arg18 : memref<!tpu.dma_semaphore, #tpu.memory_space<semaphore_mem>>) src(%dma_wait3A_121 : memref<100000x64xf32, #tpu.memory_space<hbm>>) dst(%dma_wait3A_115 : memref<128x64xf32, #tpu.memory_space<vmem>>)
    %dma_wait3A_122 = arith.constant 3 : i32
    %dma_wait3A_123 = arith.constant 384 : i32
    %dma_wait3A_124 = arith.constant 0 : i32
    %dma_wait3A_125 = tpu.memref_slice %arg13[%dma_wait3A_123, %dma_wait3A_124] : memref<640x64xf32, #tpu.memory_space<vmem>> -> memref<128x64xf32, #tpu.memory_space<vmem>>
    %dma_wait3A_126 = arith.constant 0 : i32
    %dma_wait3A_127 = tpu.memref_slice %arg10[%dma_wait3A_122, %dma_wait3A_126] : memref<5x512xi32, #tpu.memory_space<vmem>> -> memref<1x128xi32, #tpu.memory_space<vmem>>
    %dma_wait3A_128 = tpu.memref_squeeze %dma_wait3A_127 : memref<1x128xi32, #tpu.memory_space<vmem>> -> memref<128xi32, #tpu.memory_space<vmem>>
    %dma_wait3A_129 = arith.constant 0 : i32
    %dma_wait3A_130 = arith.constant 0 : i32
    %dma_wait3A_131 = tpu.memref_slice %arg6[%dma_wait3A_129, %dma_wait3A_130] : memref<100000x64xf32, #tpu.memory_space<hbm>> -> memref<100000x64xf32, #tpu.memory_space<hbm>>
    tpu.wait_indirect_dma semaphore(%arg18 : memref<!tpu.dma_semaphore, #tpu.memory_space<semaphore_mem>>) src(%dma_wait3A_131 : memref<100000x64xf32, #tpu.memory_space<hbm>>) dst(%dma_wait3A_125 : memref<128x64xf32, #tpu.memory_space<vmem>>)
    %dma_wait3A_132 = arith.constant 4 : i32
    %dma_wait3A_133 = arith.constant 512 : i32
    %dma_wait3A_134 = arith.constant 0 : i32
    %dma_wait3A_135 = tpu.memref_slice %arg13[%dma_wait3A_133, %dma_wait3A_134] : memref<640x64xf32, #tpu.memory_space<vmem>> -> memref<128x64xf32, #tpu.memory_space<vmem>>
    %dma_wait3A_136 = arith.constant 0 : i32
    %dma_wait3A_137 = tpu.memref_slice %arg10[%dma_wait3A_132, %dma_wait3A_136] : memref<5x512xi32, #tpu.memory_space<vmem>> -> memref<1x128xi32, #tpu.memory_space<vmem>>
    %dma_wait3A_138 = tpu.memref_squeeze %dma_wait3A_137 : memref<1x128xi32, #tpu.memory_space<vmem>> -> memref<128xi32, #tpu.memory_space<vmem>>
    %dma_wait3A_139 = arith.constant 0 : i32
    %dma_wait3A_140 = arith.constant 0 : i32
    %dma_wait3A_141 = tpu.memref_slice %arg6[%dma_wait3A_139, %dma_wait3A_140] : memref<100000x64xf32, #tpu.memory_space<hbm>> -> memref<100000x64xf32, #tpu.memory_space<hbm>>
    tpu.wait_indirect_dma semaphore(%arg18 : memref<!tpu.dma_semaphore, #tpu.memory_space<semaphore_mem>>) src(%dma_wait3A_141 : memref<100000x64xf32, #tpu.memory_space<hbm>>) dst(%dma_wait3A_135 : memref<128x64xf32, #tpu.memory_space<vmem>>)
    %dma_start3A_142 = arith.constant 128 : i32
    %dma_start3A_143 = tpu.memref_slice %arg8[%dma_start3A_142] : memref<512xi32, #tpu.memory_space<vmem>> -> memref<128xi32, #tpu.memory_space<vmem>>
    %dma_start3A_144 = arith.constant 0 : i32
    %dma_start3A_145 = arith.constant 0 : i32
    %dma_start3A_146 = tpu.memref_slice %arg5[%dma_start3A_144, %dma_start3A_145] : memref<100000x64xf32, #tpu.memory_space<hbm>> -> memref<100000x64xf32, #tpu.memory_space<hbm>>
    tpu.enqueue_indirect_dma source(%dma_start3A_146 : memref<100000x64xf32, #tpu.memory_space<hbm>>) target(%arg14 : memref<128x64xf32, #tpu.memory_space<vmem>>) offsets(%dma_start3A_143 : memref<128xi32, #tpu.memory_space<vmem>>) semaphore(%arg19 : memref<!tpu.dma_semaphore, #tpu.memory_space<semaphore_mem>>)
    %dma_start3A_147 = arith.constant 128 : i32
    %dma_start3A_148 = tpu.memref_slice %arg9[%dma_start3A_147] : memref<512xi32, #tpu.memory_space<vmem>> -> memref<128xi32, #tpu.memory_space<vmem>>
    %dma_start3A_149 = arith.constant 0 : i32
    %dma_start3A_150 = arith.constant 0 : i32
    %dma_start3A_151 = tpu.memref_slice %arg6[%dma_start3A_149, %dma_start3A_150] : memref<100000x64xf32, #tpu.memory_space<hbm>> -> memref<100000x64xf32, #tpu.memory_space<hbm>>
    tpu.enqueue_indirect_dma source(%dma_start3A_151 : memref<100000x64xf32, #tpu.memory_space<hbm>>) target(%arg15 : memref<128x64xf32, #tpu.memory_space<vmem>>) offsets(%dma_start3A_148 : memref<128xi32, #tpu.memory_space<vmem>>) semaphore(%arg19 : memref<!tpu.dma_semaphore, #tpu.memory_space<semaphore_mem>>)
    %dma_start3A_152 = arith.constant 0 : i32
    %dma_start3A_153 = arith.constant 0 : i32
    %dma_start3A_154 = arith.constant 0 : i32
    %dma_start3A_155 = tpu.memref_slice %arg16[%dma_start3A_153, %dma_start3A_154] : memref<640x64xf32, #tpu.memory_space<vmem>> -> memref<128x64xf32, #tpu.memory_space<vmem>>
    %dma_start3A_156 = arith.constant 128 : i32
    %dma_start3A_157 = tpu.memref_slice %arg10[%dma_start3A_152, %dma_start3A_156] : memref<5x512xi32, #tpu.memory_space<vmem>> -> memref<1x128xi32, #tpu.memory_space<vmem>>
    %dma_start3A_158 = tpu.memref_squeeze %dma_start3A_157 : memref<1x128xi32, #tpu.memory_space<vmem>> -> memref<128xi32, #tpu.memory_space<vmem>>
    %dma_start3A_159 = arith.constant 0 : i32
    %dma_start3A_160 = arith.constant 0 : i32
    %dma_start3A_161 = tpu.memref_slice %arg6[%dma_start3A_159, %dma_start3A_160] : memref<100000x64xf32, #tpu.memory_space<hbm>> -> memref<100000x64xf32, #tpu.memory_space<hbm>>
    tpu.enqueue_indirect_dma source(%dma_start3A_161 : memref<100000x64xf32, #tpu.memory_space<hbm>>) target(%dma_start3A_155 : memref<128x64xf32, #tpu.memory_space<vmem>>) offsets(%dma_start3A_158 : memref<128xi32, #tpu.memory_space<vmem>>) semaphore(%arg19 : memref<!tpu.dma_semaphore, #tpu.memory_space<semaphore_mem>>)
    %dma_start3A_162 = arith.constant 1 : i32
    %dma_start3A_163 = arith.constant 128 : i32
    %dma_start3A_164 = arith.constant 0 : i32
    %dma_start3A_165 = tpu.memref_slice %arg16[%dma_start3A_163, %dma_start3A_164] : memref<640x64xf32, #tpu.memory_space<vmem>> -> memref<128x64xf32, #tpu.memory_space<vmem>>
    %dma_start3A_166 = arith.constant 128 : i32
    %dma_start3A_167 = tpu.memref_slice %arg10[%dma_start3A_162, %dma_start3A_166] : memref<5x512xi32, #tpu.memory_space<vmem>> -> memref<1x128xi32, #tpu.memory_space<vmem>>
    %dma_start3A_168 = tpu.memref_squeeze %dma_start3A_167 : memref<1x128xi32, #tpu.memory_space<vmem>> -> memref<128xi32, #tpu.memory_space<vmem>>
    %dma_start3A_169 = arith.constant 0 : i32
    %dma_start3A_170 = arith.constant 0 : i32
    %dma_start3A_171 = tpu.memref_slice %arg6[%dma_start3A_169, %dma_start3A_170] : memref<100000x64xf32, #tpu.memory_space<hbm>> -> memref<100000x64xf32, #tpu.memory_space<hbm>>
    tpu.enqueue_indirect_dma source(%dma_start3A_171 : memref<100000x64xf32, #tpu.memory_space<hbm>>) target(%dma_start3A_165 : memref<128x64xf32, #tpu.memory_space<vmem>>) offsets(%dma_start3A_168 : memref<128xi32, #tpu.memory_space<vmem>>) semaphore(%arg19 : memref<!tpu.dma_semaphore, #tpu.memory_space<semaphore_mem>>)
    %dma_start3A_172 = arith.constant 2 : i32
    %dma_start3A_173 = arith.constant 256 : i32
    %dma_start3A_174 = arith.constant 0 : i32
    %dma_start3A_175 = tpu.memref_slice %arg16[%dma_start3A_173, %dma_start3A_174] : memref<640x64xf32, #tpu.memory_space<vmem>> -> memref<128x64xf32, #tpu.memory_space<vmem>>
    %dma_start3A_176 = arith.constant 128 : i32
    %dma_start3A_177 = tpu.memref_slice %arg10[%dma_start3A_172, %dma_start3A_176] : memref<5x512xi32, #tpu.memory_space<vmem>> -> memref<1x128xi32, #tpu.memory_space<vmem>>
    %dma_start3A_178 = tpu.memref_squeeze %dma_start3A_177 : memref<1x128xi32, #tpu.memory_space<vmem>> -> memref<128xi32, #tpu.memory_space<vmem>>
    %dma_start3A_179 = arith.constant 0 : i32
    %dma_start3A_180 = arith.constant 0 : i32
    %dma_start3A_181 = tpu.memref_slice %arg6[%dma_start3A_179, %dma_start3A_180] : memref<100000x64xf32, #tpu.memory_space<hbm>> -> memref<100000x64xf32, #tpu.memory_space<hbm>>
    tpu.enqueue_indirect_dma source(%dma_start3A_181 : memref<100000x64xf32, #tpu.memory_space<hbm>>) target(%dma_start3A_175 : memref<128x64xf32, #tpu.memory_space<vmem>>) offsets(%dma_start3A_178 : memref<128xi32, #tpu.memory_space<vmem>>) semaphore(%arg19 : memref<!tpu.dma_semaphore, #tpu.memory_space<semaphore_mem>>)
    %dma_start3A_182 = arith.constant 3 : i32
    %dma_start3A_183 = arith.constant 384 : i32
    %dma_start3A_184 = arith.constant 0 : i32
    %dma_start3A_185 = tpu.memref_slice %arg16[%dma_start3A_183, %dma_start3A_184] : memref<640x64xf32, #tpu.memory_space<vmem>> -> memref<128x64xf32, #tpu.memory_space<vmem>>
    %dma_start3A_186 = arith.constant 128 : i32
    %dma_start3A_187 = tpu.memref_slice %arg10[%dma_start3A_182, %dma_start3A_186] : memref<5x512xi32, #tpu.memory_space<vmem>> -> memref<1x128xi32, #tpu.memory_space<vmem>>
    %dma_start3A_188 = tpu.memref_squeeze %dma_start3A_187 : memref<1x128xi32, #tpu.memory_space<vmem>> -> memref<128xi32, #tpu.memory_space<vmem>>
    %dma_start3A_189 = arith.constant 0 : i32
    %dma_start3A_190 = arith.constant 0 : i32
    %dma_start3A_191 = tpu.memref_slice %arg6[%dma_start3A_189, %dma_start3A_190] : memref<100000x64xf32, #tpu.memory_space<hbm>> -> memref<100000x64xf32, #tpu.memory_space<hbm>>
    tpu.enqueue_indirect_dma source(%dma_start3A_191 : memref<100000x64xf32, #tpu.memory_space<hbm>>) target(%dma_start3A_185 : memref<128x64xf32, #tpu.memory_space<vmem>>) offsets(%dma_start3A_188 : memref<128xi32, #tpu.memory_space<vmem>>) semaphore(%arg19 : memref<!tpu.dma_semaphore, #tpu.memory_space<semaphore_mem>>)
    %dma_start3A_192 = arith.constant 4 : i32
    %dma_start3A_193 = arith.constant 512 : i32
    %dma_start3A_194 = arith.constant 0 : i32
    %dma_start3A_195 = tpu.memref_slice %arg16[%dma_start3A_193, %dma_start3A_194] : memref<640x64xf32, #tpu.memory_space<vmem>> -> memref<128x64xf32, #tpu.memory_space<vmem>>
    %dma_start3A_196 = arith.constant 128 : i32
    %dma_start3A_197 = tpu.memref_slice %arg10[%dma_start3A_192, %dma_start3A_196] : memref<5x512xi32, #tpu.memory_space<vmem>> -> memref<1x128xi32, #tpu.memory_space<vmem>>
    %dma_start3A_198 = tpu.memref_squeeze %dma_start3A_197 : memref<1x128xi32, #tpu.memory_space<vmem>> -> memref<128xi32, #tpu.memory_space<vmem>>
    %dma_start3A_199 = arith.constant 0 : i32
    %dma_start3A_200 = arith.constant 0 : i32
    %dma_start3A_201 = tpu.memref_slice %arg6[%dma_start3A_199, %dma_start3A_200] : memref<100000x64xf32, #tpu.memory_space<hbm>> -> memref<100000x64xf32, #tpu.memory_space<hbm>>
    tpu.enqueue_indirect_dma source(%dma_start3A_201 : memref<100000x64xf32, #tpu.memory_space<hbm>>) target(%dma_start3A_195 : memref<128x64xf32, #tpu.memory_space<vmem>>) offsets(%dma_start3A_198 : memref<128xi32, #tpu.memory_space<vmem>>) semaphore(%arg19 : memref<!tpu.dma_semaphore, #tpu.memory_space<semaphore_mem>>)
    %scan3A = arith.constant 0 : i32
    %scan3A_202 = arith.constant 0 : i32
    %scan3A_203 = arith.constant 8 : i32
    %scan3A_204 = arith.addi %scan3A_202, %scan3A_203 : i32
    %scan3A_205 = arith.constant 1 : i32
    scf.for %scan3A_549 = %scan3A_202 to %scan3A_204 step %scan3A_205  : i32 {
      %mul3A_550 = arith.constant 16 : i32
      %mul3A_551 = arith.muli %scan3A_549, %mul3A_550 : i32
      %add3A_552 = vector.broadcast %mul3A_551 : i32 to vector<16xi32>
      %add3A_553 = arith.addi %add3A_552, %iota3A : vector<16xi32>
      %add3A_554 = arith.constant 0 : i32
      %add3A_555 = vector.broadcast %add3A_554 : i32 to vector<16xi32>
      %add3A_556 = arith.addi %add3A_553, %add3A_555 : vector<16xi32>
      %add3A_557 = arith.constant 128 : i32
      %add3A_558 = vector.broadcast %add3A_557 : i32 to vector<16xi32>
      %add3A_559 = arith.addi %add3A_553, %add3A_558 : vector<16xi32>
      %add3A_560 = arith.constant 256 : i32
      %add3A_561 = vector.broadcast %add3A_560 : i32 to vector<16xi32>
      %add3A_562 = arith.addi %add3A_553, %add3A_561 : vector<16xi32>
      %add3A_563 = arith.constant 384 : i32
      %add3A_564 = vector.broadcast %add3A_563 : i32 to vector<16xi32>
      %add3A_565 = arith.addi %add3A_553, %add3A_564 : vector<16xi32>
      %add3A_566 = arith.constant 512 : i32
      %add3A_567 = vector.broadcast %add3A_566 : i32 to vector<16xi32>
      %add3A_568 = arith.addi %add3A_553, %add3A_567 : vector<16xi32>
      %broadcast_in_dim3A = arith.constant 0.000000e+00 : f32
      %broadcast_in_dim3A_569 = vector.broadcast %broadcast_in_dim3A : f32 to vector<16xf32>
      %scan3A_570 = arith.constant 0 : i32
      %scan3A_571 = arith.constant 16 : i32
      %scan3A_572 = arith.addi %scan3A_570, %scan3A_571 : i32
      %scan3A_573 = arith.constant 1 : i32
      %scan3A_574:6 = scf.for %scan3A_603 = %scan3A_570 to %scan3A_572 step %scan3A_573 iter_args(%scan3A_604 = %broadcast_in_dim3A_569, %scan3A_605 = %broadcast_in_dim3A_569, %scan3A_606 = %broadcast_in_dim3A_569, %scan3A_607 = %broadcast_in_dim3A_569, %scan3A_608 = %broadcast_in_dim3A_569, %scan3A_609 = %broadcast_in_dim3A_569) -> (vector<16xf32>, vector<16xf32>, vector<16xf32>, vector<16xf32>, vector<16xf32>, vector<16xf32>)  : i32 {
        %mul3A_610 = arith.constant 4 : i32
        %mul3A_611 = arith.muli %scan3A_603, %mul3A_610 : i32
        %add3A_612 = arith.constant 0 : i32
        %add3A_613 = arith.addi %mul3A_611, %add3A_612 : i32
        %broadcast_in_dim3A_614 = vector.broadcast %add3A_613 : i32 to vector<16xi32>
        %add3A_615 = arith.addi %broadcast_in_dim3A_614, %iota3A : vector<16xi32>
        %and3A = arith.constant 63 : i32
        %and3A_616 = vector.broadcast %and3A : i32 to vector<16xi32>
        %and3A_617 = arith.andi %add3A_615, %and3A_616 : vector<16xi32>
        %gather3A = tpu.vector_load_idx %arg11[%add3A_553, %and3A_617] : memref<128x64xf32, #tpu.memory_space<vmem>>[vector<16xi32>, vector<16xi32>], vector<16xf32>,
        %gather3A_618 = tpu.vector_load_idx %arg12[%add3A_553, %and3A_617] : memref<128x64xf32, #tpu.memory_space<vmem>>[vector<16xi32>, vector<16xi32>], vector<16xf32>,
        %mul3A_619 = arith.mulf %gather3A, %gather3A_618 : vector<16xf32>
        %add3A_620 = arith.addf %scan3A_604, %mul3A_619 : vector<16xf32>
        %gather3A_621 = tpu.vector_load_idx %arg13[%add3A_556, %and3A_617] : memref<640x64xf32, #tpu.memory_space<vmem>>[vector<16xi32>, vector<16xi32>], vector<16xf32>,
        %mul3A_622 = arith.mulf %gather3A, %gather3A_621 : vector<16xf32>
        %add3A_623 = arith.addf %scan3A_605, %mul3A_622 : vector<16xf32>
        %gather3A_624 = tpu.vector_load_idx %arg13[%add3A_559, %and3A_617] : memref<640x64xf32, #tpu.memory_space<vmem>>[vector<16xi32>, vector<16xi32>], vector<16xf32>,
        %mul3A_625 = arith.mulf %gather3A, %gather3A_624 : vector<16xf32>
        %add3A_626 = arith.addf %scan3A_606, %mul3A_625 : vector<16xf32>
        %gather3A_627 = tpu.vector_load_idx %arg13[%add3A_562, %and3A_617] : memref<640x64xf32, #tpu.memory_space<vmem>>[vector<16xi32>, vector<16xi32>], vector<16xf32>,
        %mul3A_628 = arith.mulf %gather3A, %gather3A_627 : vector<16xf32>
        %add3A_629 = arith.addf %scan3A_607, %mul3A_628 : vector<16xf32>
        %gather3A_630 = tpu.vector_load_idx %arg13[%add3A_565, %and3A_617] : memref<640x64xf32, #tpu.memory_space<vmem>>[vector<16xi32>, vector<16xi32>], vector<16xf32>,
        %mul3A_631 = arith.mulf %gather3A, %gather3A_630 : vector<16xf32>
        %add3A_632 = arith.addf %scan3A_608, %mul3A_631 : vector<16xf32>
        %gather3A_633 = tpu.vector_load_idx %arg13[%add3A_568, %and3A_617] : memref<640x64xf32, #tpu.memory_space<vmem>>[vector<16xi32>, vector<16xi32>], vector<16xf32>,
        %mul3A_634 = arith.mulf %gather3A, %gather3A_633 : vector<16xf32>
        %add3A_635 = arith.addf %scan3A_609, %mul3A_634 : vector<16xf32>
        %add3A_636 = arith.constant 1 : i32
        %add3A_637 = arith.addi %mul3A_611, %add3A_636 : i32
        %broadcast_in_dim3A_638 = vector.broadcast %add3A_637 : i32 to vector<16xi32>
        %add3A_639 = arith.addi %broadcast_in_dim3A_638, %iota3A : vector<16xi32>
        %and3A_640 = arith.constant 63 : i32
        %and3A_641 = vector.broadcast %and3A_640 : i32 to vector<16xi32>
        %and3A_642 = arith.andi %add3A_639, %and3A_641 : vector<16xi32>
        %gather3A_643 = tpu.vector_load_idx %arg11[%add3A_553, %and3A_642] : memref<128x64xf32, #tpu.memory_space<vmem>>[vector<16xi32>, vector<16xi32>], vector<16xf32>,
        %gather3A_644 = tpu.vector_load_idx %arg12[%add3A_553, %and3A_642] : memref<128x64xf32, #tpu.memory_space<vmem>>[vector<16xi32>, vector<16xi32>], vector<16xf32>,
        %mul3A_645 = arith.mulf %gather3A_643, %gather3A_644 : vector<16xf32>
        %add3A_646 = arith.addf %add3A_620, %mul3A_645 : vector<16xf32>
        %gather3A_647 = tpu.vector_load_idx %arg13[%add3A_556, %and3A_642] : memref<640x64xf32, #tpu.memory_space<vmem>>[vector<16xi32>, vector<16xi32>], vector<16xf32>,
        %mul3A_648 = arith.mulf %gather3A_643, %gather3A_647 : vector<16xf32>
        %add3A_649 = arith.addf %add3A_623, %mul3A_648 : vector<16xf32>
        %gather3A_650 = tpu.vector_load_idx %arg13[%add3A_559, %and3A_642] : memref<640x64xf32, #tpu.memory_space<vmem>>[vector<16xi32>, vector<16xi32>], vector<16xf32>,
        %mul3A_651 = arith.mulf %gather3A_643, %gather3A_650 : vector<16xf32>
        %add3A_652 = arith.addf %add3A_626, %mul3A_651 : vector<16xf32>
        %gather3A_653 = tpu.vector_load_idx %arg13[%add3A_562, %and3A_642] : memref<640x64xf32, #tpu.memory_space<vmem>>[vector<16xi32>, vector<16xi32>], vector<16xf32>,
        %mul3A_654 = arith.mulf %gather3A_643, %gather3A_653 : vector<16xf32>
        %add3A_655 = arith.addf %add3A_629, %mul3A_654 : vector<16xf32>
        %gather3A_656 = tpu.vector_load_idx %arg13[%add3A_565, %and3A_642] : memref<640x64xf32, #tpu.memory_space<vmem>>[vector<16xi32>, vector<16xi32>], vector<16xf32>,
        %mul3A_657 = arith.mulf %gather3A_643, %gather3A_656 : vector<16xf32>
        %add3A_658 = arith.addf %add3A_632, %mul3A_657 : vector<16xf32>
        %gather3A_659 = tpu.vector_load_idx %arg13[%add3A_568, %and3A_642] : memref<640x64xf32, #tpu.memory_space<vmem>>[vector<16xi32>, vector<16xi32>], vector<16xf32>,
        %mul3A_660 = arith.mulf %gather3A_643, %gather3A_659 : vector<16xf32>
        %add3A_661 = arith.addf %add3A_635, %mul3A_660 : vector<16xf32>
        %add3A_662 = arith.constant 2 : i32
        %add3A_663 = arith.addi %mul3A_611, %add3A_662 : i32
        %broadcast_in_dim3A_664 = vector.broadcast %add3A_663 : i32 to vector<16xi32>
        %add3A_665 = arith.addi %broadcast_in_dim3A_664, %iota3A : vector<16xi32>
        %and3A_666 = arith.constant 63 : i32
        %and3A_667 = vector.broadcast %and3A_666 : i32 to vector<16xi32>
        %and3A_668 = arith.andi %add3A_665, %and3A_667 : vector<16xi32>
        %gather3A_669 = tpu.vector_load_idx %arg11[%add3A_553, %and3A_668] : memref<128x64xf32, #tpu.memory_space<vmem>>[vector<16xi32>, vector<16xi32>], vector<16xf32>,
        %gather3A_670 = tpu.vector_load_idx %arg12[%add3A_553, %and3A_668] : memref<128x64xf32, #tpu.memory_space<vmem>>[vector<16xi32>, vector<16xi32>], vector<16xf32>,
        %mul3A_671 = arith.mulf %gather3A_669, %gather3A_670 : vector<16xf32>
        %add3A_672 = arith.addf %add3A_646, %mul3A_671 : vector<16xf32>
        %gather3A_673 = tpu.vector_load_idx %arg13[%add3A_556, %and3A_668] : memref<640x64xf32, #tpu.memory_space<vmem>>[vector<16xi32>, vector<16xi32>], vector<16xf32>,
        %mul3A_674 = arith.mulf %gather3A_669, %gather3A_673 : vector<16xf32>
        %add3A_675 = arith.addf %add3A_649, %mul3A_674 : vector<16xf32>
        %gather3A_676 = tpu.vector_load_idx %arg13[%add3A_559, %and3A_668] : memref<640x64xf32, #tpu.memory_space<vmem>>[vector<16xi32>, vector<16xi32>], vector<16xf32>,
        %mul3A_677 = arith.mulf %gather3A_669, %gather3A_676 : vector<16xf32>
        %add3A_678 = arith.addf %add3A_652, %mul3A_677 : vector<16xf32>
        %gather3A_679 = tpu.vector_load_idx %arg13[%add3A_562, %and3A_668] : memref<640x64xf32, #tpu.memory_space<vmem>>[vector<16xi32>, vector<16xi32>], vector<16xf32>,
        %mul3A_680 = arith.mulf %gather3A_669, %gather3A_679 : vector<16xf32>
        %add3A_681 = arith.addf %add3A_655, %mul3A_680 : vector<16xf32>
        %gather3A_682 = tpu.vector_load_idx %arg13[%add3A_565, %and3A_668] : memref<640x64xf32, #tpu.memory_space<vmem>>[vector<16xi32>, vector<16xi32>], vector<16xf32>,
        %mul3A_683 = arith.mulf %gather3A_669, %gather3A_682 : vector<16xf32>
        %add3A_684 = arith.addf %add3A_658, %mul3A_683 : vector<16xf32>
        %gather3A_685 = tpu.vector_load_idx %arg13[%add3A_568, %and3A_668] : memref<640x64xf32, #tpu.memory_space<vmem>>[vector<16xi32>, vector<16xi32>], vector<16xf32>,
        %mul3A_686 = arith.mulf %gather3A_669, %gather3A_685 : vector<16xf32>
        %add3A_687 = arith.addf %add3A_661, %mul3A_686 : vector<16xf32>
        %add3A_688 = arith.constant 3 : i32
        %add3A_689 = arith.addi %mul3A_611, %add3A_688 : i32
        %broadcast_in_dim3A_690 = vector.broadcast %add3A_689 : i32 to vector<16xi32>
        %add3A_691 = arith.addi %broadcast_in_dim3A_690, %iota3A : vector<16xi32>
        %and3A_692 = arith.constant 63 : i32
        %and3A_693 = vector.broadcast %and3A_692 : i32 to vector<16xi32>
        %and3A_694 = arith.andi %add3A_691, %and3A_693 : vector<16xi32>
        %gather3A_695 = tpu.vector_load_idx %arg11[%add3A_553, %and3A_694] : memref<128x64xf32, #tpu.memory_space<vmem>>[vector<16xi32>, vector<16xi32>], vector<16xf32>,
        %gather3A_696 = tpu.vector_load_idx %arg12[%add3A_553, %and3A_694] : memref<128x64xf32, #tpu.memory_space<vmem>>[vector<16xi32>, vector<16xi32>], vector<16xf32>,
        %mul3A_697 = arith.mulf %gather3A_695, %gather3A_696 : vector<16xf32>
        %add3A_698 = arith.addf %add3A_672, %mul3A_697 : vector<16xf32>
        %gather3A_699 = tpu.vector_load_idx %arg13[%add3A_556, %and3A_694] : memref<640x64xf32, #tpu.memory_space<vmem>>[vector<16xi32>, vector<16xi32>], vector<16xf32>,
        %mul3A_700 = arith.mulf %gather3A_695, %gather3A_699 : vector<16xf32>
        %add3A_701 = arith.addf %add3A_675, %mul3A_700 : vector<16xf32>
        %gather3A_702 = tpu.vector_load_idx %arg13[%add3A_559, %and3A_694] : memref<640x64xf32, #tpu.memory_space<vmem>>[vector<16xi32>, vector<16xi32>], vector<16xf32>,
        %mul3A_703 = arith.mulf %gather3A_695, %gather3A_702 : vector<16xf32>
        %add3A_704 = arith.addf %add3A_678, %mul3A_703 : vector<16xf32>
        %gather3A_705 = tpu.vector_load_idx %arg13[%add3A_562, %and3A_694] : memref<640x64xf32, #tpu.memory_space<vmem>>[vector<16xi32>, vector<16xi32>], vector<16xf32>,
        %mul3A_706 = arith.mulf %gather3A_695, %gather3A_705 : vector<16xf32>
        %add3A_707 = arith.addf %add3A_681, %mul3A_706 : vector<16xf32>
        %gather3A_708 = tpu.vector_load_idx %arg13[%add3A_565, %and3A_694] : memref<640x64xf32, #tpu.memory_space<vmem>>[vector<16xi32>, vector<16xi32>], vector<16xf32>,
        %mul3A_709 = arith.mulf %gather3A_695, %gather3A_708 : vector<16xf32>
        %add3A_710 = arith.addf %add3A_684, %mul3A_709 : vector<16xf32>
        %gather3A_711 = tpu.vector_load_idx %arg13[%add3A_568, %and3A_694] : memref<640x64xf32, #tpu.memory_space<vmem>>[vector<16xi32>, vector<16xi32>], vector<16xf32>,
        %mul3A_712 = arith.mulf %gather3A_695, %gather3A_711 : vector<16xf32>
        %add3A_713 = arith.addf %add3A_687, %mul3A_712 : vector<16xf32>
        scf.yield %add3A_698, %add3A_701, %add3A_704, %add3A_707, %add3A_710, %add3A_713 : vector<16xf32>, vector<16xf32>, vector<16xf32>, vector<16xf32>, vector<16xf32>, vector<16xf32>
      }
      %scan3A_575 = arith.constant 16 : i32
      %mul3A_576 = arith.constant 16 : i32
      %mul3A_577 = arith.muli %scan3A_549, %mul3A_576 : i32
      %add3A_578 = arith.constant 0 : i32
      %add3A_579 = arith.addi %add3A_578, %mul3A_577 : i32
      %swap3A = arith.constant 0 : i32
      %swap3A_580 = arith.index_cast %swap3A : i32 to index
      %swap3A_581 = arith.index_cast %add3A_579 : i32 to index
      %swap3A_582 = tpu.vector_load %arg17[%swap3A_580, %swap3A_581] {strides = array<i32>} : memref<6x512xf32, #tpu.memory_space<vmem>>, vector<16xf32>,
      tpu.vector_store %arg17[%swap3A_580, %swap3A_581], %scan3A_574#0 {strides = array<i32>} : memref<6x512xf32, #tpu.memory_space<vmem>>, vector<16xf32>,
      %swap3A_583 = arith.constant 1 : i32
      %swap3A_584 = arith.index_cast %swap3A_583 : i32 to index
      %swap3A_585 = arith.index_cast %add3A_579 : i32 to index
      %swap3A_586 = tpu.vector_load %arg17[%swap3A_584, %swap3A_585] {strides = array<i32>} : memref<6x512xf32, #tpu.memory_space<vmem>>, vector<16xf32>,
      tpu.vector_store %arg17[%swap3A_584, %swap3A_585], %scan3A_574#1 {strides = array<i32>} : memref<6x512xf32, #tpu.memory_space<vmem>>, vector<16xf32>,
      %swap3A_587 = arith.constant 2 : i32
      %swap3A_588 = arith.index_cast %swap3A_587 : i32 to index
      %swap3A_589 = arith.index_cast %add3A_579 : i32 to index
      %swap3A_590 = tpu.vector_load %arg17[%swap3A_588, %swap3A_589] {strides = array<i32>} : memref<6x512xf32, #tpu.memory_space<vmem>>, vector<16xf32>,
      tpu.vector_store %arg17[%swap3A_588, %swap3A_589], %scan3A_574#2 {strides = array<i32>} : memref<6x512xf32, #tpu.memory_space<vmem>>, vector<16xf32>,
      %swap3A_591 = arith.constant 3 : i32
      %swap3A_592 = arith.index_cast %swap3A_591 : i32 to index
      %swap3A_593 = arith.index_cast %add3A_579 : i32 to index
      %swap3A_594 = tpu.vector_load %arg17[%swap3A_592, %swap3A_593] {strides = array<i32>} : memref<6x512xf32, #tpu.memory_space<vmem>>, vector<16xf32>,
      tpu.vector_store %arg17[%swap3A_592, %swap3A_593], %scan3A_574#3 {strides = array<i32>} : memref<6x512xf32, #tpu.memory_space<vmem>>, vector<16xf32>,
      %swap3A_595 = arith.constant 4 : i32
      %swap3A_596 = arith.index_cast %swap3A_595 : i32 to index
      %swap3A_597 = arith.index_cast %add3A_579 : i32 to index
      %swap3A_598 = tpu.vector_load %arg17[%swap3A_596, %swap3A_597] {strides = array<i32>} : memref<6x512xf32, #tpu.memory_space<vmem>>, vector<16xf32>,
      tpu.vector_store %arg17[%swap3A_596, %swap3A_597], %scan3A_574#4 {strides = array<i32>} : memref<6x512xf32, #tpu.memory_space<vmem>>, vector<16xf32>,
      %swap3A_599 = arith.constant 5 : i32
      %swap3A_600 = arith.index_cast %swap3A_599 : i32 to index
      %swap3A_601 = arith.index_cast %add3A_579 : i32 to index
      %swap3A_602 = tpu.vector_load %arg17[%swap3A_600, %swap3A_601] {strides = array<i32>} : memref<6x512xf32, #tpu.memory_space<vmem>>, vector<16xf32>,
      tpu.vector_store %arg17[%swap3A_600, %swap3A_601], %scan3A_574#5 {strides = array<i32>} : memref<6x512xf32, #tpu.memory_space<vmem>>, vector<16xf32>,
    }
    %scan3A_206 = arith.constant 8 : i32
    %dma_wait3A_207 = arith.constant 128 : i32
    %dma_wait3A_208 = tpu.memref_slice %arg8[%dma_wait3A_207] : memref<512xi32, #tpu.memory_space<vmem>> -> memref<128xi32, #tpu.memory_space<vmem>>
    %dma_wait3A_209 = arith.constant 0 : i32
    %dma_wait3A_210 = arith.constant 0 : i32
    %dma_wait3A_211 = tpu.memref_slice %arg5[%dma_wait3A_209, %dma_wait3A_210] : memref<100000x64xf32, #tpu.memory_space<hbm>> -> memref<100000x64xf32, #tpu.memory_space<hbm>>
    tpu.wait_indirect_dma semaphore(%arg19 : memref<!tpu.dma_semaphore, #tpu.memory_space<semaphore_mem>>) src(%dma_wait3A_211 : memref<100000x64xf32, #tpu.memory_space<hbm>>) dst(%arg14 : memref<128x64xf32, #tpu.memory_space<vmem>>)
    %dma_wait3A_212 = arith.constant 128 : i32
    %dma_wait3A_213 = tpu.memref_slice %arg9[%dma_wait3A_212] : memref<512xi32, #tpu.memory_space<vmem>> -> memref<128xi32, #tpu.memory_space<vmem>>
    %dma_wait3A_214 = arith.constant 0 : i32
    %dma_wait3A_215 = arith.constant 0 : i32
    %dma_wait3A_216 = tpu.memref_slice %arg6[%dma_wait3A_214, %dma_wait3A_215] : memref<100000x64xf32, #tpu.memory_space<hbm>> -> memref<100000x64xf32, #tpu.memory_space<hbm>>
    tpu.wait_indirect_dma semaphore(%arg19 : memref<!tpu.dma_semaphore, #tpu.memory_space<semaphore_mem>>) src(%dma_wait3A_216 : memref<100000x64xf32, #tpu.memory_space<hbm>>) dst(%arg15 : memref<128x64xf32, #tpu.memory_space<vmem>>)
    %dma_wait3A_217 = arith.constant 0 : i32
    %dma_wait3A_218 = arith.constant 0 : i32
    %dma_wait3A_219 = arith.constant 0 : i32
    %dma_wait3A_220 = tpu.memref_slice %arg16[%dma_wait3A_218, %dma_wait3A_219] : memref<640x64xf32, #tpu.memory_space<vmem>> -> memref<128x64xf32, #tpu.memory_space<vmem>>
    %dma_wait3A_221 = arith.constant 128 : i32
    %dma_wait3A_222 = tpu.memref_slice %arg10[%dma_wait3A_217, %dma_wait3A_221] : memref<5x512xi32, #tpu.memory_space<vmem>> -> memref<1x128xi32, #tpu.memory_space<vmem>>
    %dma_wait3A_223 = tpu.memref_squeeze %dma_wait3A_222 : memref<1x128xi32, #tpu.memory_space<vmem>> -> memref<128xi32, #tpu.memory_space<vmem>>
    %dma_wait3A_224 = arith.constant 0 : i32
    %dma_wait3A_225 = arith.constant 0 : i32
    %dma_wait3A_226 = tpu.memref_slice %arg6[%dma_wait3A_224, %dma_wait3A_225] : memref<100000x64xf32, #tpu.memory_space<hbm>> -> memref<100000x64xf32, #tpu.memory_space<hbm>>
    tpu.wait_indirect_dma semaphore(%arg19 : memref<!tpu.dma_semaphore, #tpu.memory_space<semaphore_mem>>) src(%dma_wait3A_226 : memref<100000x64xf32, #tpu.memory_space<hbm>>) dst(%dma_wait3A_220 : memref<128x64xf32, #tpu.memory_space<vmem>>)
    %dma_wait3A_227 = arith.constant 1 : i32
    %dma_wait3A_228 = arith.constant 128 : i32
    %dma_wait3A_229 = arith.constant 0 : i32
    %dma_wait3A_230 = tpu.memref_slice %arg16[%dma_wait3A_228, %dma_wait3A_229] : memref<640x64xf32, #tpu.memory_space<vmem>> -> memref<128x64xf32, #tpu.memory_space<vmem>>
    %dma_wait3A_231 = arith.constant 128 : i32
    %dma_wait3A_232 = tpu.memref_slice %arg10[%dma_wait3A_227, %dma_wait3A_231] : memref<5x512xi32, #tpu.memory_space<vmem>> -> memref<1x128xi32, #tpu.memory_space<vmem>>
    %dma_wait3A_233 = tpu.memref_squeeze %dma_wait3A_232 : memref<1x128xi32, #tpu.memory_space<vmem>> -> memref<128xi32, #tpu.memory_space<vmem>>
    %dma_wait3A_234 = arith.constant 0 : i32
    %dma_wait3A_235 = arith.constant 0 : i32
    %dma_wait3A_236 = tpu.memref_slice %arg6[%dma_wait3A_234, %dma_wait3A_235] : memref<100000x64xf32, #tpu.memory_space<hbm>> -> memref<100000x64xf32, #tpu.memory_space<hbm>>
    tpu.wait_indirect_dma semaphore(%arg19 : memref<!tpu.dma_semaphore, #tpu.memory_space<semaphore_mem>>) src(%dma_wait3A_236 : memref<100000x64xf32, #tpu.memory_space<hbm>>) dst(%dma_wait3A_230 : memref<128x64xf32, #tpu.memory_space<vmem>>)
    %dma_wait3A_237 = arith.constant 2 : i32
    %dma_wait3A_238 = arith.constant 256 : i32
    %dma_wait3A_239 = arith.constant 0 : i32
    %dma_wait3A_240 = tpu.memref_slice %arg16[%dma_wait3A_238, %dma_wait3A_239] : memref<640x64xf32, #tpu.memory_space<vmem>> -> memref<128x64xf32, #tpu.memory_space<vmem>>
    %dma_wait3A_241 = arith.constant 128 : i32
    %dma_wait3A_242 = tpu.memref_slice %arg10[%dma_wait3A_237, %dma_wait3A_241] : memref<5x512xi32, #tpu.memory_space<vmem>> -> memref<1x128xi32, #tpu.memory_space<vmem>>
    %dma_wait3A_243 = tpu.memref_squeeze %dma_wait3A_242 : memref<1x128xi32, #tpu.memory_space<vmem>> -> memref<128xi32, #tpu.memory_space<vmem>>
    %dma_wait3A_244 = arith.constant 0 : i32
    %dma_wait3A_245 = arith.constant 0 : i32
    %dma_wait3A_246 = tpu.memref_slice %arg6[%dma_wait3A_244, %dma_wait3A_245] : memref<100000x64xf32, #tpu.memory_space<hbm>> -> memref<100000x64xf32, #tpu.memory_space<hbm>>
    tpu.wait_indirect_dma semaphore(%arg19 : memref<!tpu.dma_semaphore, #tpu.memory_space<semaphore_mem>>) src(%dma_wait3A_246 : memref<100000x64xf32, #tpu.memory_space<hbm>>) dst(%dma_wait3A_240 : memref<128x64xf32, #tpu.memory_space<vmem>>)
    %dma_wait3A_247 = arith.constant 3 : i32
    %dma_wait3A_248 = arith.constant 384 : i32
    %dma_wait3A_249 = arith.constant 0 : i32
    %dma_wait3A_250 = tpu.memref_slice %arg16[%dma_wait3A_248, %dma_wait3A_249] : memref<640x64xf32, #tpu.memory_space<vmem>> -> memref<128x64xf32, #tpu.memory_space<vmem>>
    %dma_wait3A_251 = arith.constant 128 : i32
    %dma_wait3A_252 = tpu.memref_slice %arg10[%dma_wait3A_247, %dma_wait3A_251] : memref<5x512xi32, #tpu.memory_space<vmem>> -> memref<1x128xi32, #tpu.memory_space<vmem>>
    %dma_wait3A_253 = tpu.memref_squeeze %dma_wait3A_252 : memref<1x128xi32, #tpu.memory_space<vmem>> -> memref<128xi32, #tpu.memory_space<vmem>>
    %dma_wait3A_254 = arith.constant 0 : i32
    %dma_wait3A_255 = arith.constant 0 : i32
    %dma_wait3A_256 = tpu.memref_slice %arg6[%dma_wait3A_254, %dma_wait3A_255] : memref<100000x64xf32, #tpu.memory_space<hbm>> -> memref<100000x64xf32, #tpu.memory_space<hbm>>
    tpu.wait_indirect_dma semaphore(%arg19 : memref<!tpu.dma_semaphore, #tpu.memory_space<semaphore_mem>>) src(%dma_wait3A_256 : memref<100000x64xf32, #tpu.memory_space<hbm>>) dst(%dma_wait3A_250 : memref<128x64xf32, #tpu.memory_space<vmem>>)
    %dma_wait3A_257 = arith.constant 4 : i32
    %dma_wait3A_258 = arith.constant 512 : i32
    %dma_wait3A_259 = arith.constant 0 : i32
    %dma_wait3A_260 = tpu.memref_slice %arg16[%dma_wait3A_258, %dma_wait3A_259] : memref<640x64xf32, #tpu.memory_space<vmem>> -> memref<128x64xf32, #tpu.memory_space<vmem>>
    %dma_wait3A_261 = arith.constant 128 : i32
    %dma_wait3A_262 = tpu.memref_slice %arg10[%dma_wait3A_257, %dma_wait3A_261] : memref<5x512xi32, #tpu.memory_space<vmem>> -> memref<1x128xi32, #tpu.memory_space<vmem>>
    %dma_wait3A_263 = tpu.memref_squeeze %dma_wait3A_262 : memref<1x128xi32, #tpu.memory_space<vmem>> -> memref<128xi32, #tpu.memory_space<vmem>>
    %dma_wait3A_264 = arith.constant 0 : i32
    %dma_wait3A_265 = arith.constant 0 : i32
    %dma_wait3A_266 = tpu.memref_slice %arg6[%dma_wait3A_264, %dma_wait3A_265] : memref<100000x64xf32, #tpu.memory_space<hbm>> -> memref<100000x64xf32, #tpu.memory_space<hbm>>
    tpu.wait_indirect_dma semaphore(%arg19 : memref<!tpu.dma_semaphore, #tpu.memory_space<semaphore_mem>>) src(%dma_wait3A_266 : memref<100000x64xf32, #tpu.memory_space<hbm>>) dst(%dma_wait3A_260 : memref<128x64xf32, #tpu.memory_space<vmem>>)
    %dma_start3A_267 = arith.constant 256 : i32
    %dma_start3A_268 = tpu.memref_slice %arg8[%dma_start3A_267] : memref<512xi32, #tpu.memory_space<vmem>> -> memref<128xi32, #tpu.memory_space<vmem>>
    %dma_start3A_269 = arith.constant 0 : i32
    %dma_start3A_270 = arith.constant 0 : i32
    %dma_start3A_271 = tpu.memref_slice %arg5[%dma_start3A_269, %dma_start3A_270] : memref<100000x64xf32, #tpu.memory_space<hbm>> -> memref<100000x64xf32, #tpu.memory_space<hbm>>
    tpu.enqueue_indirect_dma source(%dma_start3A_271 : memref<100000x64xf32, #tpu.memory_space<hbm>>) target(%arg11 : memref<128x64xf32, #tpu.memory_space<vmem>>) offsets(%dma_start3A_268 : memref<128xi32, #tpu.memory_space<vmem>>) semaphore(%arg18 : memref<!tpu.dma_semaphore, #tpu.memory_space<semaphore_mem>>)
    %dma_start3A_272 = arith.constant 256 : i32
    %dma_start3A_273 = tpu.memref_slice %arg9[%dma_start3A_272] : memref<512xi32, #tpu.memory_space<vmem>> -> memref<128xi32, #tpu.memory_space<vmem>>
    %dma_start3A_274 = arith.constant 0 : i32
    %dma_start3A_275 = arith.constant 0 : i32
    %dma_start3A_276 = tpu.memref_slice %arg6[%dma_start3A_274, %dma_start3A_275] : memref<100000x64xf32, #tpu.memory_space<hbm>> -> memref<100000x64xf32, #tpu.memory_space<hbm>>
    tpu.enqueue_indirect_dma source(%dma_start3A_276 : memref<100000x64xf32, #tpu.memory_space<hbm>>) target(%arg12 : memref<128x64xf32, #tpu.memory_space<vmem>>) offsets(%dma_start3A_273 : memref<128xi32, #tpu.memory_space<vmem>>) semaphore(%arg18 : memref<!tpu.dma_semaphore, #tpu.memory_space<semaphore_mem>>)
    %dma_start3A_277 = arith.constant 0 : i32
    %dma_start3A_278 = arith.constant 0 : i32
    %dma_start3A_279 = arith.constant 0 : i32
    %dma_start3A_280 = tpu.memref_slice %arg13[%dma_start3A_278, %dma_start3A_279] : memref<640x64xf32, #tpu.memory_space<vmem>> -> memref<128x64xf32, #tpu.memory_space<vmem>>
    %dma_start3A_281 = arith.constant 256 : i32
    %dma_start3A_282 = tpu.memref_slice %arg10[%dma_start3A_277, %dma_start3A_281] : memref<5x512xi32, #tpu.memory_space<vmem>> -> memref<1x128xi32, #tpu.memory_space<vmem>>
    %dma_start3A_283 = tpu.memref_squeeze %dma_start3A_282 : memref<1x128xi32, #tpu.memory_space<vmem>> -> memref<128xi32, #tpu.memory_space<vmem>>
    %dma_start3A_284 = arith.constant 0 : i32
    %dma_start3A_285 = arith.constant 0 : i32
    %dma_start3A_286 = tpu.memref_slice %arg6[%dma_start3A_284, %dma_start3A_285] : memref<100000x64xf32, #tpu.memory_space<hbm>> -> memref<100000x64xf32, #tpu.memory_space<hbm>>
    tpu.enqueue_indirect_dma source(%dma_start3A_286 : memref<100000x64xf32, #tpu.memory_space<hbm>>) target(%dma_start3A_280 : memref<128x64xf32, #tpu.memory_space<vmem>>) offsets(%dma_start3A_283 : memref<128xi32, #tpu.memory_space<vmem>>) semaphore(%arg18 : memref<!tpu.dma_semaphore, #tpu.memory_space<semaphore_mem>>)
    %dma_start3A_287 = arith.constant 1 : i32
    %dma_start3A_288 = arith.constant 128 : i32
    %dma_start3A_289 = arith.constant 0 : i32
    %dma_start3A_290 = tpu.memref_slice %arg13[%dma_start3A_288, %dma_start3A_289] : memref<640x64xf32, #tpu.memory_space<vmem>> -> memref<128x64xf32, #tpu.memory_space<vmem>>
    %dma_start3A_291 = arith.constant 256 : i32
    %dma_start3A_292 = tpu.memref_slice %arg10[%dma_start3A_287, %dma_start3A_291] : memref<5x512xi32, #tpu.memory_space<vmem>> -> memref<1x128xi32, #tpu.memory_space<vmem>>
    %dma_start3A_293 = tpu.memref_squeeze %dma_start3A_292 : memref<1x128xi32, #tpu.memory_space<vmem>> -> memref<128xi32, #tpu.memory_space<vmem>>
    %dma_start3A_294 = arith.constant 0 : i32
    %dma_start3A_295 = arith.constant 0 : i32
    %dma_start3A_296 = tpu.memref_slice %arg6[%dma_start3A_294, %dma_start3A_295] : memref<100000x64xf32, #tpu.memory_space<hbm>> -> memref<100000x64xf32, #tpu.memory_space<hbm>>
    tpu.enqueue_indirect_dma source(%dma_start3A_296 : memref<100000x64xf32, #tpu.memory_space<hbm>>) target(%dma_start3A_290 : memref<128x64xf32, #tpu.memory_space<vmem>>) offsets(%dma_start3A_293 : memref<128xi32, #tpu.memory_space<vmem>>) semaphore(%arg18 : memref<!tpu.dma_semaphore, #tpu.memory_space<semaphore_mem>>)
    %dma_start3A_297 = arith.constant 2 : i32
    %dma_start3A_298 = arith.constant 256 : i32
    %dma_start3A_299 = arith.constant 0 : i32
    %dma_start3A_300 = tpu.memref_slice %arg13[%dma_start3A_298, %dma_start3A_299] : memref<640x64xf32, #tpu.memory_space<vmem>> -> memref<128x64xf32, #tpu.memory_space<vmem>>
    %dma_start3A_301 = arith.constant 256 : i32
    %dma_start3A_302 = tpu.memref_slice %arg10[%dma_start3A_297, %dma_start3A_301] : memref<5x512xi32, #tpu.memory_space<vmem>> -> memref<1x128xi32, #tpu.memory_space<vmem>>
    %dma_start3A_303 = tpu.memref_squeeze %dma_start3A_302 : memref<1x128xi32, #tpu.memory_space<vmem>> -> memref<128xi32, #tpu.memory_space<vmem>>
    %dma_start3A_304 = arith.constant 0 : i32
    %dma_start3A_305 = arith.constant 0 : i32
    %dma_start3A_306 = tpu.memref_slice %arg6[%dma_start3A_304, %dma_start3A_305] : memref<100000x64xf32, #tpu.memory_space<hbm>> -> memref<100000x64xf32, #tpu.memory_space<hbm>>
    tpu.enqueue_indirect_dma source(%dma_start3A_306 : memref<100000x64xf32, #tpu.memory_space<hbm>>) target(%dma_start3A_300 : memref<128x64xf32, #tpu.memory_space<vmem>>) offsets(%dma_start3A_303 : memref<128xi32, #tpu.memory_space<vmem>>) semaphore(%arg18 : memref<!tpu.dma_semaphore, #tpu.memory_space<semaphore_mem>>)
    %dma_start3A_307 = arith.constant 3 : i32
    %dma_start3A_308 = arith.constant 384 : i32
    %dma_start3A_309 = arith.constant 0 : i32
    %dma_start3A_310 = tpu.memref_slice %arg13[%dma_start3A_308, %dma_start3A_309] : memref<640x64xf32, #tpu.memory_space<vmem>> -> memref<128x64xf32, #tpu.memory_space<vmem>>
    %dma_start3A_311 = arith.constant 256 : i32
    %dma_start3A_312 = tpu.memref_slice %arg10[%dma_start3A_307, %dma_start3A_311] : memref<5x512xi32, #tpu.memory_space<vmem>> -> memref<1x128xi32, #tpu.memory_space<vmem>>
    %dma_start3A_313 = tpu.memref_squeeze %dma_start3A_312 : memref<1x128xi32, #tpu.memory_space<vmem>> -> memref<128xi32, #tpu.memory_space<vmem>>
    %dma_start3A_314 = arith.constant 0 : i32
    %dma_start3A_315 = arith.constant 0 : i32
    %dma_start3A_316 = tpu.memref_slice %arg6[%dma_start3A_314, %dma_start3A_315] : memref<100000x64xf32, #tpu.memory_space<hbm>> -> memref<100000x64xf32, #tpu.memory_space<hbm>>
    tpu.enqueue_indirect_dma source(%dma_start3A_316 : memref<100000x64xf32, #tpu.memory_space<hbm>>) target(%dma_start3A_310 : memref<128x64xf32, #tpu.memory_space<vmem>>) offsets(%dma_start3A_313 : memref<128xi32, #tpu.memory_space<vmem>>) semaphore(%arg18 : memref<!tpu.dma_semaphore, #tpu.memory_space<semaphore_mem>>)
    %dma_start3A_317 = arith.constant 4 : i32
    %dma_start3A_318 = arith.constant 512 : i32
    %dma_start3A_319 = arith.constant 0 : i32
    %dma_start3A_320 = tpu.memref_slice %arg13[%dma_start3A_318, %dma_start3A_319] : memref<640x64xf32, #tpu.memory_space<vmem>> -> memref<128x64xf32, #tpu.memory_space<vmem>>
    %dma_start3A_321 = arith.constant 256 : i32
    %dma_start3A_322 = tpu.memref_slice %arg10[%dma_start3A_317, %dma_start3A_321] : memref<5x512xi32, #tpu.memory_space<vmem>> -> memref<1x128xi32, #tpu.memory_space<vmem>>
    %dma_start3A_323 = tpu.memref_squeeze %dma_start3A_322 : memref<1x128xi32, #tpu.memory_space<vmem>> -> memref<128xi32, #tpu.memory_space<vmem>>
    %dma_start3A_324 = arith.constant 0 : i32
    %dma_start3A_325 = arith.constant 0 : i32
    %dma_start3A_326 = tpu.memref_slice %arg6[%dma_start3A_324, %dma_start3A_325] : memref<100000x64xf32, #tpu.memory_space<hbm>> -> memref<100000x64xf32, #tpu.memory_space<hbm>>
    tpu.enqueue_indirect_dma source(%dma_start3A_326 : memref<100000x64xf32, #tpu.memory_space<hbm>>) target(%dma_start3A_320 : memref<128x64xf32, #tpu.memory_space<vmem>>) offsets(%dma_start3A_323 : memref<128xi32, #tpu.memory_space<vmem>>) semaphore(%arg18 : memref<!tpu.dma_semaphore, #tpu.memory_space<semaphore_mem>>)
    %scan3A_327 = arith.constant 0 : i32
    %scan3A_328 = arith.constant 0 : i32
    %scan3A_329 = arith.constant 8 : i32
    %scan3A_330 = arith.addi %scan3A_328, %scan3A_329 : i32
    %scan3A_331 = arith.constant 1 : i32
    scf.for %scan3A_549 = %scan3A_328 to %scan3A_330 step %scan3A_331  : i32 {
      %mul3A_550 = arith.constant 16 : i32
      %mul3A_551 = arith.muli %scan3A_549, %mul3A_550 : i32
      %add3A_552 = vector.broadcast %mul3A_551 : i32 to vector<16xi32>
      %add3A_553 = arith.addi %add3A_552, %iota3A : vector<16xi32>
      %add3A_554 = arith.constant 0 : i32
      %add3A_555 = vector.broadcast %add3A_554 : i32 to vector<16xi32>
      %add3A_556 = arith.addi %add3A_553, %add3A_555 : vector<16xi32>
      %add3A_557 = arith.constant 128 : i32
      %add3A_558 = vector.broadcast %add3A_557 : i32 to vector<16xi32>
      %add3A_559 = arith.addi %add3A_553, %add3A_558 : vector<16xi32>
      %add3A_560 = arith.constant 256 : i32
      %add3A_561 = vector.broadcast %add3A_560 : i32 to vector<16xi32>
      %add3A_562 = arith.addi %add3A_553, %add3A_561 : vector<16xi32>
      %add3A_563 = arith.constant 384 : i32
      %add3A_564 = vector.broadcast %add3A_563 : i32 to vector<16xi32>
      %add3A_565 = arith.addi %add3A_553, %add3A_564 : vector<16xi32>
      %add3A_566 = arith.constant 512 : i32
      %add3A_567 = vector.broadcast %add3A_566 : i32 to vector<16xi32>
      %add3A_568 = arith.addi %add3A_553, %add3A_567 : vector<16xi32>
      %broadcast_in_dim3A = arith.constant 0.000000e+00 : f32
      %broadcast_in_dim3A_569 = vector.broadcast %broadcast_in_dim3A : f32 to vector<16xf32>
      %scan3A_570 = arith.constant 0 : i32
      %scan3A_571 = arith.constant 16 : i32
      %scan3A_572 = arith.addi %scan3A_570, %scan3A_571 : i32
      %scan3A_573 = arith.constant 1 : i32
      %scan3A_574:6 = scf.for %scan3A_603 = %scan3A_570 to %scan3A_572 step %scan3A_573 iter_args(%scan3A_604 = %broadcast_in_dim3A_569, %scan3A_605 = %broadcast_in_dim3A_569, %scan3A_606 = %broadcast_in_dim3A_569, %scan3A_607 = %broadcast_in_dim3A_569, %scan3A_608 = %broadcast_in_dim3A_569, %scan3A_609 = %broadcast_in_dim3A_569) -> (vector<16xf32>, vector<16xf32>, vector<16xf32>, vector<16xf32>, vector<16xf32>, vector<16xf32>)  : i32 {
        %mul3A_610 = arith.constant 4 : i32
        %mul3A_611 = arith.muli %scan3A_603, %mul3A_610 : i32
        %add3A_612 = arith.constant 0 : i32
        %add3A_613 = arith.addi %mul3A_611, %add3A_612 : i32
        %broadcast_in_dim3A_614 = vector.broadcast %add3A_613 : i32 to vector<16xi32>
        %add3A_615 = arith.addi %broadcast_in_dim3A_614, %iota3A : vector<16xi32>
        %and3A = arith.constant 63 : i32
        %and3A_616 = vector.broadcast %and3A : i32 to vector<16xi32>
        %and3A_617 = arith.andi %add3A_615, %and3A_616 : vector<16xi32>
        %gather3A = tpu.vector_load_idx %arg14[%add3A_553, %and3A_617] : memref<128x64xf32, #tpu.memory_space<vmem>>[vector<16xi32>, vector<16xi32>], vector<16xf32>,
        %gather3A_618 = tpu.vector_load_idx %arg15[%add3A_553, %and3A_617] : memref<128x64xf32, #tpu.memory_space<vmem>>[vector<16xi32>, vector<16xi32>], vector<16xf32>,
        %mul3A_619 = arith.mulf %gather3A, %gather3A_618 : vector<16xf32>
        %add3A_620 = arith.addf %scan3A_604, %mul3A_619 : vector<16xf32>
        %gather3A_621 = tpu.vector_load_idx %arg16[%add3A_556, %and3A_617] : memref<640x64xf32, #tpu.memory_space<vmem>>[vector<16xi32>, vector<16xi32>], vector<16xf32>,
        %mul3A_622 = arith.mulf %gather3A, %gather3A_621 : vector<16xf32>
        %add3A_623 = arith.addf %scan3A_605, %mul3A_622 : vector<16xf32>
        %gather3A_624 = tpu.vector_load_idx %arg16[%add3A_559, %and3A_617] : memref<640x64xf32, #tpu.memory_space<vmem>>[vector<16xi32>, vector<16xi32>], vector<16xf32>,
        %mul3A_625 = arith.mulf %gather3A, %gather3A_624 : vector<16xf32>
        %add3A_626 = arith.addf %scan3A_606, %mul3A_625 : vector<16xf32>
        %gather3A_627 = tpu.vector_load_idx %arg16[%add3A_562, %and3A_617] : memref<640x64xf32, #tpu.memory_space<vmem>>[vector<16xi32>, vector<16xi32>], vector<16xf32>,
        %mul3A_628 = arith.mulf %gather3A, %gather3A_627 : vector<16xf32>
        %add3A_629 = arith.addf %scan3A_607, %mul3A_628 : vector<16xf32>
        %gather3A_630 = tpu.vector_load_idx %arg16[%add3A_565, %and3A_617] : memref<640x64xf32, #tpu.memory_space<vmem>>[vector<16xi32>, vector<16xi32>], vector<16xf32>,
        %mul3A_631 = arith.mulf %gather3A, %gather3A_630 : vector<16xf32>
        %add3A_632 = arith.addf %scan3A_608, %mul3A_631 : vector<16xf32>
        %gather3A_633 = tpu.vector_load_idx %arg16[%add3A_568, %and3A_617] : memref<640x64xf32, #tpu.memory_space<vmem>>[vector<16xi32>, vector<16xi32>], vector<16xf32>,
        %mul3A_634 = arith.mulf %gather3A, %gather3A_633 : vector<16xf32>
        %add3A_635 = arith.addf %scan3A_609, %mul3A_634 : vector<16xf32>
        %add3A_636 = arith.constant 1 : i32
        %add3A_637 = arith.addi %mul3A_611, %add3A_636 : i32
        %broadcast_in_dim3A_638 = vector.broadcast %add3A_637 : i32 to vector<16xi32>
        %add3A_639 = arith.addi %broadcast_in_dim3A_638, %iota3A : vector<16xi32>
        %and3A_640 = arith.constant 63 : i32
        %and3A_641 = vector.broadcast %and3A_640 : i32 to vector<16xi32>
        %and3A_642 = arith.andi %add3A_639, %and3A_641 : vector<16xi32>
        %gather3A_643 = tpu.vector_load_idx %arg14[%add3A_553, %and3A_642] : memref<128x64xf32, #tpu.memory_space<vmem>>[vector<16xi32>, vector<16xi32>], vector<16xf32>,
        %gather3A_644 = tpu.vector_load_idx %arg15[%add3A_553, %and3A_642] : memref<128x64xf32, #tpu.memory_space<vmem>>[vector<16xi32>, vector<16xi32>], vector<16xf32>,
        %mul3A_645 = arith.mulf %gather3A_643, %gather3A_644 : vector<16xf32>
        %add3A_646 = arith.addf %add3A_620, %mul3A_645 : vector<16xf32>
        %gather3A_647 = tpu.vector_load_idx %arg16[%add3A_556, %and3A_642] : memref<640x64xf32, #tpu.memory_space<vmem>>[vector<16xi32>, vector<16xi32>], vector<16xf32>,
        %mul3A_648 = arith.mulf %gather3A_643, %gather3A_647 : vector<16xf32>
        %add3A_649 = arith.addf %add3A_623, %mul3A_648 : vector<16xf32>
        %gather3A_650 = tpu.vector_load_idx %arg16[%add3A_559, %and3A_642] : memref<640x64xf32, #tpu.memory_space<vmem>>[vector<16xi32>, vector<16xi32>], vector<16xf32>,
        %mul3A_651 = arith.mulf %gather3A_643, %gather3A_650 : vector<16xf32>
        %add3A_652 = arith.addf %add3A_626, %mul3A_651 : vector<16xf32>
        %gather3A_653 = tpu.vector_load_idx %arg16[%add3A_562, %and3A_642] : memref<640x64xf32, #tpu.memory_space<vmem>>[vector<16xi32>, vector<16xi32>], vector<16xf32>,
        %mul3A_654 = arith.mulf %gather3A_643, %gather3A_653 : vector<16xf32>
        %add3A_655 = arith.addf %add3A_629, %mul3A_654 : vector<16xf32>
        %gather3A_656 = tpu.vector_load_idx %arg16[%add3A_565, %and3A_642] : memref<640x64xf32, #tpu.memory_space<vmem>>[vector<16xi32>, vector<16xi32>], vector<16xf32>,
        %mul3A_657 = arith.mulf %gather3A_643, %gather3A_656 : vector<16xf32>
        %add3A_658 = arith.addf %add3A_632, %mul3A_657 : vector<16xf32>
        %gather3A_659 = tpu.vector_load_idx %arg16[%add3A_568, %and3A_642] : memref<640x64xf32, #tpu.memory_space<vmem>>[vector<16xi32>, vector<16xi32>], vector<16xf32>,
        %mul3A_660 = arith.mulf %gather3A_643, %gather3A_659 : vector<16xf32>
        %add3A_661 = arith.addf %add3A_635, %mul3A_660 : vector<16xf32>
        %add3A_662 = arith.constant 2 : i32
        %add3A_663 = arith.addi %mul3A_611, %add3A_662 : i32
        %broadcast_in_dim3A_664 = vector.broadcast %add3A_663 : i32 to vector<16xi32>
        %add3A_665 = arith.addi %broadcast_in_dim3A_664, %iota3A : vector<16xi32>
        %and3A_666 = arith.constant 63 : i32
        %and3A_667 = vector.broadcast %and3A_666 : i32 to vector<16xi32>
        %and3A_668 = arith.andi %add3A_665, %and3A_667 : vector<16xi32>
        %gather3A_669 = tpu.vector_load_idx %arg14[%add3A_553, %and3A_668] : memref<128x64xf32, #tpu.memory_space<vmem>>[vector<16xi32>, vector<16xi32>], vector<16xf32>,
        %gather3A_670 = tpu.vector_load_idx %arg15[%add3A_553, %and3A_668] : memref<128x64xf32, #tpu.memory_space<vmem>>[vector<16xi32>, vector<16xi32>], vector<16xf32>,
        %mul3A_671 = arith.mulf %gather3A_669, %gather3A_670 : vector<16xf32>
        %add3A_672 = arith.addf %add3A_646, %mul3A_671 : vector<16xf32>
        %gather3A_673 = tpu.vector_load_idx %arg16[%add3A_556, %and3A_668] : memref<640x64xf32, #tpu.memory_space<vmem>>[vector<16xi32>, vector<16xi32>], vector<16xf32>,
        %mul3A_674 = arith.mulf %gather3A_669, %gather3A_673 : vector<16xf32>
        %add3A_675 = arith.addf %add3A_649, %mul3A_674 : vector<16xf32>
        %gather3A_676 = tpu.vector_load_idx %arg16[%add3A_559, %and3A_668] : memref<640x64xf32, #tpu.memory_space<vmem>>[vector<16xi32>, vector<16xi32>], vector<16xf32>,
        %mul3A_677 = arith.mulf %gather3A_669, %gather3A_676 : vector<16xf32>
        %add3A_678 = arith.addf %add3A_652, %mul3A_677 : vector<16xf32>
        %gather3A_679 = tpu.vector_load_idx %arg16[%add3A_562, %and3A_668] : memref<640x64xf32, #tpu.memory_space<vmem>>[vector<16xi32>, vector<16xi32>], vector<16xf32>,
        %mul3A_680 = arith.mulf %gather3A_669, %gather3A_679 : vector<16xf32>
        %add3A_681 = arith.addf %add3A_655, %mul3A_680 : vector<16xf32>
        %gather3A_682 = tpu.vector_load_idx %arg16[%add3A_565, %and3A_668] : memref<640x64xf32, #tpu.memory_space<vmem>>[vector<16xi32>, vector<16xi32>], vector<16xf32>,
        %mul3A_683 = arith.mulf %gather3A_669, %gather3A_682 : vector<16xf32>
        %add3A_684 = arith.addf %add3A_658, %mul3A_683 : vector<16xf32>
        %gather3A_685 = tpu.vector_load_idx %arg16[%add3A_568, %and3A_668] : memref<640x64xf32, #tpu.memory_space<vmem>>[vector<16xi32>, vector<16xi32>], vector<16xf32>,
        %mul3A_686 = arith.mulf %gather3A_669, %gather3A_685 : vector<16xf32>
        %add3A_687 = arith.addf %add3A_661, %mul3A_686 : vector<16xf32>
        %add3A_688 = arith.constant 3 : i32
        %add3A_689 = arith.addi %mul3A_611, %add3A_688 : i32
        %broadcast_in_dim3A_690 = vector.broadcast %add3A_689 : i32 to vector<16xi32>
        %add3A_691 = arith.addi %broadcast_in_dim3A_690, %iota3A : vector<16xi32>
        %and3A_692 = arith.constant 63 : i32
        %and3A_693 = vector.broadcast %and3A_692 : i32 to vector<16xi32>
        %and3A_694 = arith.andi %add3A_691, %and3A_693 : vector<16xi32>
        %gather3A_695 = tpu.vector_load_idx %arg14[%add3A_553, %and3A_694] : memref<128x64xf32, #tpu.memory_space<vmem>>[vector<16xi32>, vector<16xi32>], vector<16xf32>,
        %gather3A_696 = tpu.vector_load_idx %arg15[%add3A_553, %and3A_694] : memref<128x64xf32, #tpu.memory_space<vmem>>[vector<16xi32>, vector<16xi32>], vector<16xf32>,
        %mul3A_697 = arith.mulf %gather3A_695, %gather3A_696 : vector<16xf32>
        %add3A_698 = arith.addf %add3A_672, %mul3A_697 : vector<16xf32>
        %gather3A_699 = tpu.vector_load_idx %arg16[%add3A_556, %and3A_694] : memref<640x64xf32, #tpu.memory_space<vmem>>[vector<16xi32>, vector<16xi32>], vector<16xf32>,
        %mul3A_700 = arith.mulf %gather3A_695, %gather3A_699 : vector<16xf32>
        %add3A_701 = arith.addf %add3A_675, %mul3A_700 : vector<16xf32>
        %gather3A_702 = tpu.vector_load_idx %arg16[%add3A_559, %and3A_694] : memref<640x64xf32, #tpu.memory_space<vmem>>[vector<16xi32>, vector<16xi32>], vector<16xf32>,
        %mul3A_703 = arith.mulf %gather3A_695, %gather3A_702 : vector<16xf32>
        %add3A_704 = arith.addf %add3A_678, %mul3A_703 : vector<16xf32>
        %gather3A_705 = tpu.vector_load_idx %arg16[%add3A_562, %and3A_694] : memref<640x64xf32, #tpu.memory_space<vmem>>[vector<16xi32>, vector<16xi32>], vector<16xf32>,
        %mul3A_706 = arith.mulf %gather3A_695, %gather3A_705 : vector<16xf32>
        %add3A_707 = arith.addf %add3A_681, %mul3A_706 : vector<16xf32>
        %gather3A_708 = tpu.vector_load_idx %arg16[%add3A_565, %and3A_694] : memref<640x64xf32, #tpu.memory_space<vmem>>[vector<16xi32>, vector<16xi32>], vector<16xf32>,
        %mul3A_709 = arith.mulf %gather3A_695, %gather3A_708 : vector<16xf32>
        %add3A_710 = arith.addf %add3A_684, %mul3A_709 : vector<16xf32>
        %gather3A_711 = tpu.vector_load_idx %arg16[%add3A_568, %and3A_694] : memref<640x64xf32, #tpu.memory_space<vmem>>[vector<16xi32>, vector<16xi32>], vector<16xf32>,
        %mul3A_712 = arith.mulf %gather3A_695, %gather3A_711 : vector<16xf32>
        %add3A_713 = arith.addf %add3A_687, %mul3A_712 : vector<16xf32>
        scf.yield %add3A_698, %add3A_701, %add3A_704, %add3A_707, %add3A_710, %add3A_713 : vector<16xf32>, vector<16xf32>, vector<16xf32>, vector<16xf32>, vector<16xf32>, vector<16xf32>
      }
      %scan3A_575 = arith.constant 16 : i32
      %mul3A_576 = arith.constant 16 : i32
      %mul3A_577 = arith.muli %scan3A_549, %mul3A_576 : i32
      %add3A_578 = arith.constant 128 : i32
      %add3A_579 = arith.addi %add3A_578, %mul3A_577 : i32
      %swap3A = arith.constant 0 : i32
      %swap3A_580 = arith.index_cast %swap3A : i32 to index
      %swap3A_581 = arith.index_cast %add3A_579 : i32 to index
      %swap3A_582 = tpu.vector_load %arg17[%swap3A_580, %swap3A_581] {strides = array<i32>} : memref<6x512xf32, #tpu.memory_space<vmem>>, vector<16xf32>,
      tpu.vector_store %arg17[%swap3A_580, %swap3A_581], %scan3A_574#0 {strides = array<i32>} : memref<6x512xf32, #tpu.memory_space<vmem>>, vector<16xf32>,
      %swap3A_583 = arith.constant 1 : i32
      %swap3A_584 = arith.index_cast %swap3A_583 : i32 to index
      %swap3A_585 = arith.index_cast %add3A_579 : i32 to index
      %swap3A_586 = tpu.vector_load %arg17[%swap3A_584, %swap3A_585] {strides = array<i32>} : memref<6x512xf32, #tpu.memory_space<vmem>>, vector<16xf32>,
      tpu.vector_store %arg17[%swap3A_584, %swap3A_585], %scan3A_574#1 {strides = array<i32>} : memref<6x512xf32, #tpu.memory_space<vmem>>, vector<16xf32>,
      %swap3A_587 = arith.constant 2 : i32
      %swap3A_588 = arith.index_cast %swap3A_587 : i32 to index
      %swap3A_589 = arith.index_cast %add3A_579 : i32 to index
      %swap3A_590 = tpu.vector_load %arg17[%swap3A_588, %swap3A_589] {strides = array<i32>} : memref<6x512xf32, #tpu.memory_space<vmem>>, vector<16xf32>,
      tpu.vector_store %arg17[%swap3A_588, %swap3A_589], %scan3A_574#2 {strides = array<i32>} : memref<6x512xf32, #tpu.memory_space<vmem>>, vector<16xf32>,
      %swap3A_591 = arith.constant 3 : i32
      %swap3A_592 = arith.index_cast %swap3A_591 : i32 to index
      %swap3A_593 = arith.index_cast %add3A_579 : i32 to index
      %swap3A_594 = tpu.vector_load %arg17[%swap3A_592, %swap3A_593] {strides = array<i32>} : memref<6x512xf32, #tpu.memory_space<vmem>>, vector<16xf32>,
      tpu.vector_store %arg17[%swap3A_592, %swap3A_593], %scan3A_574#3 {strides = array<i32>} : memref<6x512xf32, #tpu.memory_space<vmem>>, vector<16xf32>,
      %swap3A_595 = arith.constant 4 : i32
      %swap3A_596 = arith.index_cast %swap3A_595 : i32 to index
      %swap3A_597 = arith.index_cast %add3A_579 : i32 to index
      %swap3A_598 = tpu.vector_load %arg17[%swap3A_596, %swap3A_597] {strides = array<i32>} : memref<6x512xf32, #tpu.memory_space<vmem>>, vector<16xf32>,
      tpu.vector_store %arg17[%swap3A_596, %swap3A_597], %scan3A_574#4 {strides = array<i32>} : memref<6x512xf32, #tpu.memory_space<vmem>>, vector<16xf32>,
      %swap3A_599 = arith.constant 5 : i32
      %swap3A_600 = arith.index_cast %swap3A_599 : i32 to index
      %swap3A_601 = arith.index_cast %add3A_579 : i32 to index
      %swap3A_602 = tpu.vector_load %arg17[%swap3A_600, %swap3A_601] {strides = array<i32>} : memref<6x512xf32, #tpu.memory_space<vmem>>, vector<16xf32>,
      tpu.vector_store %arg17[%swap3A_600, %swap3A_601], %scan3A_574#5 {strides = array<i32>} : memref<6x512xf32, #tpu.memory_space<vmem>>, vector<16xf32>,
    }
    %scan3A_332 = arith.constant 8 : i32
    %dma_wait3A_333 = arith.constant 256 : i32
    %dma_wait3A_334 = tpu.memref_slice %arg8[%dma_wait3A_333] : memref<512xi32, #tpu.memory_space<vmem>> -> memref<128xi32, #tpu.memory_space<vmem>>
    %dma_wait3A_335 = arith.constant 0 : i32
    %dma_wait3A_336 = arith.constant 0 : i32
    %dma_wait3A_337 = tpu.memref_slice %arg5[%dma_wait3A_335, %dma_wait3A_336] : memref<100000x64xf32, #tpu.memory_space<hbm>> -> memref<100000x64xf32, #tpu.memory_space<hbm>>
    tpu.wait_indirect_dma semaphore(%arg18 : memref<!tpu.dma_semaphore, #tpu.memory_space<semaphore_mem>>) src(%dma_wait3A_337 : memref<100000x64xf32, #tpu.memory_space<hbm>>) dst(%arg11 : memref<128x64xf32, #tpu.memory_space<vmem>>)
    %dma_wait3A_338 = arith.constant 256 : i32
    %dma_wait3A_339 = tpu.memref_slice %arg9[%dma_wait3A_338] : memref<512xi32, #tpu.memory_space<vmem>> -> memref<128xi32, #tpu.memory_space<vmem>>
    %dma_wait3A_340 = arith.constant 0 : i32
    %dma_wait3A_341 = arith.constant 0 : i32
    %dma_wait3A_342 = tpu.memref_slice %arg6[%dma_wait3A_340, %dma_wait3A_341] : memref<100000x64xf32, #tpu.memory_space<hbm>> -> memref<100000x64xf32, #tpu.memory_space<hbm>>
    tpu.wait_indirect_dma semaphore(%arg18 : memref<!tpu.dma_semaphore, #tpu.memory_space<semaphore_mem>>) src(%dma_wait3A_342 : memref<100000x64xf32, #tpu.memory_space<hbm>>) dst(%arg12 : memref<128x64xf32, #tpu.memory_space<vmem>>)
    %dma_wait3A_343 = arith.constant 0 : i32
    %dma_wait3A_344 = arith.constant 0 : i32
    %dma_wait3A_345 = arith.constant 0 : i32
    %dma_wait3A_346 = tpu.memref_slice %arg13[%dma_wait3A_344, %dma_wait3A_345] : memref<640x64xf32, #tpu.memory_space<vmem>> -> memref<128x64xf32, #tpu.memory_space<vmem>>
    %dma_wait3A_347 = arith.constant 256 : i32
    %dma_wait3A_348 = tpu.memref_slice %arg10[%dma_wait3A_343, %dma_wait3A_347] : memref<5x512xi32, #tpu.memory_space<vmem>> -> memref<1x128xi32, #tpu.memory_space<vmem>>
    %dma_wait3A_349 = tpu.memref_squeeze %dma_wait3A_348 : memref<1x128xi32, #tpu.memory_space<vmem>> -> memref<128xi32, #tpu.memory_space<vmem>>
    %dma_wait3A_350 = arith.constant 0 : i32
    %dma_wait3A_351 = arith.constant 0 : i32
    %dma_wait3A_352 = tpu.memref_slice %arg6[%dma_wait3A_350, %dma_wait3A_351] : memref<100000x64xf32, #tpu.memory_space<hbm>> -> memref<100000x64xf32, #tpu.memory_space<hbm>>
    tpu.wait_indirect_dma semaphore(%arg18 : memref<!tpu.dma_semaphore, #tpu.memory_space<semaphore_mem>>) src(%dma_wait3A_352 : memref<100000x64xf32, #tpu.memory_space<hbm>>) dst(%dma_wait3A_346 : memref<128x64xf32, #tpu.memory_space<vmem>>)
    %dma_wait3A_353 = arith.constant 1 : i32
    %dma_wait3A_354 = arith.constant 128 : i32
    %dma_wait3A_355 = arith.constant 0 : i32
    %dma_wait3A_356 = tpu.memref_slice %arg13[%dma_wait3A_354, %dma_wait3A_355] : memref<640x64xf32, #tpu.memory_space<vmem>> -> memref<128x64xf32, #tpu.memory_space<vmem>>
    %dma_wait3A_357 = arith.constant 256 : i32
    %dma_wait3A_358 = tpu.memref_slice %arg10[%dma_wait3A_353, %dma_wait3A_357] : memref<5x512xi32, #tpu.memory_space<vmem>> -> memref<1x128xi32, #tpu.memory_space<vmem>>
    %dma_wait3A_359 = tpu.memref_squeeze %dma_wait3A_358 : memref<1x128xi32, #tpu.memory_space<vmem>> -> memref<128xi32, #tpu.memory_space<vmem>>
    %dma_wait3A_360 = arith.constant 0 : i32
    %dma_wait3A_361 = arith.constant 0 : i32
    %dma_wait3A_362 = tpu.memref_slice %arg6[%dma_wait3A_360, %dma_wait3A_361] : memref<100000x64xf32, #tpu.memory_space<hbm>> -> memref<100000x64xf32, #tpu.memory_space<hbm>>
    tpu.wait_indirect_dma semaphore(%arg18 : memref<!tpu.dma_semaphore, #tpu.memory_space<semaphore_mem>>) src(%dma_wait3A_362 : memref<100000x64xf32, #tpu.memory_space<hbm>>) dst(%dma_wait3A_356 : memref<128x64xf32, #tpu.memory_space<vmem>>)
    %dma_wait3A_363 = arith.constant 2 : i32
    %dma_wait3A_364 = arith.constant 256 : i32
    %dma_wait3A_365 = arith.constant 0 : i32
    %dma_wait3A_366 = tpu.memref_slice %arg13[%dma_wait3A_364, %dma_wait3A_365] : memref<640x64xf32, #tpu.memory_space<vmem>> -> memref<128x64xf32, #tpu.memory_space<vmem>>
    %dma_wait3A_367 = arith.constant 256 : i32
    %dma_wait3A_368 = tpu.memref_slice %arg10[%dma_wait3A_363, %dma_wait3A_367] : memref<5x512xi32, #tpu.memory_space<vmem>> -> memref<1x128xi32, #tpu.memory_space<vmem>>
    %dma_wait3A_369 = tpu.memref_squeeze %dma_wait3A_368 : memref<1x128xi32, #tpu.memory_space<vmem>> -> memref<128xi32, #tpu.memory_space<vmem>>
    %dma_wait3A_370 = arith.constant 0 : i32
    %dma_wait3A_371 = arith.constant 0 : i32
    %dma_wait3A_372 = tpu.memref_slice %arg6[%dma_wait3A_370, %dma_wait3A_371] : memref<100000x64xf32, #tpu.memory_space<hbm>> -> memref<100000x64xf32, #tpu.memory_space<hbm>>
    tpu.wait_indirect_dma semaphore(%arg18 : memref<!tpu.dma_semaphore, #tpu.memory_space<semaphore_mem>>) src(%dma_wait3A_372 : memref<100000x64xf32, #tpu.memory_space<hbm>>) dst(%dma_wait3A_366 : memref<128x64xf32, #tpu.memory_space<vmem>>)
    %dma_wait3A_373 = arith.constant 3 : i32
    %dma_wait3A_374 = arith.constant 384 : i32
    %dma_wait3A_375 = arith.constant 0 : i32
    %dma_wait3A_376 = tpu.memref_slice %arg13[%dma_wait3A_374, %dma_wait3A_375] : memref<640x64xf32, #tpu.memory_space<vmem>> -> memref<128x64xf32, #tpu.memory_space<vmem>>
    %dma_wait3A_377 = arith.constant 256 : i32
    %dma_wait3A_378 = tpu.memref_slice %arg10[%dma_wait3A_373, %dma_wait3A_377] : memref<5x512xi32, #tpu.memory_space<vmem>> -> memref<1x128xi32, #tpu.memory_space<vmem>>
    %dma_wait3A_379 = tpu.memref_squeeze %dma_wait3A_378 : memref<1x128xi32, #tpu.memory_space<vmem>> -> memref<128xi32, #tpu.memory_space<vmem>>
    %dma_wait3A_380 = arith.constant 0 : i32
    %dma_wait3A_381 = arith.constant 0 : i32
    %dma_wait3A_382 = tpu.memref_slice %arg6[%dma_wait3A_380, %dma_wait3A_381] : memref<100000x64xf32, #tpu.memory_space<hbm>> -> memref<100000x64xf32, #tpu.memory_space<hbm>>
    tpu.wait_indirect_dma semaphore(%arg18 : memref<!tpu.dma_semaphore, #tpu.memory_space<semaphore_mem>>) src(%dma_wait3A_382 : memref<100000x64xf32, #tpu.memory_space<hbm>>) dst(%dma_wait3A_376 : memref<128x64xf32, #tpu.memory_space<vmem>>)
    %dma_wait3A_383 = arith.constant 4 : i32
    %dma_wait3A_384 = arith.constant 512 : i32
    %dma_wait3A_385 = arith.constant 0 : i32
    %dma_wait3A_386 = tpu.memref_slice %arg13[%dma_wait3A_384, %dma_wait3A_385] : memref<640x64xf32, #tpu.memory_space<vmem>> -> memref<128x64xf32, #tpu.memory_space<vmem>>
    %dma_wait3A_387 = arith.constant 256 : i32
    %dma_wait3A_388 = tpu.memref_slice %arg10[%dma_wait3A_383, %dma_wait3A_387] : memref<5x512xi32, #tpu.memory_space<vmem>> -> memref<1x128xi32, #tpu.memory_space<vmem>>
    %dma_wait3A_389 = tpu.memref_squeeze %dma_wait3A_388 : memref<1x128xi32, #tpu.memory_space<vmem>> -> memref<128xi32, #tpu.memory_space<vmem>>
    %dma_wait3A_390 = arith.constant 0 : i32
    %dma_wait3A_391 = arith.constant 0 : i32
    %dma_wait3A_392 = tpu.memref_slice %arg6[%dma_wait3A_390, %dma_wait3A_391] : memref<100000x64xf32, #tpu.memory_space<hbm>> -> memref<100000x64xf32, #tpu.memory_space<hbm>>
    tpu.wait_indirect_dma semaphore(%arg18 : memref<!tpu.dma_semaphore, #tpu.memory_space<semaphore_mem>>) src(%dma_wait3A_392 : memref<100000x64xf32, #tpu.memory_space<hbm>>) dst(%dma_wait3A_386 : memref<128x64xf32, #tpu.memory_space<vmem>>)
    %dma_start3A_393 = arith.constant 384 : i32
    %dma_start3A_394 = tpu.memref_slice %arg8[%dma_start3A_393] : memref<512xi32, #tpu.memory_space<vmem>> -> memref<128xi32, #tpu.memory_space<vmem>>
    %dma_start3A_395 = arith.constant 0 : i32
    %dma_start3A_396 = arith.constant 0 : i32
    %dma_start3A_397 = tpu.memref_slice %arg5[%dma_start3A_395, %dma_start3A_396] : memref<100000x64xf32, #tpu.memory_space<hbm>> -> memref<100000x64xf32, #tpu.memory_space<hbm>>
    tpu.enqueue_indirect_dma source(%dma_start3A_397 : memref<100000x64xf32, #tpu.memory_space<hbm>>) target(%arg14 : memref<128x64xf32, #tpu.memory_space<vmem>>) offsets(%dma_start3A_394 : memref<128xi32, #tpu.memory_space<vmem>>) semaphore(%arg19 : memref<!tpu.dma_semaphore, #tpu.memory_space<semaphore_mem>>)
    %dma_start3A_398 = arith.constant 384 : i32
    %dma_start3A_399 = tpu.memref_slice %arg9[%dma_start3A_398] : memref<512xi32, #tpu.memory_space<vmem>> -> memref<128xi32, #tpu.memory_space<vmem>>
    %dma_start3A_400 = arith.constant 0 : i32
    %dma_start3A_401 = arith.constant 0 : i32
    %dma_start3A_402 = tpu.memref_slice %arg6[%dma_start3A_400, %dma_start3A_401] : memref<100000x64xf32, #tpu.memory_space<hbm>> -> memref<100000x64xf32, #tpu.memory_space<hbm>>
    tpu.enqueue_indirect_dma source(%dma_start3A_402 : memref<100000x64xf32, #tpu.memory_space<hbm>>) target(%arg15 : memref<128x64xf32, #tpu.memory_space<vmem>>) offsets(%dma_start3A_399 : memref<128xi32, #tpu.memory_space<vmem>>) semaphore(%arg19 : memref<!tpu.dma_semaphore, #tpu.memory_space<semaphore_mem>>)
    %dma_start3A_403 = arith.constant 0 : i32
    %dma_start3A_404 = arith.constant 0 : i32
    %dma_start3A_405 = arith.constant 0 : i32
    %dma_start3A_406 = tpu.memref_slice %arg16[%dma_start3A_404, %dma_start3A_405] : memref<640x64xf32, #tpu.memory_space<vmem>> -> memref<128x64xf32, #tpu.memory_space<vmem>>
    %dma_start3A_407 = arith.constant 384 : i32
    %dma_start3A_408 = tpu.memref_slice %arg10[%dma_start3A_403, %dma_start3A_407] : memref<5x512xi32, #tpu.memory_space<vmem>> -> memref<1x128xi32, #tpu.memory_space<vmem>>
    %dma_start3A_409 = tpu.memref_squeeze %dma_start3A_408 : memref<1x128xi32, #tpu.memory_space<vmem>> -> memref<128xi32, #tpu.memory_space<vmem>>
    %dma_start3A_410 = arith.constant 0 : i32
    %dma_start3A_411 = arith.constant 0 : i32
    %dma_start3A_412 = tpu.memref_slice %arg6[%dma_start3A_410, %dma_start3A_411] : memref<100000x64xf32, #tpu.memory_space<hbm>> -> memref<100000x64xf32, #tpu.memory_space<hbm>>
    tpu.enqueue_indirect_dma source(%dma_start3A_412 : memref<100000x64xf32, #tpu.memory_space<hbm>>) target(%dma_start3A_406 : memref<128x64xf32, #tpu.memory_space<vmem>>) offsets(%dma_start3A_409 : memref<128xi32, #tpu.memory_space<vmem>>) semaphore(%arg19 : memref<!tpu.dma_semaphore, #tpu.memory_space<semaphore_mem>>)
    %dma_start3A_413 = arith.constant 1 : i32
    %dma_start3A_414 = arith.constant 128 : i32
    %dma_start3A_415 = arith.constant 0 : i32
    %dma_start3A_416 = tpu.memref_slice %arg16[%dma_start3A_414, %dma_start3A_415] : memref<640x64xf32, #tpu.memory_space<vmem>> -> memref<128x64xf32, #tpu.memory_space<vmem>>
    %dma_start3A_417 = arith.constant 384 : i32
    %dma_start3A_418 = tpu.memref_slice %arg10[%dma_start3A_413, %dma_start3A_417] : memref<5x512xi32, #tpu.memory_space<vmem>> -> memref<1x128xi32, #tpu.memory_space<vmem>>
    %dma_start3A_419 = tpu.memref_squeeze %dma_start3A_418 : memref<1x128xi32, #tpu.memory_space<vmem>> -> memref<128xi32, #tpu.memory_space<vmem>>
    %dma_start3A_420 = arith.constant 0 : i32
    %dma_start3A_421 = arith.constant 0 : i32
    %dma_start3A_422 = tpu.memref_slice %arg6[%dma_start3A_420, %dma_start3A_421] : memref<100000x64xf32, #tpu.memory_space<hbm>> -> memref<100000x64xf32, #tpu.memory_space<hbm>>
    tpu.enqueue_indirect_dma source(%dma_start3A_422 : memref<100000x64xf32, #tpu.memory_space<hbm>>) target(%dma_start3A_416 : memref<128x64xf32, #tpu.memory_space<vmem>>) offsets(%dma_start3A_419 : memref<128xi32, #tpu.memory_space<vmem>>) semaphore(%arg19 : memref<!tpu.dma_semaphore, #tpu.memory_space<semaphore_mem>>)
    %dma_start3A_423 = arith.constant 2 : i32
    %dma_start3A_424 = arith.constant 256 : i32
    %dma_start3A_425 = arith.constant 0 : i32
    %dma_start3A_426 = tpu.memref_slice %arg16[%dma_start3A_424, %dma_start3A_425] : memref<640x64xf32, #tpu.memory_space<vmem>> -> memref<128x64xf32, #tpu.memory_space<vmem>>
    %dma_start3A_427 = arith.constant 384 : i32
    %dma_start3A_428 = tpu.memref_slice %arg10[%dma_start3A_423, %dma_start3A_427] : memref<5x512xi32, #tpu.memory_space<vmem>> -> memref<1x128xi32, #tpu.memory_space<vmem>>
    %dma_start3A_429 = tpu.memref_squeeze %dma_start3A_428 : memref<1x128xi32, #tpu.memory_space<vmem>> -> memref<128xi32, #tpu.memory_space<vmem>>
    %dma_start3A_430 = arith.constant 0 : i32
    %dma_start3A_431 = arith.constant 0 : i32
    %dma_start3A_432 = tpu.memref_slice %arg6[%dma_start3A_430, %dma_start3A_431] : memref<100000x64xf32, #tpu.memory_space<hbm>> -> memref<100000x64xf32, #tpu.memory_space<hbm>>
    tpu.enqueue_indirect_dma source(%dma_start3A_432 : memref<100000x64xf32, #tpu.memory_space<hbm>>) target(%dma_start3A_426 : memref<128x64xf32, #tpu.memory_space<vmem>>) offsets(%dma_start3A_429 : memref<128xi32, #tpu.memory_space<vmem>>) semaphore(%arg19 : memref<!tpu.dma_semaphore, #tpu.memory_space<semaphore_mem>>)
    %dma_start3A_433 = arith.constant 3 : i32
    %dma_start3A_434 = arith.constant 384 : i32
    %dma_start3A_435 = arith.constant 0 : i32
    %dma_start3A_436 = tpu.memref_slice %arg16[%dma_start3A_434, %dma_start3A_435] : memref<640x64xf32, #tpu.memory_space<vmem>> -> memref<128x64xf32, #tpu.memory_space<vmem>>
    %dma_start3A_437 = arith.constant 384 : i32
    %dma_start3A_438 = tpu.memref_slice %arg10[%dma_start3A_433, %dma_start3A_437] : memref<5x512xi32, #tpu.memory_space<vmem>> -> memref<1x128xi32, #tpu.memory_space<vmem>>
    %dma_start3A_439 = tpu.memref_squeeze %dma_start3A_438 : memref<1x128xi32, #tpu.memory_space<vmem>> -> memref<128xi32, #tpu.memory_space<vmem>>
    %dma_start3A_440 = arith.constant 0 : i32
    %dma_start3A_441 = arith.constant 0 : i32
    %dma_start3A_442 = tpu.memref_slice %arg6[%dma_start3A_440, %dma_start3A_441] : memref<100000x64xf32, #tpu.memory_space<hbm>> -> memref<100000x64xf32, #tpu.memory_space<hbm>>
    tpu.enqueue_indirect_dma source(%dma_start3A_442 : memref<100000x64xf32, #tpu.memory_space<hbm>>) target(%dma_start3A_436 : memref<128x64xf32, #tpu.memory_space<vmem>>) offsets(%dma_start3A_439 : memref<128xi32, #tpu.memory_space<vmem>>) semaphore(%arg19 : memref<!tpu.dma_semaphore, #tpu.memory_space<semaphore_mem>>)
    %dma_start3A_443 = arith.constant 4 : i32
    %dma_start3A_444 = arith.constant 512 : i32
    %dma_start3A_445 = arith.constant 0 : i32
    %dma_start3A_446 = tpu.memref_slice %arg16[%dma_start3A_444, %dma_start3A_445] : memref<640x64xf32, #tpu.memory_space<vmem>> -> memref<128x64xf32, #tpu.memory_space<vmem>>
    %dma_start3A_447 = arith.constant 384 : i32
    %dma_start3A_448 = tpu.memref_slice %arg10[%dma_start3A_443, %dma_start3A_447] : memref<5x512xi32, #tpu.memory_space<vmem>> -> memref<1x128xi32, #tpu.memory_space<vmem>>
    %dma_start3A_449 = tpu.memref_squeeze %dma_start3A_448 : memref<1x128xi32, #tpu.memory_space<vmem>> -> memref<128xi32, #tpu.memory_space<vmem>>
    %dma_start3A_450 = arith.constant 0 : i32
    %dma_start3A_451 = arith.constant 0 : i32
    %dma_start3A_452 = tpu.memref_slice %arg6[%dma_start3A_450, %dma_start3A_451] : memref<100000x64xf32, #tpu.memory_space<hbm>> -> memref<100000x64xf32, #tpu.memory_space<hbm>>
    tpu.enqueue_indirect_dma source(%dma_start3A_452 : memref<100000x64xf32, #tpu.memory_space<hbm>>) target(%dma_start3A_446 : memref<128x64xf32, #tpu.memory_space<vmem>>) offsets(%dma_start3A_449 : memref<128xi32, #tpu.memory_space<vmem>>) semaphore(%arg19 : memref<!tpu.dma_semaphore, #tpu.memory_space<semaphore_mem>>)
    %scan3A_453 = arith.constant 0 : i32
    %scan3A_454 = arith.constant 0 : i32
    %scan3A_455 = arith.constant 8 : i32
    %scan3A_456 = arith.addi %scan3A_454, %scan3A_455 : i32
    %scan3A_457 = arith.constant 1 : i32
    scf.for %scan3A_549 = %scan3A_454 to %scan3A_456 step %scan3A_457  : i32 {
      %mul3A_550 = arith.constant 16 : i32
      %mul3A_551 = arith.muli %scan3A_549, %mul3A_550 : i32
      %add3A_552 = vector.broadcast %mul3A_551 : i32 to vector<16xi32>
      %add3A_553 = arith.addi %add3A_552, %iota3A : vector<16xi32>
      %add3A_554 = arith.constant 0 : i32
      %add3A_555 = vector.broadcast %add3A_554 : i32 to vector<16xi32>
      %add3A_556 = arith.addi %add3A_553, %add3A_555 : vector<16xi32>
      %add3A_557 = arith.constant 128 : i32
      %add3A_558 = vector.broadcast %add3A_557 : i32 to vector<16xi32>
      %add3A_559 = arith.addi %add3A_553, %add3A_558 : vector<16xi32>
      %add3A_560 = arith.constant 256 : i32
      %add3A_561 = vector.broadcast %add3A_560 : i32 to vector<16xi32>
      %add3A_562 = arith.addi %add3A_553, %add3A_561 : vector<16xi32>
      %add3A_563 = arith.constant 384 : i32
      %add3A_564 = vector.broadcast %add3A_563 : i32 to vector<16xi32>
      %add3A_565 = arith.addi %add3A_553, %add3A_564 : vector<16xi32>
      %add3A_566 = arith.constant 512 : i32
      %add3A_567 = vector.broadcast %add3A_566 : i32 to vector<16xi32>
      %add3A_568 = arith.addi %add3A_553, %add3A_567 : vector<16xi32>
      %broadcast_in_dim3A = arith.constant 0.000000e+00 : f32
      %broadcast_in_dim3A_569 = vector.broadcast %broadcast_in_dim3A : f32 to vector<16xf32>
      %scan3A_570 = arith.constant 0 : i32
      %scan3A_571 = arith.constant 16 : i32
      %scan3A_572 = arith.addi %scan3A_570, %scan3A_571 : i32
      %scan3A_573 = arith.constant 1 : i32
      %scan3A_574:6 = scf.for %scan3A_603 = %scan3A_570 to %scan3A_572 step %scan3A_573 iter_args(%scan3A_604 = %broadcast_in_dim3A_569, %scan3A_605 = %broadcast_in_dim3A_569, %scan3A_606 = %broadcast_in_dim3A_569, %scan3A_607 = %broadcast_in_dim3A_569, %scan3A_608 = %broadcast_in_dim3A_569, %scan3A_609 = %broadcast_in_dim3A_569) -> (vector<16xf32>, vector<16xf32>, vector<16xf32>, vector<16xf32>, vector<16xf32>, vector<16xf32>)  : i32 {
        %mul3A_610 = arith.constant 4 : i32
        %mul3A_611 = arith.muli %scan3A_603, %mul3A_610 : i32
        %add3A_612 = arith.constant 0 : i32
        %add3A_613 = arith.addi %mul3A_611, %add3A_612 : i32
        %broadcast_in_dim3A_614 = vector.broadcast %add3A_613 : i32 to vector<16xi32>
        %add3A_615 = arith.addi %broadcast_in_dim3A_614, %iota3A : vector<16xi32>
        %and3A = arith.constant 63 : i32
        %and3A_616 = vector.broadcast %and3A : i32 to vector<16xi32>
        %and3A_617 = arith.andi %add3A_615, %and3A_616 : vector<16xi32>
        %gather3A = tpu.vector_load_idx %arg11[%add3A_553, %and3A_617] : memref<128x64xf32, #tpu.memory_space<vmem>>[vector<16xi32>, vector<16xi32>], vector<16xf32>,
        %gather3A_618 = tpu.vector_load_idx %arg12[%add3A_553, %and3A_617] : memref<128x64xf32, #tpu.memory_space<vmem>>[vector<16xi32>, vector<16xi32>], vector<16xf32>,
        %mul3A_619 = arith.mulf %gather3A, %gather3A_618 : vector<16xf32>
        %add3A_620 = arith.addf %scan3A_604, %mul3A_619 : vector<16xf32>
        %gather3A_621 = tpu.vector_load_idx %arg13[%add3A_556, %and3A_617] : memref<640x64xf32, #tpu.memory_space<vmem>>[vector<16xi32>, vector<16xi32>], vector<16xf32>,
        %mul3A_622 = arith.mulf %gather3A, %gather3A_621 : vector<16xf32>
        %add3A_623 = arith.addf %scan3A_605, %mul3A_622 : vector<16xf32>
        %gather3A_624 = tpu.vector_load_idx %arg13[%add3A_559, %and3A_617] : memref<640x64xf32, #tpu.memory_space<vmem>>[vector<16xi32>, vector<16xi32>], vector<16xf32>,
        %mul3A_625 = arith.mulf %gather3A, %gather3A_624 : vector<16xf32>
        %add3A_626 = arith.addf %scan3A_606, %mul3A_625 : vector<16xf32>
        %gather3A_627 = tpu.vector_load_idx %arg13[%add3A_562, %and3A_617] : memref<640x64xf32, #tpu.memory_space<vmem>>[vector<16xi32>, vector<16xi32>], vector<16xf32>,
        %mul3A_628 = arith.mulf %gather3A, %gather3A_627 : vector<16xf32>
        %add3A_629 = arith.addf %scan3A_607, %mul3A_628 : vector<16xf32>
        %gather3A_630 = tpu.vector_load_idx %arg13[%add3A_565, %and3A_617] : memref<640x64xf32, #tpu.memory_space<vmem>>[vector<16xi32>, vector<16xi32>], vector<16xf32>,
        %mul3A_631 = arith.mulf %gather3A, %gather3A_630 : vector<16xf32>
        %add3A_632 = arith.addf %scan3A_608, %mul3A_631 : vector<16xf32>
        %gather3A_633 = tpu.vector_load_idx %arg13[%add3A_568, %and3A_617] : memref<640x64xf32, #tpu.memory_space<vmem>>[vector<16xi32>, vector<16xi32>], vector<16xf32>,
        %mul3A_634 = arith.mulf %gather3A, %gather3A_633 : vector<16xf32>
        %add3A_635 = arith.addf %scan3A_609, %mul3A_634 : vector<16xf32>
        %add3A_636 = arith.constant 1 : i32
        %add3A_637 = arith.addi %mul3A_611, %add3A_636 : i32
        %broadcast_in_dim3A_638 = vector.broadcast %add3A_637 : i32 to vector<16xi32>
        %add3A_639 = arith.addi %broadcast_in_dim3A_638, %iota3A : vector<16xi32>
        %and3A_640 = arith.constant 63 : i32
        %and3A_641 = vector.broadcast %and3A_640 : i32 to vector<16xi32>
        %and3A_642 = arith.andi %add3A_639, %and3A_641 : vector<16xi32>
        %gather3A_643 = tpu.vector_load_idx %arg11[%add3A_553, %and3A_642] : memref<128x64xf32, #tpu.memory_space<vmem>>[vector<16xi32>, vector<16xi32>], vector<16xf32>,
        %gather3A_644 = tpu.vector_load_idx %arg12[%add3A_553, %and3A_642] : memref<128x64xf32, #tpu.memory_space<vmem>>[vector<16xi32>, vector<16xi32>], vector<16xf32>,
        %mul3A_645 = arith.mulf %gather3A_643, %gather3A_644 : vector<16xf32>
        %add3A_646 = arith.addf %add3A_620, %mul3A_645 : vector<16xf32>
        %gather3A_647 = tpu.vector_load_idx %arg13[%add3A_556, %and3A_642] : memref<640x64xf32, #tpu.memory_space<vmem>>[vector<16xi32>, vector<16xi32>], vector<16xf32>,
        %mul3A_648 = arith.mulf %gather3A_643, %gather3A_647 : vector<16xf32>
        %add3A_649 = arith.addf %add3A_623, %mul3A_648 : vector<16xf32>
        %gather3A_650 = tpu.vector_load_idx %arg13[%add3A_559, %and3A_642] : memref<640x64xf32, #tpu.memory_space<vmem>>[vector<16xi32>, vector<16xi32>], vector<16xf32>,
        %mul3A_651 = arith.mulf %gather3A_643, %gather3A_650 : vector<16xf32>
        %add3A_652 = arith.addf %add3A_626, %mul3A_651 : vector<16xf32>
        %gather3A_653 = tpu.vector_load_idx %arg13[%add3A_562, %and3A_642] : memref<640x64xf32, #tpu.memory_space<vmem>>[vector<16xi32>, vector<16xi32>], vector<16xf32>,
        %mul3A_654 = arith.mulf %gather3A_643, %gather3A_653 : vector<16xf32>
        %add3A_655 = arith.addf %add3A_629, %mul3A_654 : vector<16xf32>
        %gather3A_656 = tpu.vector_load_idx %arg13[%add3A_565, %and3A_642] : memref<640x64xf32, #tpu.memory_space<vmem>>[vector<16xi32>, vector<16xi32>], vector<16xf32>,
        %mul3A_657 = arith.mulf %gather3A_643, %gather3A_656 : vector<16xf32>
        %add3A_658 = arith.addf %add3A_632, %mul3A_657 : vector<16xf32>
        %gather3A_659 = tpu.vector_load_idx %arg13[%add3A_568, %and3A_642] : memref<640x64xf32, #tpu.memory_space<vmem>>[vector<16xi32>, vector<16xi32>], vector<16xf32>,
        %mul3A_660 = arith.mulf %gather3A_643, %gather3A_659 : vector<16xf32>
        %add3A_661 = arith.addf %add3A_635, %mul3A_660 : vector<16xf32>
        %add3A_662 = arith.constant 2 : i32
        %add3A_663 = arith.addi %mul3A_611, %add3A_662 : i32
        %broadcast_in_dim3A_664 = vector.broadcast %add3A_663 : i32 to vector<16xi32>
        %add3A_665 = arith.addi %broadcast_in_dim3A_664, %iota3A : vector<16xi32>
        %and3A_666 = arith.constant 63 : i32
        %and3A_667 = vector.broadcast %and3A_666 : i32 to vector<16xi32>
        %and3A_668 = arith.andi %add3A_665, %and3A_667 : vector<16xi32>
        %gather3A_669 = tpu.vector_load_idx %arg11[%add3A_553, %and3A_668] : memref<128x64xf32, #tpu.memory_space<vmem>>[vector<16xi32>, vector<16xi32>], vector<16xf32>,
        %gather3A_670 = tpu.vector_load_idx %arg12[%add3A_553, %and3A_668] : memref<128x64xf32, #tpu.memory_space<vmem>>[vector<16xi32>, vector<16xi32>], vector<16xf32>,
        %mul3A_671 = arith.mulf %gather3A_669, %gather3A_670 : vector<16xf32>
        %add3A_672 = arith.addf %add3A_646, %mul3A_671 : vector<16xf32>
        %gather3A_673 = tpu.vector_load_idx %arg13[%add3A_556, %and3A_668] : memref<640x64xf32, #tpu.memory_space<vmem>>[vector<16xi32>, vector<16xi32>], vector<16xf32>,
        %mul3A_674 = arith.mulf %gather3A_669, %gather3A_673 : vector<16xf32>
        %add3A_675 = arith.addf %add3A_649, %mul3A_674 : vector<16xf32>
        %gather3A_676 = tpu.vector_load_idx %arg13[%add3A_559, %and3A_668] : memref<640x64xf32, #tpu.memory_space<vmem>>[vector<16xi32>, vector<16xi32>], vector<16xf32>,
        %mul3A_677 = arith.mulf %gather3A_669, %gather3A_676 : vector<16xf32>
        %add3A_678 = arith.addf %add3A_652, %mul3A_677 : vector<16xf32>
        %gather3A_679 = tpu.vector_load_idx %arg13[%add3A_562, %and3A_668] : memref<640x64xf32, #tpu.memory_space<vmem>>[vector<16xi32>, vector<16xi32>], vector<16xf32>,
        %mul3A_680 = arith.mulf %gather3A_669, %gather3A_679 : vector<16xf32>
        %add3A_681 = arith.addf %add3A_655, %mul3A_680 : vector<16xf32>
        %gather3A_682 = tpu.vector_load_idx %arg13[%add3A_565, %and3A_668] : memref<640x64xf32, #tpu.memory_space<vmem>>[vector<16xi32>, vector<16xi32>], vector<16xf32>,
        %mul3A_683 = arith.mulf %gather3A_669, %gather3A_682 : vector<16xf32>
        %add3A_684 = arith.addf %add3A_658, %mul3A_683 : vector<16xf32>
        %gather3A_685 = tpu.vector_load_idx %arg13[%add3A_568, %and3A_668] : memref<640x64xf32, #tpu.memory_space<vmem>>[vector<16xi32>, vector<16xi32>], vector<16xf32>,
        %mul3A_686 = arith.mulf %gather3A_669, %gather3A_685 : vector<16xf32>
        %add3A_687 = arith.addf %add3A_661, %mul3A_686 : vector<16xf32>
        %add3A_688 = arith.constant 3 : i32
        %add3A_689 = arith.addi %mul3A_611, %add3A_688 : i32
        %broadcast_in_dim3A_690 = vector.broadcast %add3A_689 : i32 to vector<16xi32>
        %add3A_691 = arith.addi %broadcast_in_dim3A_690, %iota3A : vector<16xi32>
        %and3A_692 = arith.constant 63 : i32
        %and3A_693 = vector.broadcast %and3A_692 : i32 to vector<16xi32>
        %and3A_694 = arith.andi %add3A_691, %and3A_693 : vector<16xi32>
        %gather3A_695 = tpu.vector_load_idx %arg11[%add3A_553, %and3A_694] : memref<128x64xf32, #tpu.memory_space<vmem>>[vector<16xi32>, vector<16xi32>], vector<16xf32>,
        %gather3A_696 = tpu.vector_load_idx %arg12[%add3A_553, %and3A_694] : memref<128x64xf32, #tpu.memory_space<vmem>>[vector<16xi32>, vector<16xi32>], vector<16xf32>,
        %mul3A_697 = arith.mulf %gather3A_695, %gather3A_696 : vector<16xf32>
        %add3A_698 = arith.addf %add3A_672, %mul3A_697 : vector<16xf32>
        %gather3A_699 = tpu.vector_load_idx %arg13[%add3A_556, %and3A_694] : memref<640x64xf32, #tpu.memory_space<vmem>>[vector<16xi32>, vector<16xi32>], vector<16xf32>,
        %mul3A_700 = arith.mulf %gather3A_695, %gather3A_699 : vector<16xf32>
        %add3A_701 = arith.addf %add3A_675, %mul3A_700 : vector<16xf32>
        %gather3A_702 = tpu.vector_load_idx %arg13[%add3A_559, %and3A_694] : memref<640x64xf32, #tpu.memory_space<vmem>>[vector<16xi32>, vector<16xi32>], vector<16xf32>,
        %mul3A_703 = arith.mulf %gather3A_695, %gather3A_702 : vector<16xf32>
        %add3A_704 = arith.addf %add3A_678, %mul3A_703 : vector<16xf32>
        %gather3A_705 = tpu.vector_load_idx %arg13[%add3A_562, %and3A_694] : memref<640x64xf32, #tpu.memory_space<vmem>>[vector<16xi32>, vector<16xi32>], vector<16xf32>,
        %mul3A_706 = arith.mulf %gather3A_695, %gather3A_705 : vector<16xf32>
        %add3A_707 = arith.addf %add3A_681, %mul3A_706 : vector<16xf32>
        %gather3A_708 = tpu.vector_load_idx %arg13[%add3A_565, %and3A_694] : memref<640x64xf32, #tpu.memory_space<vmem>>[vector<16xi32>, vector<16xi32>], vector<16xf32>,
        %mul3A_709 = arith.mulf %gather3A_695, %gather3A_708 : vector<16xf32>
        %add3A_710 = arith.addf %add3A_684, %mul3A_709 : vector<16xf32>
        %gather3A_711 = tpu.vector_load_idx %arg13[%add3A_568, %and3A_694] : memref<640x64xf32, #tpu.memory_space<vmem>>[vector<16xi32>, vector<16xi32>], vector<16xf32>,
        %mul3A_712 = arith.mulf %gather3A_695, %gather3A_711 : vector<16xf32>
        %add3A_713 = arith.addf %add3A_687, %mul3A_712 : vector<16xf32>
        scf.yield %add3A_698, %add3A_701, %add3A_704, %add3A_707, %add3A_710, %add3A_713 : vector<16xf32>, vector<16xf32>, vector<16xf32>, vector<16xf32>, vector<16xf32>, vector<16xf32>
      }
      %scan3A_575 = arith.constant 16 : i32
      %mul3A_576 = arith.constant 16 : i32
      %mul3A_577 = arith.muli %scan3A_549, %mul3A_576 : i32
      %add3A_578 = arith.constant 256 : i32
      %add3A_579 = arith.addi %add3A_578, %mul3A_577 : i32
      %swap3A = arith.constant 0 : i32
      %swap3A_580 = arith.index_cast %swap3A : i32 to index
      %swap3A_581 = arith.index_cast %add3A_579 : i32 to index
      %swap3A_582 = tpu.vector_load %arg17[%swap3A_580, %swap3A_581] {strides = array<i32>} : memref<6x512xf32, #tpu.memory_space<vmem>>, vector<16xf32>,
      tpu.vector_store %arg17[%swap3A_580, %swap3A_581], %scan3A_574#0 {strides = array<i32>} : memref<6x512xf32, #tpu.memory_space<vmem>>, vector<16xf32>,
      %swap3A_583 = arith.constant 1 : i32
      %swap3A_584 = arith.index_cast %swap3A_583 : i32 to index
      %swap3A_585 = arith.index_cast %add3A_579 : i32 to index
      %swap3A_586 = tpu.vector_load %arg17[%swap3A_584, %swap3A_585] {strides = array<i32>} : memref<6x512xf32, #tpu.memory_space<vmem>>, vector<16xf32>,
      tpu.vector_store %arg17[%swap3A_584, %swap3A_585], %scan3A_574#1 {strides = array<i32>} : memref<6x512xf32, #tpu.memory_space<vmem>>, vector<16xf32>,
      %swap3A_587 = arith.constant 2 : i32
      %swap3A_588 = arith.index_cast %swap3A_587 : i32 to index
      %swap3A_589 = arith.index_cast %add3A_579 : i32 to index
      %swap3A_590 = tpu.vector_load %arg17[%swap3A_588, %swap3A_589] {strides = array<i32>} : memref<6x512xf32, #tpu.memory_space<vmem>>, vector<16xf32>,
      tpu.vector_store %arg17[%swap3A_588, %swap3A_589], %scan3A_574#2 {strides = array<i32>} : memref<6x512xf32, #tpu.memory_space<vmem>>, vector<16xf32>,
      %swap3A_591 = arith.constant 3 : i32
      %swap3A_592 = arith.index_cast %swap3A_591 : i32 to index
      %swap3A_593 = arith.index_cast %add3A_579 : i32 to index
      %swap3A_594 = tpu.vector_load %arg17[%swap3A_592, %swap3A_593] {strides = array<i32>} : memref<6x512xf32, #tpu.memory_space<vmem>>, vector<16xf32>,
      tpu.vector_store %arg17[%swap3A_592, %swap3A_593], %scan3A_574#3 {strides = array<i32>} : memref<6x512xf32, #tpu.memory_space<vmem>>, vector<16xf32>,
      %swap3A_595 = arith.constant 4 : i32
      %swap3A_596 = arith.index_cast %swap3A_595 : i32 to index
      %swap3A_597 = arith.index_cast %add3A_579 : i32 to index
      %swap3A_598 = tpu.vector_load %arg17[%swap3A_596, %swap3A_597] {strides = array<i32>} : memref<6x512xf32, #tpu.memory_space<vmem>>, vector<16xf32>,
      tpu.vector_store %arg17[%swap3A_596, %swap3A_597], %scan3A_574#4 {strides = array<i32>} : memref<6x512xf32, #tpu.memory_space<vmem>>, vector<16xf32>,
      %swap3A_599 = arith.constant 5 : i32
      %swap3A_600 = arith.index_cast %swap3A_599 : i32 to index
      %swap3A_601 = arith.index_cast %add3A_579 : i32 to index
      %swap3A_602 = tpu.vector_load %arg17[%swap3A_600, %swap3A_601] {strides = array<i32>} : memref<6x512xf32, #tpu.memory_space<vmem>>, vector<16xf32>,
      tpu.vector_store %arg17[%swap3A_600, %swap3A_601], %scan3A_574#5 {strides = array<i32>} : memref<6x512xf32, #tpu.memory_space<vmem>>, vector<16xf32>,
    }
    %scan3A_458 = arith.constant 8 : i32
    %dma_wait3A_459 = arith.constant 384 : i32
    %dma_wait3A_460 = tpu.memref_slice %arg8[%dma_wait3A_459] : memref<512xi32, #tpu.memory_space<vmem>> -> memref<128xi32, #tpu.memory_space<vmem>>
    %dma_wait3A_461 = arith.constant 0 : i32
    %dma_wait3A_462 = arith.constant 0 : i32
    %dma_wait3A_463 = tpu.memref_slice %arg5[%dma_wait3A_461, %dma_wait3A_462] : memref<100000x64xf32, #tpu.memory_space<hbm>> -> memref<100000x64xf32, #tpu.memory_space<hbm>>
    tpu.wait_indirect_dma semaphore(%arg19 : memref<!tpu.dma_semaphore, #tpu.memory_space<semaphore_mem>>) src(%dma_wait3A_463 : memref<100000x64xf32, #tpu.memory_space<hbm>>) dst(%arg14 : memref<128x64xf32, #tpu.memory_space<vmem>>)
    %dma_wait3A_464 = arith.constant 384 : i32
    %dma_wait3A_465 = tpu.memref_slice %arg9[%dma_wait3A_464] : memref<512xi32, #tpu.memory_space<vmem>> -> memref<128xi32, #tpu.memory_space<vmem>>
    %dma_wait3A_466 = arith.constant 0 : i32
    %dma_wait3A_467 = arith.constant 0 : i32
    %dma_wait3A_468 = tpu.memref_slice %arg6[%dma_wait3A_466, %dma_wait3A_467] : memref<100000x64xf32, #tpu.memory_space<hbm>> -> memref<100000x64xf32, #tpu.memory_space<hbm>>
    tpu.wait_indirect_dma semaphore(%arg19 : memref<!tpu.dma_semaphore, #tpu.memory_space<semaphore_mem>>) src(%dma_wait3A_468 : memref<100000x64xf32, #tpu.memory_space<hbm>>) dst(%arg15 : memref<128x64xf32, #tpu.memory_space<vmem>>)
    %dma_wait3A_469 = arith.constant 0 : i32
    %dma_wait3A_470 = arith.constant 0 : i32
    %dma_wait3A_471 = arith.constant 0 : i32
    %dma_wait3A_472 = tpu.memref_slice %arg16[%dma_wait3A_470, %dma_wait3A_471] : memref<640x64xf32, #tpu.memory_space<vmem>> -> memref<128x64xf32, #tpu.memory_space<vmem>>
    %dma_wait3A_473 = arith.constant 384 : i32
    %dma_wait3A_474 = tpu.memref_slice %arg10[%dma_wait3A_469, %dma_wait3A_473] : memref<5x512xi32, #tpu.memory_space<vmem>> -> memref<1x128xi32, #tpu.memory_space<vmem>>
    %dma_wait3A_475 = tpu.memref_squeeze %dma_wait3A_474 : memref<1x128xi32, #tpu.memory_space<vmem>> -> memref<128xi32, #tpu.memory_space<vmem>>
    %dma_wait3A_476 = arith.constant 0 : i32
    %dma_wait3A_477 = arith.constant 0 : i32
    %dma_wait3A_478 = tpu.memref_slice %arg6[%dma_wait3A_476, %dma_wait3A_477] : memref<100000x64xf32, #tpu.memory_space<hbm>> -> memref<100000x64xf32, #tpu.memory_space<hbm>>
    tpu.wait_indirect_dma semaphore(%arg19 : memref<!tpu.dma_semaphore, #tpu.memory_space<semaphore_mem>>) src(%dma_wait3A_478 : memref<100000x64xf32, #tpu.memory_space<hbm>>) dst(%dma_wait3A_472 : memref<128x64xf32, #tpu.memory_space<vmem>>)
    %dma_wait3A_479 = arith.constant 1 : i32
    %dma_wait3A_480 = arith.constant 128 : i32
    %dma_wait3A_481 = arith.constant 0 : i32
    %dma_wait3A_482 = tpu.memref_slice %arg16[%dma_wait3A_480, %dma_wait3A_481] : memref<640x64xf32, #tpu.memory_space<vmem>> -> memref<128x64xf32, #tpu.memory_space<vmem>>
    %dma_wait3A_483 = arith.constant 384 : i32
    %dma_wait3A_484 = tpu.memref_slice %arg10[%dma_wait3A_479, %dma_wait3A_483] : memref<5x512xi32, #tpu.memory_space<vmem>> -> memref<1x128xi32, #tpu.memory_space<vmem>>
    %dma_wait3A_485 = tpu.memref_squeeze %dma_wait3A_484 : memref<1x128xi32, #tpu.memory_space<vmem>> -> memref<128xi32, #tpu.memory_space<vmem>>
    %dma_wait3A_486 = arith.constant 0 : i32
    %dma_wait3A_487 = arith.constant 0 : i32
    %dma_wait3A_488 = tpu.memref_slice %arg6[%dma_wait3A_486, %dma_wait3A_487] : memref<100000x64xf32, #tpu.memory_space<hbm>> -> memref<100000x64xf32, #tpu.memory_space<hbm>>
    tpu.wait_indirect_dma semaphore(%arg19 : memref<!tpu.dma_semaphore, #tpu.memory_space<semaphore_mem>>) src(%dma_wait3A_488 : memref<100000x64xf32, #tpu.memory_space<hbm>>) dst(%dma_wait3A_482 : memref<128x64xf32, #tpu.memory_space<vmem>>)
    %dma_wait3A_489 = arith.constant 2 : i32
    %dma_wait3A_490 = arith.constant 256 : i32
    %dma_wait3A_491 = arith.constant 0 : i32
    %dma_wait3A_492 = tpu.memref_slice %arg16[%dma_wait3A_490, %dma_wait3A_491] : memref<640x64xf32, #tpu.memory_space<vmem>> -> memref<128x64xf32, #tpu.memory_space<vmem>>
    %dma_wait3A_493 = arith.constant 384 : i32
    %dma_wait3A_494 = tpu.memref_slice %arg10[%dma_wait3A_489, %dma_wait3A_493] : memref<5x512xi32, #tpu.memory_space<vmem>> -> memref<1x128xi32, #tpu.memory_space<vmem>>
    %dma_wait3A_495 = tpu.memref_squeeze %dma_wait3A_494 : memref<1x128xi32, #tpu.memory_space<vmem>> -> memref<128xi32, #tpu.memory_space<vmem>>
    %dma_wait3A_496 = arith.constant 0 : i32
    %dma_wait3A_497 = arith.constant 0 : i32
    %dma_wait3A_498 = tpu.memref_slice %arg6[%dma_wait3A_496, %dma_wait3A_497] : memref<100000x64xf32, #tpu.memory_space<hbm>> -> memref<100000x64xf32, #tpu.memory_space<hbm>>
    tpu.wait_indirect_dma semaphore(%arg19 : memref<!tpu.dma_semaphore, #tpu.memory_space<semaphore_mem>>) src(%dma_wait3A_498 : memref<100000x64xf32, #tpu.memory_space<hbm>>) dst(%dma_wait3A_492 : memref<128x64xf32, #tpu.memory_space<vmem>>)
    %dma_wait3A_499 = arith.constant 3 : i32
    %dma_wait3A_500 = arith.constant 384 : i32
    %dma_wait3A_501 = arith.constant 0 : i32
    %dma_wait3A_502 = tpu.memref_slice %arg16[%dma_wait3A_500, %dma_wait3A_501] : memref<640x64xf32, #tpu.memory_space<vmem>> -> memref<128x64xf32, #tpu.memory_space<vmem>>
    %dma_wait3A_503 = arith.constant 384 : i32
    %dma_wait3A_504 = tpu.memref_slice %arg10[%dma_wait3A_499, %dma_wait3A_503] : memref<5x512xi32, #tpu.memory_space<vmem>> -> memref<1x128xi32, #tpu.memory_space<vmem>>
    %dma_wait3A_505 = tpu.memref_squeeze %dma_wait3A_504 : memref<1x128xi32, #tpu.memory_space<vmem>> -> memref<128xi32, #tpu.memory_space<vmem>>
    %dma_wait3A_506 = arith.constant 0 : i32
    %dma_wait3A_507 = arith.constant 0 : i32
    %dma_wait3A_508 = tpu.memref_slice %arg6[%dma_wait3A_506, %dma_wait3A_507] : memref<100000x64xf32, #tpu.memory_space<hbm>> -> memref<100000x64xf32, #tpu.memory_space<hbm>>
    tpu.wait_indirect_dma semaphore(%arg19 : memref<!tpu.dma_semaphore, #tpu.memory_space<semaphore_mem>>) src(%dma_wait3A_508 : memref<100000x64xf32, #tpu.memory_space<hbm>>) dst(%dma_wait3A_502 : memref<128x64xf32, #tpu.memory_space<vmem>>)
    %dma_wait3A_509 = arith.constant 4 : i32
    %dma_wait3A_510 = arith.constant 512 : i32
    %dma_wait3A_511 = arith.constant 0 : i32
    %dma_wait3A_512 = tpu.memref_slice %arg16[%dma_wait3A_510, %dma_wait3A_511] : memref<640x64xf32, #tpu.memory_space<vmem>> -> memref<128x64xf32, #tpu.memory_space<vmem>>
    %dma_wait3A_513 = arith.constant 384 : i32
    %dma_wait3A_514 = tpu.memref_slice %arg10[%dma_wait3A_509, %dma_wait3A_513] : memref<5x512xi32, #tpu.memory_space<vmem>> -> memref<1x128xi32, #tpu.memory_space<vmem>>
    %dma_wait3A_515 = tpu.memref_squeeze %dma_wait3A_514 : memref<1x128xi32, #tpu.memory_space<vmem>> -> memref<128xi32, #tpu.memory_space<vmem>>
    %dma_wait3A_516 = arith.constant 0 : i32
    %dma_wait3A_517 = arith.constant 0 : i32
    %dma_wait3A_518 = tpu.memref_slice %arg6[%dma_wait3A_516, %dma_wait3A_517] : memref<100000x64xf32, #tpu.memory_space<hbm>> -> memref<100000x64xf32, #tpu.memory_space<hbm>>
    tpu.wait_indirect_dma semaphore(%arg19 : memref<!tpu.dma_semaphore, #tpu.memory_space<semaphore_mem>>) src(%dma_wait3A_518 : memref<100000x64xf32, #tpu.memory_space<hbm>>) dst(%dma_wait3A_512 : memref<128x64xf32, #tpu.memory_space<vmem>>)
    %scan3A_519 = arith.constant 0 : i32
    %scan3A_520 = arith.constant 0 : i32
    %scan3A_521 = arith.constant 8 : i32
    %scan3A_522 = arith.addi %scan3A_520, %scan3A_521 : i32
    %scan3A_523 = arith.constant 1 : i32
    scf.for %scan3A_549 = %scan3A_520 to %scan3A_522 step %scan3A_523  : i32 {
      %mul3A_550 = arith.constant 16 : i32
      %mul3A_551 = arith.muli %scan3A_549, %mul3A_550 : i32
      %add3A_552 = vector.broadcast %mul3A_551 : i32 to vector<16xi32>
      %add3A_553 = arith.addi %add3A_552, %iota3A : vector<16xi32>
      %add3A_554 = arith.constant 0 : i32
      %add3A_555 = vector.broadcast %add3A_554 : i32 to vector<16xi32>
      %add3A_556 = arith.addi %add3A_553, %add3A_555 : vector<16xi32>
      %add3A_557 = arith.constant 128 : i32
      %add3A_558 = vector.broadcast %add3A_557 : i32 to vector<16xi32>
      %add3A_559 = arith.addi %add3A_553, %add3A_558 : vector<16xi32>
      %add3A_560 = arith.constant 256 : i32
      %add3A_561 = vector.broadcast %add3A_560 : i32 to vector<16xi32>
      %add3A_562 = arith.addi %add3A_553, %add3A_561 : vector<16xi32>
      %add3A_563 = arith.constant 384 : i32
      %add3A_564 = vector.broadcast %add3A_563 : i32 to vector<16xi32>
      %add3A_565 = arith.addi %add3A_553, %add3A_564 : vector<16xi32>
      %add3A_566 = arith.constant 512 : i32
      %add3A_567 = vector.broadcast %add3A_566 : i32 to vector<16xi32>
      %add3A_568 = arith.addi %add3A_553, %add3A_567 : vector<16xi32>
      %broadcast_in_dim3A = arith.constant 0.000000e+00 : f32
      %broadcast_in_dim3A_569 = vector.broadcast %broadcast_in_dim3A : f32 to vector<16xf32>
      %scan3A_570 = arith.constant 0 : i32
      %scan3A_571 = arith.constant 16 : i32
      %scan3A_572 = arith.addi %scan3A_570, %scan3A_571 : i32
      %scan3A_573 = arith.constant 1 : i32
      %scan3A_574:6 = scf.for %scan3A_603 = %scan3A_570 to %scan3A_572 step %scan3A_573 iter_args(%scan3A_604 = %broadcast_in_dim3A_569, %scan3A_605 = %broadcast_in_dim3A_569, %scan3A_606 = %broadcast_in_dim3A_569, %scan3A_607 = %broadcast_in_dim3A_569, %scan3A_608 = %broadcast_in_dim3A_569, %scan3A_609 = %broadcast_in_dim3A_569) -> (vector<16xf32>, vector<16xf32>, vector<16xf32>, vector<16xf32>, vector<16xf32>, vector<16xf32>)  : i32 {
        %mul3A_610 = arith.constant 4 : i32
        %mul3A_611 = arith.muli %scan3A_603, %mul3A_610 : i32
        %add3A_612 = arith.constant 0 : i32
        %add3A_613 = arith.addi %mul3A_611, %add3A_612 : i32
        %broadcast_in_dim3A_614 = vector.broadcast %add3A_613 : i32 to vector<16xi32>
        %add3A_615 = arith.addi %broadcast_in_dim3A_614, %iota3A : vector<16xi32>
        %and3A = arith.constant 63 : i32
        %and3A_616 = vector.broadcast %and3A : i32 to vector<16xi32>
        %and3A_617 = arith.andi %add3A_615, %and3A_616 : vector<16xi32>
        %gather3A = tpu.vector_load_idx %arg14[%add3A_553, %and3A_617] : memref<128x64xf32, #tpu.memory_space<vmem>>[vector<16xi32>, vector<16xi32>], vector<16xf32>,
        %gather3A_618 = tpu.vector_load_idx %arg15[%add3A_553, %and3A_617] : memref<128x64xf32, #tpu.memory_space<vmem>>[vector<16xi32>, vector<16xi32>], vector<16xf32>,
        %mul3A_619 = arith.mulf %gather3A, %gather3A_618 : vector<16xf32>
        %add3A_620 = arith.addf %scan3A_604, %mul3A_619 : vector<16xf32>
        %gather3A_621 = tpu.vector_load_idx %arg16[%add3A_556, %and3A_617] : memref<640x64xf32, #tpu.memory_space<vmem>>[vector<16xi32>, vector<16xi32>], vector<16xf32>,
        %mul3A_622 = arith.mulf %gather3A, %gather3A_621 : vector<16xf32>
        %add3A_623 = arith.addf %scan3A_605, %mul3A_622 : vector<16xf32>
        %gather3A_624 = tpu.vector_load_idx %arg16[%add3A_559, %and3A_617] : memref<640x64xf32, #tpu.memory_space<vmem>>[vector<16xi32>, vector<16xi32>], vector<16xf32>,
        %mul3A_625 = arith.mulf %gather3A, %gather3A_624 : vector<16xf32>
        %add3A_626 = arith.addf %scan3A_606, %mul3A_625 : vector<16xf32>
        %gather3A_627 = tpu.vector_load_idx %arg16[%add3A_562, %and3A_617] : memref<640x64xf32, #tpu.memory_space<vmem>>[vector<16xi32>, vector<16xi32>], vector<16xf32>,
        %mul3A_628 = arith.mulf %gather3A, %gather3A_627 : vector<16xf32>
        %add3A_629 = arith.addf %scan3A_607, %mul3A_628 : vector<16xf32>
        %gather3A_630 = tpu.vector_load_idx %arg16[%add3A_565, %and3A_617] : memref<640x64xf32, #tpu.memory_space<vmem>>[vector<16xi32>, vector<16xi32>], vector<16xf32>,
        %mul3A_631 = arith.mulf %gather3A, %gather3A_630 : vector<16xf32>
        %add3A_632 = arith.addf %scan3A_608, %mul3A_631 : vector<16xf32>
        %gather3A_633 = tpu.vector_load_idx %arg16[%add3A_568, %and3A_617] : memref<640x64xf32, #tpu.memory_space<vmem>>[vector<16xi32>, vector<16xi32>], vector<16xf32>,
        %mul3A_634 = arith.mulf %gather3A, %gather3A_633 : vector<16xf32>
        %add3A_635 = arith.addf %scan3A_609, %mul3A_634 : vector<16xf32>
        %add3A_636 = arith.constant 1 : i32
        %add3A_637 = arith.addi %mul3A_611, %add3A_636 : i32
        %broadcast_in_dim3A_638 = vector.broadcast %add3A_637 : i32 to vector<16xi32>
        %add3A_639 = arith.addi %broadcast_in_dim3A_638, %iota3A : vector<16xi32>
        %and3A_640 = arith.constant 63 : i32
        %and3A_641 = vector.broadcast %and3A_640 : i32 to vector<16xi32>
        %and3A_642 = arith.andi %add3A_639, %and3A_641 : vector<16xi32>
        %gather3A_643 = tpu.vector_load_idx %arg14[%add3A_553, %and3A_642] : memref<128x64xf32, #tpu.memory_space<vmem>>[vector<16xi32>, vector<16xi32>], vector<16xf32>,
        %gather3A_644 = tpu.vector_load_idx %arg15[%add3A_553, %and3A_642] : memref<128x64xf32, #tpu.memory_space<vmem>>[vector<16xi32>, vector<16xi32>], vector<16xf32>,
        %mul3A_645 = arith.mulf %gather3A_643, %gather3A_644 : vector<16xf32>
        %add3A_646 = arith.addf %add3A_620, %mul3A_645 : vector<16xf32>
        %gather3A_647 = tpu.vector_load_idx %arg16[%add3A_556, %and3A_642] : memref<640x64xf32, #tpu.memory_space<vmem>>[vector<16xi32>, vector<16xi32>], vector<16xf32>,
        %mul3A_648 = arith.mulf %gather3A_643, %gather3A_647 : vector<16xf32>
        %add3A_649 = arith.addf %add3A_623, %mul3A_648 : vector<16xf32>
        %gather3A_650 = tpu.vector_load_idx %arg16[%add3A_559, %and3A_642] : memref<640x64xf32, #tpu.memory_space<vmem>>[vector<16xi32>, vector<16xi32>], vector<16xf32>,
        %mul3A_651 = arith.mulf %gather3A_643, %gather3A_650 : vector<16xf32>
        %add3A_652 = arith.addf %add3A_626, %mul3A_651 : vector<16xf32>
        %gather3A_653 = tpu.vector_load_idx %arg16[%add3A_562, %and3A_642] : memref<640x64xf32, #tpu.memory_space<vmem>>[vector<16xi32>, vector<16xi32>], vector<16xf32>,
        %mul3A_654 = arith.mulf %gather3A_643, %gather3A_653 : vector<16xf32>
        %add3A_655 = arith.addf %add3A_629, %mul3A_654 : vector<16xf32>
        %gather3A_656 = tpu.vector_load_idx %arg16[%add3A_565, %and3A_642] : memref<640x64xf32, #tpu.memory_space<vmem>>[vector<16xi32>, vector<16xi32>], vector<16xf32>,
        %mul3A_657 = arith.mulf %gather3A_643, %gather3A_656 : vector<16xf32>
        %add3A_658 = arith.addf %add3A_632, %mul3A_657 : vector<16xf32>
        %gather3A_659 = tpu.vector_load_idx %arg16[%add3A_568, %and3A_642] : memref<640x64xf32, #tpu.memory_space<vmem>>[vector<16xi32>, vector<16xi32>], vector<16xf32>,
        %mul3A_660 = arith.mulf %gather3A_643, %gather3A_659 : vector<16xf32>
        %add3A_661 = arith.addf %add3A_635, %mul3A_660 : vector<16xf32>
        %add3A_662 = arith.constant 2 : i32
        %add3A_663 = arith.addi %mul3A_611, %add3A_662 : i32
        %broadcast_in_dim3A_664 = vector.broadcast %add3A_663 : i32 to vector<16xi32>
        %add3A_665 = arith.addi %broadcast_in_dim3A_664, %iota3A : vector<16xi32>
        %and3A_666 = arith.constant 63 : i32
        %and3A_667 = vector.broadcast %and3A_666 : i32 to vector<16xi32>
        %and3A_668 = arith.andi %add3A_665, %and3A_667 : vector<16xi32>
        %gather3A_669 = tpu.vector_load_idx %arg14[%add3A_553, %and3A_668] : memref<128x64xf32, #tpu.memory_space<vmem>>[vector<16xi32>, vector<16xi32>], vector<16xf32>,
        %gather3A_670 = tpu.vector_load_idx %arg15[%add3A_553, %and3A_668] : memref<128x64xf32, #tpu.memory_space<vmem>>[vector<16xi32>, vector<16xi32>], vector<16xf32>,
        %mul3A_671 = arith.mulf %gather3A_669, %gather3A_670 : vector<16xf32>
        %add3A_672 = arith.addf %add3A_646, %mul3A_671 : vector<16xf32>
        %gather3A_673 = tpu.vector_load_idx %arg16[%add3A_556, %and3A_668] : memref<640x64xf32, #tpu.memory_space<vmem>>[vector<16xi32>, vector<16xi32>], vector<16xf32>,
        %mul3A_674 = arith.mulf %gather3A_669, %gather3A_673 : vector<16xf32>
        %add3A_675 = arith.addf %add3A_649, %mul3A_674 : vector<16xf32>
        %gather3A_676 = tpu.vector_load_idx %arg16[%add3A_559, %and3A_668] : memref<640x64xf32, #tpu.memory_space<vmem>>[vector<16xi32>, vector<16xi32>], vector<16xf32>,
        %mul3A_677 = arith.mulf %gather3A_669, %gather3A_676 : vector<16xf32>
        %add3A_678 = arith.addf %add3A_652, %mul3A_677 : vector<16xf32>
        %gather3A_679 = tpu.vector_load_idx %arg16[%add3A_562, %and3A_668] : memref<640x64xf32, #tpu.memory_space<vmem>>[vector<16xi32>, vector<16xi32>], vector<16xf32>,
        %mul3A_680 = arith.mulf %gather3A_669, %gather3A_679 : vector<16xf32>
        %add3A_681 = arith.addf %add3A_655, %mul3A_680 : vector<16xf32>
        %gather3A_682 = tpu.vector_load_idx %arg16[%add3A_565, %and3A_668] : memref<640x64xf32, #tpu.memory_space<vmem>>[vector<16xi32>, vector<16xi32>], vector<16xf32>,
        %mul3A_683 = arith.mulf %gather3A_669, %gather3A_682 : vector<16xf32>
        %add3A_684 = arith.addf %add3A_658, %mul3A_683 : vector<16xf32>
        %gather3A_685 = tpu.vector_load_idx %arg16[%add3A_568, %and3A_668] : memref<640x64xf32, #tpu.memory_space<vmem>>[vector<16xi32>, vector<16xi32>], vector<16xf32>,
        %mul3A_686 = arith.mulf %gather3A_669, %gather3A_685 : vector<16xf32>
        %add3A_687 = arith.addf %add3A_661, %mul3A_686 : vector<16xf32>
        %add3A_688 = arith.constant 3 : i32
        %add3A_689 = arith.addi %mul3A_611, %add3A_688 : i32
        %broadcast_in_dim3A_690 = vector.broadcast %add3A_689 : i32 to vector<16xi32>
        %add3A_691 = arith.addi %broadcast_in_dim3A_690, %iota3A : vector<16xi32>
        %and3A_692 = arith.constant 63 : i32
        %and3A_693 = vector.broadcast %and3A_692 : i32 to vector<16xi32>
        %and3A_694 = arith.andi %add3A_691, %and3A_693 : vector<16xi32>
        %gather3A_695 = tpu.vector_load_idx %arg14[%add3A_553, %and3A_694] : memref<128x64xf32, #tpu.memory_space<vmem>>[vector<16xi32>, vector<16xi32>], vector<16xf32>,
        %gather3A_696 = tpu.vector_load_idx %arg15[%add3A_553, %and3A_694] : memref<128x64xf32, #tpu.memory_space<vmem>>[vector<16xi32>, vector<16xi32>], vector<16xf32>,
        %mul3A_697 = arith.mulf %gather3A_695, %gather3A_696 : vector<16xf32>
        %add3A_698 = arith.addf %add3A_672, %mul3A_697 : vector<16xf32>
        %gather3A_699 = tpu.vector_load_idx %arg16[%add3A_556, %and3A_694] : memref<640x64xf32, #tpu.memory_space<vmem>>[vector<16xi32>, vector<16xi32>], vector<16xf32>,
        %mul3A_700 = arith.mulf %gather3A_695, %gather3A_699 : vector<16xf32>
        %add3A_701 = arith.addf %add3A_675, %mul3A_700 : vector<16xf32>
        %gather3A_702 = tpu.vector_load_idx %arg16[%add3A_559, %and3A_694] : memref<640x64xf32, #tpu.memory_space<vmem>>[vector<16xi32>, vector<16xi32>], vector<16xf32>,
        %mul3A_703 = arith.mulf %gather3A_695, %gather3A_702 : vector<16xf32>
        %add3A_704 = arith.addf %add3A_678, %mul3A_703 : vector<16xf32>
        %gather3A_705 = tpu.vector_load_idx %arg16[%add3A_562, %and3A_694] : memref<640x64xf32, #tpu.memory_space<vmem>>[vector<16xi32>, vector<16xi32>], vector<16xf32>,
        %mul3A_706 = arith.mulf %gather3A_695, %gather3A_705 : vector<16xf32>
        %add3A_707 = arith.addf %add3A_681, %mul3A_706 : vector<16xf32>
        %gather3A_708 = tpu.vector_load_idx %arg16[%add3A_565, %and3A_694] : memref<640x64xf32, #tpu.memory_space<vmem>>[vector<16xi32>, vector<16xi32>], vector<16xf32>,
        %mul3A_709 = arith.mulf %gather3A_695, %gather3A_708 : vector<16xf32>
        %add3A_710 = arith.addf %add3A_684, %mul3A_709 : vector<16xf32>
        %gather3A_711 = tpu.vector_load_idx %arg16[%add3A_568, %and3A_694] : memref<640x64xf32, #tpu.memory_space<vmem>>[vector<16xi32>, vector<16xi32>], vector<16xf32>,
        %mul3A_712 = arith.mulf %gather3A_695, %gather3A_711 : vector<16xf32>
        %add3A_713 = arith.addf %add3A_687, %mul3A_712 : vector<16xf32>
        scf.yield %add3A_698, %add3A_701, %add3A_704, %add3A_707, %add3A_710, %add3A_713 : vector<16xf32>, vector<16xf32>, vector<16xf32>, vector<16xf32>, vector<16xf32>, vector<16xf32>
      }
      %scan3A_575 = arith.constant 16 : i32
      %mul3A_576 = arith.constant 16 : i32
      %mul3A_577 = arith.muli %scan3A_549, %mul3A_576 : i32
      %add3A_578 = arith.constant 384 : i32
      %add3A_579 = arith.addi %add3A_578, %mul3A_577 : i32
      %swap3A = arith.constant 0 : i32
      %swap3A_580 = arith.index_cast %swap3A : i32 to index
      %swap3A_581 = arith.index_cast %add3A_579 : i32 to index
      %swap3A_582 = tpu.vector_load %arg17[%swap3A_580, %swap3A_581] {strides = array<i32>} : memref<6x512xf32, #tpu.memory_space<vmem>>, vector<16xf32>,
      tpu.vector_store %arg17[%swap3A_580, %swap3A_581], %scan3A_574#0 {strides = array<i32>} : memref<6x512xf32, #tpu.memory_space<vmem>>, vector<16xf32>,
      %swap3A_583 = arith.constant 1 : i32
      %swap3A_584 = arith.index_cast %swap3A_583 : i32 to index
      %swap3A_585 = arith.index_cast %add3A_579 : i32 to index
      %swap3A_586 = tpu.vector_load %arg17[%swap3A_584, %swap3A_585] {strides = array<i32>} : memref<6x512xf32, #tpu.memory_space<vmem>>, vector<16xf32>,
      tpu.vector_store %arg17[%swap3A_584, %swap3A_585], %scan3A_574#1 {strides = array<i32>} : memref<6x512xf32, #tpu.memory_space<vmem>>, vector<16xf32>,
      %swap3A_587 = arith.constant 2 : i32
      %swap3A_588 = arith.index_cast %swap3A_587 : i32 to index
      %swap3A_589 = arith.index_cast %add3A_579 : i32 to index
      %swap3A_590 = tpu.vector_load %arg17[%swap3A_588, %swap3A_589] {strides = array<i32>} : memref<6x512xf32, #tpu.memory_space<vmem>>, vector<16xf32>,
      tpu.vector_store %arg17[%swap3A_588, %swap3A_589], %scan3A_574#2 {strides = array<i32>} : memref<6x512xf32, #tpu.memory_space<vmem>>, vector<16xf32>,
      %swap3A_591 = arith.constant 3 : i32
      %swap3A_592 = arith.index_cast %swap3A_591 : i32 to index
      %swap3A_593 = arith.index_cast %add3A_579 : i32 to index
      %swap3A_594 = tpu.vector_load %arg17[%swap3A_592, %swap3A_593] {strides = array<i32>} : memref<6x512xf32, #tpu.memory_space<vmem>>, vector<16xf32>,
      tpu.vector_store %arg17[%swap3A_592, %swap3A_593], %scan3A_574#3 {strides = array<i32>} : memref<6x512xf32, #tpu.memory_space<vmem>>, vector<16xf32>,
      %swap3A_595 = arith.constant 4 : i32
      %swap3A_596 = arith.index_cast %swap3A_595 : i32 to index
      %swap3A_597 = arith.index_cast %add3A_579 : i32 to index
      %swap3A_598 = tpu.vector_load %arg17[%swap3A_596, %swap3A_597] {strides = array<i32>} : memref<6x512xf32, #tpu.memory_space<vmem>>, vector<16xf32>,
      tpu.vector_store %arg17[%swap3A_596, %swap3A_597], %scan3A_574#4 {strides = array<i32>} : memref<6x512xf32, #tpu.memory_space<vmem>>, vector<16xf32>,
      %swap3A_599 = arith.constant 5 : i32
      %swap3A_600 = arith.index_cast %swap3A_599 : i32 to index
      %swap3A_601 = arith.index_cast %add3A_579 : i32 to index
      %swap3A_602 = tpu.vector_load %arg17[%swap3A_600, %swap3A_601] {strides = array<i32>} : memref<6x512xf32, #tpu.memory_space<vmem>>, vector<16xf32>,
      tpu.vector_store %arg17[%swap3A_600, %swap3A_601], %scan3A_574#5 {strides = array<i32>} : memref<6x512xf32, #tpu.memory_space<vmem>>, vector<16xf32>,
    }
    %scan3A_524 = arith.constant 8 : i32
    %mul3A_525 = arith.constant 512 : i32
    %mul3A_526 = arith.muli %add3A, %mul3A_525 : i32
    %run_scoped3A_527 = arith.constant 0 : i32
    %run_scoped3A_528 = arith.constant 0 : i32
    "tpu.region"() ({
      %run_scoped3A_549 = tpu.sem_alloc : memref<!tpu.dma_semaphore, #tpu.memory_space<semaphore_mem>>
      %dma_start3A_550 = arith.constant 0 : i32
      %dma_start3A_551 = tpu.memref_slice %arg17[%run_scoped3A_527, %dma_start3A_550] : memref<6x512xf32, #tpu.memory_space<vmem>> -> memref<1x512xf32, #tpu.memory_space<vmem>>
      %dma_start3A_552 = tpu.memref_squeeze %dma_start3A_551 : memref<1x512xf32, #tpu.memory_space<vmem>> -> memref<512xf32, #tpu.memory_space<vmem>>
      %dma_start3A_553 = tpu.memref_slice %arg7[%run_scoped3A_528, %mul3A_526] : memref<6x16384xf32, #tpu.memory_space<hbm>> -> memref<1x512xf32, #tpu.memory_space<hbm>>
      %dma_start3A_554 = tpu.memref_squeeze %dma_start3A_553 : memref<1x512xf32, #tpu.memory_space<hbm>> -> memref<512xf32, #tpu.memory_space<hbm>>
      %dma_start3A_555 = tpu.memref_slice %arg7[%run_scoped3A_528, %mul3A_526] : memref<6x16384xf32, #tpu.memory_space<hbm>> -> memref<1x512xf32, #tpu.memory_space<hbm>>
      %dma_start3A_556 = tpu.memref_squeeze %dma_start3A_555 : memref<1x512xf32, #tpu.memory_space<hbm>> -> memref<512xf32, #tpu.memory_space<hbm>>
      %dma_start3A_557 = arith.constant 0 : i32
      %dma_start3A_558 = tpu.memref_slice %arg17[%run_scoped3A_527, %dma_start3A_557] : memref<6x512xf32, #tpu.memory_space<vmem>> -> memref<1x512xf32, #tpu.memory_space<vmem>>
      %dma_start3A_559 = tpu.memref_squeeze %dma_start3A_558 : memref<1x512xf32, #tpu.memory_space<vmem>> -> memref<512xf32, #tpu.memory_space<vmem>>
      tpu.enqueue_dma source(%dma_start3A_559 : memref<512xf32, #tpu.memory_space<vmem>>) target(%dma_start3A_556 : memref<512xf32, #tpu.memory_space<hbm>>) target_semaphore(%run_scoped3A_549 : memref<!tpu.dma_semaphore, #tpu.memory_space<semaphore_mem>>)
      %dma_wait3A_560 = arith.constant 0 : i32
      %dma_wait3A_561 = tpu.memref_slice %arg17[%run_scoped3A_527, %dma_wait3A_560] : memref<6x512xf32, #tpu.memory_space<vmem>> -> memref<1x512xf32, #tpu.memory_space<vmem>>
      %dma_wait3A_562 = tpu.memref_squeeze %dma_wait3A_561 : memref<1x512xf32, #tpu.memory_space<vmem>> -> memref<512xf32, #tpu.memory_space<vmem>>
      %dma_wait3A_563 = tpu.memref_slice %arg7[%run_scoped3A_528, %mul3A_526] : memref<6x16384xf32, #tpu.memory_space<hbm>> -> memref<1x512xf32, #tpu.memory_space<hbm>>
      %dma_wait3A_564 = tpu.memref_squeeze %dma_wait3A_563 : memref<1x512xf32, #tpu.memory_space<hbm>> -> memref<512xf32, #tpu.memory_space<hbm>>
      %dma_wait3A_565 = tpu.memref_slice %arg7[%run_scoped3A_528, %mul3A_526] : memref<6x16384xf32, #tpu.memory_space<hbm>> -> memref<1x512xf32, #tpu.memory_space<hbm>>
      %dma_wait3A_566 = tpu.memref_squeeze %dma_wait3A_565 : memref<1x512xf32, #tpu.memory_space<hbm>> -> memref<512xf32, #tpu.memory_space<hbm>>
      %dma_wait3A_567 = arith.constant 0 : i32
      %dma_wait3A_568 = tpu.memref_slice %arg17[%run_scoped3A_527, %dma_wait3A_567] : memref<6x512xf32, #tpu.memory_space<vmem>> -> memref<1x512xf32, #tpu.memory_space<vmem>>
      %dma_wait3A_569 = tpu.memref_squeeze %dma_wait3A_568 : memref<1x512xf32, #tpu.memory_space<vmem>> -> memref<512xf32, #tpu.memory_space<vmem>>
      tpu.wait_dma2 semaphore(%run_scoped3A_549 : memref<!tpu.dma_semaphore, #tpu.memory_space<semaphore_mem>>) src(%dma_wait3A_569 : memref<512xf32, #tpu.memory_space<vmem>>) dst(%dma_wait3A_566 : memref<512xf32, #tpu.memory_space<hbm>>)
      tpu.yield
    }) : () -> ()
    %mul3A_529 = arith.constant 512 : i32
    %mul3A_530 = arith.muli %add3A, %mul3A_529 : i32
    %run_scoped3A_531 = arith.constant 1 : i32
    %run_scoped3A_532 = arith.constant 1 : i32
    "tpu.region"() ({
      %run_scoped3A_549 = tpu.sem_alloc : memref<!tpu.dma_semaphore, #tpu.memory_space<semaphore_mem>>
      %dma_start3A_550 = arith.constant 0 : i32
      %dma_start3A_551 = tpu.memref_slice %arg17[%run_scoped3A_531, %dma_start3A_550] : memref<6x512xf32, #tpu.memory_space<vmem>> -> memref<1x512xf32, #tpu.memory_space<vmem>>
      %dma_start3A_552 = tpu.memref_squeeze %dma_start3A_551 : memref<1x512xf32, #tpu.memory_space<vmem>> -> memref<512xf32, #tpu.memory_space<vmem>>
      %dma_start3A_553 = tpu.memref_slice %arg7[%run_scoped3A_532, %mul3A_530] : memref<6x16384xf32, #tpu.memory_space<hbm>> -> memref<1x512xf32, #tpu.memory_space<hbm>>
      %dma_start3A_554 = tpu.memref_squeeze %dma_start3A_553 : memref<1x512xf32, #tpu.memory_space<hbm>> -> memref<512xf32, #tpu.memory_space<hbm>>
      %dma_start3A_555 = tpu.memref_slice %arg7[%run_scoped3A_532, %mul3A_530] : memref<6x16384xf32, #tpu.memory_space<hbm>> -> memref<1x512xf32, #tpu.memory_space<hbm>>
      %dma_start3A_556 = tpu.memref_squeeze %dma_start3A_555 : memref<1x512xf32, #tpu.memory_space<hbm>> -> memref<512xf32, #tpu.memory_space<hbm>>
      %dma_start3A_557 = arith.constant 0 : i32
      %dma_start3A_558 = tpu.memref_slice %arg17[%run_scoped3A_531, %dma_start3A_557] : memref<6x512xf32, #tpu.memory_space<vmem>> -> memref<1x512xf32, #tpu.memory_space<vmem>>
      %dma_start3A_559 = tpu.memref_squeeze %dma_start3A_558 : memref<1x512xf32, #tpu.memory_space<vmem>> -> memref<512xf32, #tpu.memory_space<vmem>>
      tpu.enqueue_dma source(%dma_start3A_559 : memref<512xf32, #tpu.memory_space<vmem>>) target(%dma_start3A_556 : memref<512xf32, #tpu.memory_space<hbm>>) target_semaphore(%run_scoped3A_549 : memref<!tpu.dma_semaphore, #tpu.memory_space<semaphore_mem>>)
      %dma_wait3A_560 = arith.constant 0 : i32
      %dma_wait3A_561 = tpu.memref_slice %arg17[%run_scoped3A_531, %dma_wait3A_560] : memref<6x512xf32, #tpu.memory_space<vmem>> -> memref<1x512xf32, #tpu.memory_space<vmem>>
      %dma_wait3A_562 = tpu.memref_squeeze %dma_wait3A_561 : memref<1x512xf32, #tpu.memory_space<vmem>> -> memref<512xf32, #tpu.memory_space<vmem>>
      %dma_wait3A_563 = tpu.memref_slice %arg7[%run_scoped3A_532, %mul3A_530] : memref<6x16384xf32, #tpu.memory_space<hbm>> -> memref<1x512xf32, #tpu.memory_space<hbm>>
      %dma_wait3A_564 = tpu.memref_squeeze %dma_wait3A_563 : memref<1x512xf32, #tpu.memory_space<hbm>> -> memref<512xf32, #tpu.memory_space<hbm>>
      %dma_wait3A_565 = tpu.memref_slice %arg7[%run_scoped3A_532, %mul3A_530] : memref<6x16384xf32, #tpu.memory_space<hbm>> -> memref<1x512xf32, #tpu.memory_space<hbm>>
      %dma_wait3A_566 = tpu.memref_squeeze %dma_wait3A_565 : memref<1x512xf32, #tpu.memory_space<hbm>> -> memref<512xf32, #tpu.memory_space<hbm>>
      %dma_wait3A_567 = arith.constant 0 : i32
      %dma_wait3A_568 = tpu.memref_slice %arg17[%run_scoped3A_531, %dma_wait3A_567] : memref<6x512xf32, #tpu.memory_space<vmem>> -> memref<1x512xf32, #tpu.memory_space<vmem>>
      %dma_wait3A_569 = tpu.memref_squeeze %dma_wait3A_568 : memref<1x512xf32, #tpu.memory_space<vmem>> -> memref<512xf32, #tpu.memory_space<vmem>>
      tpu.wait_dma2 semaphore(%run_scoped3A_549 : memref<!tpu.dma_semaphore, #tpu.memory_space<semaphore_mem>>) src(%dma_wait3A_569 : memref<512xf32, #tpu.memory_space<vmem>>) dst(%dma_wait3A_566 : memref<512xf32, #tpu.memory_space<hbm>>)
      tpu.yield
    }) : () -> ()
    %mul3A_533 = arith.constant 512 : i32
    %mul3A_534 = arith.muli %add3A, %mul3A_533 : i32
    %run_scoped3A_535 = arith.constant 2 : i32
    %run_scoped3A_536 = arith.constant 2 : i32
    "tpu.region"() ({
      %run_scoped3A_549 = tpu.sem_alloc : memref<!tpu.dma_semaphore, #tpu.memory_space<semaphore_mem>>
      %dma_start3A_550 = arith.constant 0 : i32
      %dma_start3A_551 = tpu.memref_slice %arg17[%run_scoped3A_535, %dma_start3A_550] : memref<6x512xf32, #tpu.memory_space<vmem>> -> memref<1x512xf32, #tpu.memory_space<vmem>>
      %dma_start3A_552 = tpu.memref_squeeze %dma_start3A_551 : memref<1x512xf32, #tpu.memory_space<vmem>> -> memref<512xf32, #tpu.memory_space<vmem>>
      %dma_start3A_553 = tpu.memref_slice %arg7[%run_scoped3A_536, %mul3A_534] : memref<6x16384xf32, #tpu.memory_space<hbm>> -> memref<1x512xf32, #tpu.memory_space<hbm>>
      %dma_start3A_554 = tpu.memref_squeeze %dma_start3A_553 : memref<1x512xf32, #tpu.memory_space<hbm>> -> memref<512xf32, #tpu.memory_space<hbm>>
      %dma_start3A_555 = tpu.memref_slice %arg7[%run_scoped3A_536, %mul3A_534] : memref<6x16384xf32, #tpu.memory_space<hbm>> -> memref<1x512xf32, #tpu.memory_space<hbm>>
      %dma_start3A_556 = tpu.memref_squeeze %dma_start3A_555 : memref<1x512xf32, #tpu.memory_space<hbm>> -> memref<512xf32, #tpu.memory_space<hbm>>
      %dma_start3A_557 = arith.constant 0 : i32
      %dma_start3A_558 = tpu.memref_slice %arg17[%run_scoped3A_535, %dma_start3A_557] : memref<6x512xf32, #tpu.memory_space<vmem>> -> memref<1x512xf32, #tpu.memory_space<vmem>>
      %dma_start3A_559 = tpu.memref_squeeze %dma_start3A_558 : memref<1x512xf32, #tpu.memory_space<vmem>> -> memref<512xf32, #tpu.memory_space<vmem>>
      tpu.enqueue_dma source(%dma_start3A_559 : memref<512xf32, #tpu.memory_space<vmem>>) target(%dma_start3A_556 : memref<512xf32, #tpu.memory_space<hbm>>) target_semaphore(%run_scoped3A_549 : memref<!tpu.dma_semaphore, #tpu.memory_space<semaphore_mem>>)
      %dma_wait3A_560 = arith.constant 0 : i32
      %dma_wait3A_561 = tpu.memref_slice %arg17[%run_scoped3A_535, %dma_wait3A_560] : memref<6x512xf32, #tpu.memory_space<vmem>> -> memref<1x512xf32, #tpu.memory_space<vmem>>
      %dma_wait3A_562 = tpu.memref_squeeze %dma_wait3A_561 : memref<1x512xf32, #tpu.memory_space<vmem>> -> memref<512xf32, #tpu.memory_space<vmem>>
      %dma_wait3A_563 = tpu.memref_slice %arg7[%run_scoped3A_536, %mul3A_534] : memref<6x16384xf32, #tpu.memory_space<hbm>> -> memref<1x512xf32, #tpu.memory_space<hbm>>
      %dma_wait3A_564 = tpu.memref_squeeze %dma_wait3A_563 : memref<1x512xf32, #tpu.memory_space<hbm>> -> memref<512xf32, #tpu.memory_space<hbm>>
      %dma_wait3A_565 = tpu.memref_slice %arg7[%run_scoped3A_536, %mul3A_534] : memref<6x16384xf32, #tpu.memory_space<hbm>> -> memref<1x512xf32, #tpu.memory_space<hbm>>
      %dma_wait3A_566 = tpu.memref_squeeze %dma_wait3A_565 : memref<1x512xf32, #tpu.memory_space<hbm>> -> memref<512xf32, #tpu.memory_space<hbm>>
      %dma_wait3A_567 = arith.constant 0 : i32
      %dma_wait3A_568 = tpu.memref_slice %arg17[%run_scoped3A_535, %dma_wait3A_567] : memref<6x512xf32, #tpu.memory_space<vmem>> -> memref<1x512xf32, #tpu.memory_space<vmem>>
      %dma_wait3A_569 = tpu.memref_squeeze %dma_wait3A_568 : memref<1x512xf32, #tpu.memory_space<vmem>> -> memref<512xf32, #tpu.memory_space<vmem>>
      tpu.wait_dma2 semaphore(%run_scoped3A_549 : memref<!tpu.dma_semaphore, #tpu.memory_space<semaphore_mem>>) src(%dma_wait3A_569 : memref<512xf32, #tpu.memory_space<vmem>>) dst(%dma_wait3A_566 : memref<512xf32, #tpu.memory_space<hbm>>)
      tpu.yield
    }) : () -> ()
    %mul3A_537 = arith.constant 512 : i32
    %mul3A_538 = arith.muli %add3A, %mul3A_537 : i32
    %run_scoped3A_539 = arith.constant 3 : i32
    %run_scoped3A_540 = arith.constant 3 : i32
    "tpu.region"() ({
      %run_scoped3A_549 = tpu.sem_alloc : memref<!tpu.dma_semaphore, #tpu.memory_space<semaphore_mem>>
      %dma_start3A_550 = arith.constant 0 : i32
      %dma_start3A_551 = tpu.memref_slice %arg17[%run_scoped3A_539, %dma_start3A_550] : memref<6x512xf32, #tpu.memory_space<vmem>> -> memref<1x512xf32, #tpu.memory_space<vmem>>
      %dma_start3A_552 = tpu.memref_squeeze %dma_start3A_551 : memref<1x512xf32, #tpu.memory_space<vmem>> -> memref<512xf32, #tpu.memory_space<vmem>>
      %dma_start3A_553 = tpu.memref_slice %arg7[%run_scoped3A_540, %mul3A_538] : memref<6x16384xf32, #tpu.memory_space<hbm>> -> memref<1x512xf32, #tpu.memory_space<hbm>>
      %dma_start3A_554 = tpu.memref_squeeze %dma_start3A_553 : memref<1x512xf32, #tpu.memory_space<hbm>> -> memref<512xf32, #tpu.memory_space<hbm>>
      %dma_start3A_555 = tpu.memref_slice %arg7[%run_scoped3A_540, %mul3A_538] : memref<6x16384xf32, #tpu.memory_space<hbm>> -> memref<1x512xf32, #tpu.memory_space<hbm>>
      %dma_start3A_556 = tpu.memref_squeeze %dma_start3A_555 : memref<1x512xf32, #tpu.memory_space<hbm>> -> memref<512xf32, #tpu.memory_space<hbm>>
      %dma_start3A_557 = arith.constant 0 : i32
      %dma_start3A_558 = tpu.memref_slice %arg17[%run_scoped3A_539, %dma_start3A_557] : memref<6x512xf32, #tpu.memory_space<vmem>> -> memref<1x512xf32, #tpu.memory_space<vmem>>
      %dma_start3A_559 = tpu.memref_squeeze %dma_start3A_558 : memref<1x512xf32, #tpu.memory_space<vmem>> -> memref<512xf32, #tpu.memory_space<vmem>>
      tpu.enqueue_dma source(%dma_start3A_559 : memref<512xf32, #tpu.memory_space<vmem>>) target(%dma_start3A_556 : memref<512xf32, #tpu.memory_space<hbm>>) target_semaphore(%run_scoped3A_549 : memref<!tpu.dma_semaphore, #tpu.memory_space<semaphore_mem>>)
      %dma_wait3A_560 = arith.constant 0 : i32
      %dma_wait3A_561 = tpu.memref_slice %arg17[%run_scoped3A_539, %dma_wait3A_560] : memref<6x512xf32, #tpu.memory_space<vmem>> -> memref<1x512xf32, #tpu.memory_space<vmem>>
      %dma_wait3A_562 = tpu.memref_squeeze %dma_wait3A_561 : memref<1x512xf32, #tpu.memory_space<vmem>> -> memref<512xf32, #tpu.memory_space<vmem>>
      %dma_wait3A_563 = tpu.memref_slice %arg7[%run_scoped3A_540, %mul3A_538] : memref<6x16384xf32, #tpu.memory_space<hbm>> -> memref<1x512xf32, #tpu.memory_space<hbm>>
      %dma_wait3A_564 = tpu.memref_squeeze %dma_wait3A_563 : memref<1x512xf32, #tpu.memory_space<hbm>> -> memref<512xf32, #tpu.memory_space<hbm>>
      %dma_wait3A_565 = tpu.memref_slice %arg7[%run_scoped3A_540, %mul3A_538] : memref<6x16384xf32, #tpu.memory_space<hbm>> -> memref<1x512xf32, #tpu.memory_space<hbm>>
      %dma_wait3A_566 = tpu.memref_squeeze %dma_wait3A_565 : memref<1x512xf32, #tpu.memory_space<hbm>> -> memref<512xf32, #tpu.memory_space<hbm>>
      %dma_wait3A_567 = arith.constant 0 : i32
      %dma_wait3A_568 = tpu.memref_slice %arg17[%run_scoped3A_539, %dma_wait3A_567] : memref<6x512xf32, #tpu.memory_space<vmem>> -> memref<1x512xf32, #tpu.memory_space<vmem>>
      %dma_wait3A_569 = tpu.memref_squeeze %dma_wait3A_568 : memref<1x512xf32, #tpu.memory_space<vmem>> -> memref<512xf32, #tpu.memory_space<vmem>>
      tpu.wait_dma2 semaphore(%run_scoped3A_549 : memref<!tpu.dma_semaphore, #tpu.memory_space<semaphore_mem>>) src(%dma_wait3A_569 : memref<512xf32, #tpu.memory_space<vmem>>) dst(%dma_wait3A_566 : memref<512xf32, #tpu.memory_space<hbm>>)
      tpu.yield
    }) : () -> ()
    %mul3A_541 = arith.constant 512 : i32
    %mul3A_542 = arith.muli %add3A, %mul3A_541 : i32
    %run_scoped3A_543 = arith.constant 4 : i32
    %run_scoped3A_544 = arith.constant 4 : i32
    "tpu.region"() ({
      %run_scoped3A_549 = tpu.sem_alloc : memref<!tpu.dma_semaphore, #tpu.memory_space<semaphore_mem>>
      %dma_start3A_550 = arith.constant 0 : i32
      %dma_start3A_551 = tpu.memref_slice %arg17[%run_scoped3A_543, %dma_start3A_550] : memref<6x512xf32, #tpu.memory_space<vmem>> -> memref<1x512xf32, #tpu.memory_space<vmem>>
      %dma_start3A_552 = tpu.memref_squeeze %dma_start3A_551 : memref<1x512xf32, #tpu.memory_space<vmem>> -> memref<512xf32, #tpu.memory_space<vmem>>
      %dma_start3A_553 = tpu.memref_slice %arg7[%run_scoped3A_544, %mul3A_542] : memref<6x16384xf32, #tpu.memory_space<hbm>> -> memref<1x512xf32, #tpu.memory_space<hbm>>
      %dma_start3A_554 = tpu.memref_squeeze %dma_start3A_553 : memref<1x512xf32, #tpu.memory_space<hbm>> -> memref<512xf32, #tpu.memory_space<hbm>>
      %dma_start3A_555 = tpu.memref_slice %arg7[%run_scoped3A_544, %mul3A_542] : memref<6x16384xf32, #tpu.memory_space<hbm>> -> memref<1x512xf32, #tpu.memory_space<hbm>>
      %dma_start3A_556 = tpu.memref_squeeze %dma_start3A_555 : memref<1x512xf32, #tpu.memory_space<hbm>> -> memref<512xf32, #tpu.memory_space<hbm>>
      %dma_start3A_557 = arith.constant 0 : i32
      %dma_start3A_558 = tpu.memref_slice %arg17[%run_scoped3A_543, %dma_start3A_557] : memref<6x512xf32, #tpu.memory_space<vmem>> -> memref<1x512xf32, #tpu.memory_space<vmem>>
      %dma_start3A_559 = tpu.memref_squeeze %dma_start3A_558 : memref<1x512xf32, #tpu.memory_space<vmem>> -> memref<512xf32, #tpu.memory_space<vmem>>
      tpu.enqueue_dma source(%dma_start3A_559 : memref<512xf32, #tpu.memory_space<vmem>>) target(%dma_start3A_556 : memref<512xf32, #tpu.memory_space<hbm>>) target_semaphore(%run_scoped3A_549 : memref<!tpu.dma_semaphore, #tpu.memory_space<semaphore_mem>>)
      %dma_wait3A_560 = arith.constant 0 : i32
      %dma_wait3A_561 = tpu.memref_slice %arg17[%run_scoped3A_543, %dma_wait3A_560] : memref<6x512xf32, #tpu.memory_space<vmem>> -> memref<1x512xf32, #tpu.memory_space<vmem>>
      %dma_wait3A_562 = tpu.memref_squeeze %dma_wait3A_561 : memref<1x512xf32, #tpu.memory_space<vmem>> -> memref<512xf32, #tpu.memory_space<vmem>>
      %dma_wait3A_563 = tpu.memref_slice %arg7[%run_scoped3A_544, %mul3A_542] : memref<6x16384xf32, #tpu.memory_space<hbm>> -> memref<1x512xf32, #tpu.memory_space<hbm>>
      %dma_wait3A_564 = tpu.memref_squeeze %dma_wait3A_563 : memref<1x512xf32, #tpu.memory_space<hbm>> -> memref<512xf32, #tpu.memory_space<hbm>>
      %dma_wait3A_565 = tpu.memref_slice %arg7[%run_scoped3A_544, %mul3A_542] : memref<6x16384xf32, #tpu.memory_space<hbm>> -> memref<1x512xf32, #tpu.memory_space<hbm>>
      %dma_wait3A_566 = tpu.memref_squeeze %dma_wait3A_565 : memref<1x512xf32, #tpu.memory_space<hbm>> -> memref<512xf32, #tpu.memory_space<hbm>>
      %dma_wait3A_567 = arith.constant 0 : i32
      %dma_wait3A_568 = tpu.memref_slice %arg17[%run_scoped3A_543, %dma_wait3A_567] : memref<6x512xf32, #tpu.memory_space<vmem>> -> memref<1x512xf32, #tpu.memory_space<vmem>>
      %dma_wait3A_569 = tpu.memref_squeeze %dma_wait3A_568 : memref<1x512xf32, #tpu.memory_space<vmem>> -> memref<512xf32, #tpu.memory_space<vmem>>
      tpu.wait_dma2 semaphore(%run_scoped3A_549 : memref<!tpu.dma_semaphore, #tpu.memory_space<semaphore_mem>>) src(%dma_wait3A_569 : memref<512xf32, #tpu.memory_space<vmem>>) dst(%dma_wait3A_566 : memref<512xf32, #tpu.memory_space<hbm>>)
      tpu.yield
    }) : () -> ()
    %mul3A_545 = arith.constant 512 : i32
    %mul3A_546 = arith.muli %add3A, %mul3A_545 : i32
    %run_scoped3A_547 = arith.constant 5 : i32
    %run_scoped3A_548 = arith.constant 5 : i32
    "tpu.region"() ({
      %run_scoped3A_549 = tpu.sem_alloc : memref<!tpu.dma_semaphore, #tpu.memory_space<semaphore_mem>>
      %dma_start3A_550 = arith.constant 0 : i32
      %dma_start3A_551 = tpu.memref_slice %arg17[%run_scoped3A_547, %dma_start3A_550] : memref<6x512xf32, #tpu.memory_space<vmem>> -> memref<1x512xf32, #tpu.memory_space<vmem>>
      %dma_start3A_552 = tpu.memref_squeeze %dma_start3A_551 : memref<1x512xf32, #tpu.memory_space<vmem>> -> memref<512xf32, #tpu.memory_space<vmem>>
      %dma_start3A_553 = tpu.memref_slice %arg7[%run_scoped3A_548, %mul3A_546] : memref<6x16384xf32, #tpu.memory_space<hbm>> -> memref<1x512xf32, #tpu.memory_space<hbm>>
      %dma_start3A_554 = tpu.memref_squeeze %dma_start3A_553 : memref<1x512xf32, #tpu.memory_space<hbm>> -> memref<512xf32, #tpu.memory_space<hbm>>
      %dma_start3A_555 = tpu.memref_slice %arg7[%run_scoped3A_548, %mul3A_546] : memref<6x16384xf32, #tpu.memory_space<hbm>> -> memref<1x512xf32, #tpu.memory_space<hbm>>
      %dma_start3A_556 = tpu.memref_squeeze %dma_start3A_555 : memref<1x512xf32, #tpu.memory_space<hbm>> -> memref<512xf32, #tpu.memory_space<hbm>>
      %dma_start3A_557 = arith.constant 0 : i32
      %dma_start3A_558 = tpu.memref_slice %arg17[%run_scoped3A_547, %dma_start3A_557] : memref<6x512xf32, #tpu.memory_space<vmem>> -> memref<1x512xf32, #tpu.memory_space<vmem>>
      %dma_start3A_559 = tpu.memref_squeeze %dma_start3A_558 : memref<1x512xf32, #tpu.memory_space<vmem>> -> memref<512xf32, #tpu.memory_space<vmem>>
      tpu.enqueue_dma source(%dma_start3A_559 : memref<512xf32, #tpu.memory_space<vmem>>) target(%dma_start3A_556 : memref<512xf32, #tpu.memory_space<hbm>>) target_semaphore(%run_scoped3A_549 : memref<!tpu.dma_semaphore, #tpu.memory_space<semaphore_mem>>)
      %dma_wait3A_560 = arith.constant 0 : i32
      %dma_wait3A_561 = tpu.memref_slice %arg17[%run_scoped3A_547, %dma_wait3A_560] : memref<6x512xf32, #tpu.memory_space<vmem>> -> memref<1x512xf32, #tpu.memory_space<vmem>>
      %dma_wait3A_562 = tpu.memref_squeeze %dma_wait3A_561 : memref<1x512xf32, #tpu.memory_space<vmem>> -> memref<512xf32, #tpu.memory_space<vmem>>
      %dma_wait3A_563 = tpu.memref_slice %arg7[%run_scoped3A_548, %mul3A_546] : memref<6x16384xf32, #tpu.memory_space<hbm>> -> memref<1x512xf32, #tpu.memory_space<hbm>>
      %dma_wait3A_564 = tpu.memref_squeeze %dma_wait3A_563 : memref<1x512xf32, #tpu.memory_space<hbm>> -> memref<512xf32, #tpu.memory_space<hbm>>
      %dma_wait3A_565 = tpu.memref_slice %arg7[%run_scoped3A_548, %mul3A_546] : memref<6x16384xf32, #tpu.memory_space<hbm>> -> memref<1x512xf32, #tpu.memory_space<hbm>>
      %dma_wait3A_566 = tpu.memref_squeeze %dma_wait3A_565 : memref<1x512xf32, #tpu.memory_space<hbm>> -> memref<512xf32, #tpu.memory_space<hbm>>
      %dma_wait3A_567 = arith.constant 0 : i32
      %dma_wait3A_568 = tpu.memref_slice %arg17[%run_scoped3A_547, %dma_wait3A_567] : memref<6x512xf32, #tpu.memory_space<vmem>> -> memref<1x512xf32, #tpu.memory_space<vmem>>
      %dma_wait3A_569 = tpu.memref_squeeze %dma_wait3A_568 : memref<1x512xf32, #tpu.memory_space<vmem>> -> memref<512xf32, #tpu.memory_space<vmem>>
      tpu.wait_dma2 semaphore(%run_scoped3A_549 : memref<!tpu.dma_semaphore, #tpu.memory_space<semaphore_mem>>) src(%dma_wait3A_569 : memref<512xf32, #tpu.memory_space<vmem>>) dst(%dma_wait3A_566 : memref<512xf32, #tpu.memory_space<hbm>>)
      tpu.yield
    }) : () -> ()
    return
  }
}

module attributes {stable_mosaic.version = 14 : i64} {
  func.func @_finish_body(%arg0: memref<6x16384xf32, #tpu.memory_space<vmem>>, %arg1: memref<1x1xf32, #tpu.memory_space<smem>>) attributes {dimension_semantics = [], scalar_prefetch = 0 : i64, scratch_operands = 0 : i64, tpu.core_type = #tpu.core_type<tc>} {
    %get3A = arith.constant 0 : index
    %get3A_0 = arith.constant 0 : index
    %get3A_1 = vector.load %arg0[%get3A, %get3A_0] : memref<6x16384xf32, #tpu.memory_space<vmem>>, vector<6x16384xf32>
    %slice3A = vector.extract_strided_slice %get3A_1 {offsets = [0, 0], sizes = [1, 16384], strides = [1, 1]} : vector<6x16384xf32> to vector<1x16384xf32>
    %slice3A_2 = vector.extract_strided_slice %get3A_1 {offsets = [1, 0], sizes = [5, 16384], strides = [1, 1]} : vector<6x16384xf32> to vector<5x16384xf32>
    %min3A = arith.constant 0.000000e+00 : f32
    %min3A_3 = vector.broadcast %min3A : f32 to vector<1x16384xf32>
    %min3A_4 = arith.minimumf %slice3A, %min3A_3 : vector<1x16384xf32>
    %abs3A = math.absf %slice3A : vector<1x16384xf32>
    %neg3A = arith.constant 0.000000e+00 : f32
    %neg3A_5 = vector.broadcast %neg3A : f32 to vector<1x16384xf32>
    %neg3A_6 = arith.subf %neg3A_5, %abs3A : vector<1x16384xf32>
    %exp3A = math.exp %neg3A_6 : vector<1x16384xf32>
    %log1p3A = math.log1p %exp3A : vector<1x16384xf32>
    %sub3A = arith.subf %min3A_4, %log1p3A : vector<1x16384xf32>
    %reduce_sum3A = vector.shape_cast %sub3A : vector<1x16384xf32> to vector<1x1x16384xf32>
    %reduce_sum3A_7 = arith.constant dense<0.000000e+00> : vector<1xf32>
    %reduce_sum3A_8 = vector.multi_reduction <add>, %reduce_sum3A, %reduce_sum3A_7 [1, 2] : vector<1x1x16384xf32> to vector<1xf32>
    %reduce_sum3A_9 = vector.shape_cast %reduce_sum3A_8 : vector<1xf32> to vector<1x1x1xf32>
    %reduce_sum3A_10 = vector.extract %reduce_sum3A_9[0, 0, 0] : f32 from vector<1x1x1xf32>
    %neg3A_11 = arith.constant 0.000000e+00 : f32
    %neg3A_12 = vector.broadcast %neg3A_11 : f32 to vector<5x16384xf32>
    %neg3A_13 = arith.subf %neg3A_12, %slice3A_2 : vector<5x16384xf32>
    %min3A_14 = arith.constant 0.000000e+00 : f32
    %min3A_15 = vector.broadcast %min3A_14 : f32 to vector<5x16384xf32>
    %min3A_16 = arith.minimumf %neg3A_13, %min3A_15 : vector<5x16384xf32>
    %abs3A_17 = math.absf %neg3A_13 : vector<5x16384xf32>
    %neg3A_18 = arith.constant 0.000000e+00 : f32
    %neg3A_19 = vector.broadcast %neg3A_18 : f32 to vector<5x16384xf32>
    %neg3A_20 = arith.subf %neg3A_19, %abs3A_17 : vector<5x16384xf32>
    %exp3A_21 = math.exp %neg3A_20 : vector<5x16384xf32>
    %log1p3A_22 = math.log1p %exp3A_21 : vector<5x16384xf32>
    %sub3A_23 = arith.subf %min3A_16, %log1p3A_22 : vector<5x16384xf32>
    %reduce_sum3A_24 = vector.shape_cast %sub3A_23 : vector<5x16384xf32> to vector<1x5x16384xf32>
    %reduce_sum3A_25 = arith.constant dense<0.000000e+00> : vector<1xf32>
    %reduce_sum3A_26 = vector.multi_reduction <add>, %reduce_sum3A_24, %reduce_sum3A_25 [1, 2] : vector<1x5x16384xf32> to vector<1xf32>
    %reduce_sum3A_27 = vector.shape_cast %reduce_sum3A_26 : vector<1xf32> to vector<1x1x1xf32>
    %reduce_sum3A_28 = vector.extract %reduce_sum3A_27[0, 0, 0] : f32 from vector<1x1x1xf32>
    %add3A = arith.addf %reduce_sum3A_10, %reduce_sum3A_28 : f32
    %neg3A_29 = arith.constant 0.000000e+00 : f32
    %neg3A_30 = arith.subf %neg3A_29, %add3A : f32
    %div3A = arith.constant 1.638400e+04 : f32
    %div3A_31 = arith.divf %neg3A_30, %div3A : f32
    %swap3A = arith.constant 0 : index
    %swap3A_32 = arith.constant 0 : index
    %swap3A_33 = memref.load %arg1[%swap3A, %swap3A_32] : memref<1x1xf32, #tpu.memory_space<smem>>
    memref.store %div3A_31, %arg1[%swap3A, %swap3A_32] : memref<1x1xf32, #tpu.memory_space<smem>>
    return
  }
}

</mosaic_0001>

<sc_bundles>
// kernel: kernel.4.cloned.1.call-start
scs
__scs_entry_jumppad:
0x0: {  	(pc) =	sbr.rel $0x88, $3  }
0x1: {  	(tag) =	ssettag $0x0;
	lr =	simm.s32 $0x1  }
0x2: {  	[smem:$0x3F9C] =	sst lr;
	_ =	strace $0xD0000000  }
0x3: {  	_ = 	snop  }
0x4: {  	_ = 	snop  }
0x5: {  	_ = 	snop  }
0x6: {  	_ = 	snop  }
0x7: {  	_ = 	snop  }
__scs_overlays_trampoline_lowered:
0x8: {  	[smem:$0x3FAB] =	sst s0  }
0x9: {  	[smem:$0x3FAC] =	sst s1  }
0xa: {  	[smem:$0x3FAD] =	sst s2  }
0xb: {  	[smem:$0x3FAE] =	sst s3  }
0xc: {  	[smem:$0x3FAF] =	sst s4  }
0xd: {  	[smem:$0x3FB0] =	sst s5  }
0xe: {  	[smem:$0x3FB1] =	sst s6  }
0xf: {  	[smem:$0x3FB2] =	sst s7  }
0x10: {  	[smem:$0x3FB3] =	sst s8  }
0x11: {  	[smem:$0x3FB4] =	sst s9;
	s0 =	simm.s32 @!p0 $0x0  }
0x12: {  	s1 =	sld [smem:$0x3F9A];
	s0 =	simm.s32 @p0 $0x1  }
0x13: {  	[smem:$0x3FB5] =	sst s0;
	s0 =	simm.s32 @!p1 $0x0  }
0x14: {  	s2 =	sld [smem:$0x3F99];
	s0 =	simm.s32 @p1 $0x1  }
0x15: {  	[smem:$0x3FB6] =	sst s0;
	s0 =	simm.s32 @!p2 $0x0  }
0x16: {  	s3 =	sld [smem:$0x3FDB];
	s0 =	simm.s32 @p2 $0x1  }
0x17: {  	s4 =	simm.s32 $0x1BF5;
	[smem:$0x3FB8] =	sst s0  }
0x18: {  	s0 =	sld [smem:$0x3F9B];
	_ =	swait.ge [sflag:s4], $0x0  }
0x19: {  	s7 =	sld [smem:$0x3F9C]  }
0x1a: {  	s8 =	sadd.s32 $0xFFFFE003, lr  }
0x1b: {  	s9 =	sadd.s32 $0xFFFFFEF7, lr;
	s5 =	simm.s32 $0xFFFFFFFF;
	p2 =	slt.u32 s8, $0xFFFFF086  }
0x1c: {  	p1 =	slt.u32 s9, $0xF7A;
	s5 =	simm.s32 @!p2 $0x0  }
0x1d: {  	s5 =	simm.s32 @p1 $0x1;
	p0 =	seq.s32 s7, s2  }
0x1e: {  	s7 =	smul.u32 @!p0 $0xF7A, s2;
	p2 =	seq.s32 @!p0 s5, $0x0  }
0x1f: {  	s9 =	smul.u32 $0xF7A, s1;
	s8 =	simm.s32 @!p0 $0x1BF5;
	p2 =	por !p2, p0  }
0x20: {  	[sflag:s8] =	ssyncset.s32 @!p0 $0xFFFFF086;
	s6 =	sadd.s32 @!p0 s3, s7;
	s7 =	simm.s32 @!p0 $0x108  }
0x21: {  	s3 =	sadd.s32 s3, s9;
	s6 =	sadd.s32 @!p0 $0x88, s6;
	s7 =	simm.s32 @p2 $0x1082  }
0x22: {  	[simem:s7], [sflag:s8] =	dma.local @!p0 [hbm:s6], $0xF7A  }
0x23: {  	s9 =	sor.u32 $0xD0000000, s2;
	s6 =	simm.s32 $0x108;
	_ =	swait.ge @!p0 [sflag:s8], $0x0  }
0x24: {  	s3 =	sadd.s32 $0x88, s3;
	s6 =	simm.s32 @!p1 $0x1082;
	[sflag:s4] =	ssyncset.s32 $0xFFFFF086  }
0x25: {  	[simem:s6], [sflag:s4] =	dma.local [hbm:s3], $0xF7A  }
0x26: {  	[smem:$0x3F9C] =	sst s1;
	(tag) =	ssettag s2;
	_ =	strace s9  }
0x27: {  	s1 =	sld [smem:$0x3FAC]  }
0x28: {  	s2 =	sld [smem:$0x3FAD]  }
0x29: {  	s4 =	sld [smem:$0x3FAF]  }
0x2a: {  	p0 =	seq.s32 s5, $0x0;
	s5 =	sld [smem:$0x3FB0]  }
0x2b: {  	s6 =	sld [smem:$0x3FB1]  }
0x2c: {  	s7 =	sld [smem:$0x3FB2]  }
0x2d: {  	s3 =	simm.s32 $0x108;
	s8 =	sld [smem:$0x3FB3]  }
0x2e: {  	s3 =	simm.s32 @!p0 $0x1082;
	s9 =	sld [smem:$0x3FB4]  }
0x2f: {  	lr =	sadd.s32 s0, s3;
	s0 =	sld [smem:$0x3FAB]  }
0x30: {  	s3 =	sld [smem:$0x3FAE]  }
0x31: {  	[smem:$0x3FB7] =	sst s10  }
0x32: {  	s10 =	sld [smem:$0x3FB5];
	_ =	sdelay $0x3  }
0x33: {  	p0 =	seq.s32 s10, $0x1;
	s10 =	sld [smem:$0x3FB7];
	_ =	sdelay $0x3  }
0x34: {  	[smem:$0x3FB7] =	sst s10  }
0x35: {  	s10 =	sld [smem:$0x3FB6];
	_ =	sdelay $0x3  }
0x36: {  	p1 =	seq.s32 s10, $0x1;
	s10 =	sld [smem:$0x3FB7];
	_ =	sdelay $0x3  }
0x37: {  	[smem:$0x3FB7] =	sst s10  }
0x38: {  	s10 =	sld [smem:$0x3FB8]  }
0x39: {  	_ = 	snop;
	(pc) =	sbr.ind lr, $3  }
0x3a: {  	_ = 	snop  }
0x3b: {  	_ = 	snop  }
0x3c: {  	p2 =	seq.s32 s10, $0x1;
	s10 =	sld [smem:$0x3FB7]  }
0x3d: {  	_ =	shalt  }
0x3e: {  	_ =	shalt  }
0x3f: {  	_ =	shalt  }
0x40: {  	_ =	shalt  }
0x41: {  	_ =	shalt  }
0x42: {  	_ =	shalt  }
0x43: {  	_ =	shalt  }
0x44: {  	_ =	shalt  }
0x45: {  	_ =	shalt  }
0x46: {  	_ =	shalt  }
0x47: {  	_ =	shalt  }
0x48: {  	_ =	shalt  }
0x49: {  	_ =	shalt  }
0x4a: {  	_ =	shalt  }
0x4b: {  	_ =	shalt  }
0x4c: {  	_ =	shalt  }
0x4d: {  	_ =	shalt  }
0x4e: {  	_ =	shalt  }
0x4f: {  	_ =	shalt  }
0x50: {  	_ =	shalt  }
0x51: {  	_ =	shalt  }
0x52: {  	_ =	shalt  }
0x53: {  	_ =	shalt  }
0x54: {  	_ =	shalt  }
0x55: {  	_ =	shalt  }
0x56: {  	_ =	shalt  }
0x57: {  	_ =	shalt  }
0x58: {  	_ =	shalt  }
0x59: {  	_ =	shalt  }
0x5a: {  	_ =	shalt  }
0x5b: {  	_ =	shalt  }
0x5c: {  	_ =	shalt  }
0x5d: {  	_ =	shalt  }
0x5e: {  	_ =	shalt  }
0x5f: {  	_ =	shalt  }
0x60: {  	_ =	shalt  }
0x61: {  	_ =	shalt  }
0x62: {  	_ =	shalt  }
0x63: {  	_ =	shalt  }
0x64: {  	_ =	shalt  }
0x65: {  	_ =	shalt  }
0x66: {  	_ =	shalt  }
0x67: {  	_ =	shalt  }
0x68: {  	_ =	shalt  }
0x69: {  	_ =	shalt  }
0x6a: {  	_ =	shalt  }
0x6b: {  	_ =	shalt  }
0x6c: {  	_ =	shalt  }
0x6d: {  	_ =	shalt  }
0x6e: {  	_ =	shalt  }
0x6f: {  	_ =	shalt  }
0x70: {  	_ =	shalt  }
0x71: {  	_ =	shalt  }
0x72: {  	_ =	shalt  }
0x73: {  	_ =	shalt  }
0x74: {  	_ =	shalt  }
0x75: {  	_ =	shalt  }
0x76: {  	_ =	shalt  }
0x77: {  	_ =	shalt  }
0x78: {  	_ =	shalt  }
0x79: {  	_ =	shalt  }
0x7a: {  	_ =	shalt  }
0x7b: {  	_ =	shalt  }
0x7c: {  	_ =	shalt  }
0x7d: {  	_ =	shalt  }
0x7e: {  	_ =	shalt  }
0x7f: {  	_ =	shalt  }
0x80: {  	_ =	shalt  }
0x81: {  	_ =	shalt  }
0x82: {  	_ =	shalt  }
0x83: {  	_ =	shalt  }
0x84: {  	_ =	shalt  }
0x85: {  	_ =	shalt  }
0x86: {  	_ =	shalt  }
0x87: {  	_ =	shalt  }
.Lfunc_end0:
.L_simem_size_0:
called_computation_lowered:
.L_overlay_start_0:
0x88: {  	s2 =	sld [smem:$0x3FD9]  }
0x89: {  	s3 =	sld [smem:$0x3FFE];
	_ =	sdelay $0x1  }
0x8a: {  	s1 =	srdreg.scid  }
0x8b: {  	s0 =	sand.u32 $0x1, s1  }
0x8c: {  	s17 =	sshll.u32 s0, $0xA;
	s2 =	sadd.s32 s3, s2  }
0x8d: {  	s2 =	sadd.s32 s2, s17  }
0x8e: {  	[smem:$0x3FC3] =	sst s2  }
0x8f: {  	_ = 	snop  }
0x90: {  	s2 =	sld [smem:$0x3FC7]  }
0x91: {  	s18 =	sld [smem:$0x3FC6];
	(tm) =	ssettm $0x1  }
0x92: {  	s4 =	sld [smem:$0x3FFB];
	_ =	sdelay $0x3  }
0x93: {  	_ =	strace s4  }
0x94: {  	s4 =	sld [smem:$0x3FFC];
	_ =	sdelay $0x3  }
0x95: {  	_ =	strace s4  }
0x96: {  	s4 =	sld [smem:$0x3FFD];
	_ =	sdelay $0x3  }
0x97: {  	_ =	strace s4  }
0x98: {  	_ =	strace $0x8FFFFFFF  }
0x99: {  	s19 =	sld [smem:$0x3FDB];
	_ =	sdelay $0x1  }
0x9a: {  	s5 =	simm.s32 $_scs_section_size  }
0x9b: {  	s6 =	simm.s32 $_size__tile_overlayer_lowered;
	s7 =	simm.s32 $_tile_overlayer_lowered  }
0x9c: {  	s22 =	simm.s32 $0x1BFF;
	s21 =	sshll.u32 s7, $0x1;
	s4 =	sadd.s32 s5, s19  }
0x9d: {  	s8 =	simm.s32 $0x0;
	s20 =	sshll.u32 s6, $0x1;
	s6 =	sadd.s32 s21, s4  }
0x9e: {  	[timem:s8], [sflag:s22] =	dma.local [hbm:s6], s20  }
0x9f: {  	_ =	swait.ge [sflag:s22], s20  }
0xa0: {  	s5 =	ssub.s32 $0x0, s20;
	[sflag:s22] =	ssyncset.done $0x0  }
0xa1: {  	[sflag:s22] =	ssyncadd.s32 s5;
	_ =	sdelay $0x1  }
0xa2: {  	s23 =	simm.s32 $0x1B8B  }
0xa3: {  	_ =	swait.ge [sflag:s23], $0x1  }
0xa4: {  	[sflag:s23] =	ssyncset.done $0x0  }
0xa5: {  	s25 =	simm.s32 $0x1B8E;
	s24 =	sld [smem:$0x3FFE];
	[sflag:s23] =	ssyncadd.s32 $0xFFFFFFFF  }
0xa6: {  	s26 =	simm.s32 $execute0_lowered;
	[smem:$0x3FD2] =	sst s25  }
0xa7: {  	s6 =	sshll.u32 s26, $0x1;
	_ =	strace $0x80000046;
	[dreg:$0x1] =	wrdreg $0xFFFFFFFF  }
0xa8: {  	s28 =	simm.s32 $_size_execute0_lowered;
	s4 =	sadd.s32 s4, s6;
	[dreg:$0x0] =	wrdreg $0x0  }
0xa9: {  	s6 =	sshll.u32 s28, $0x1;
	[dreg:$0x2] =	wrdreg s4  }
0xaa: {  	[dreg:$0x3] =	wrdreg s6  }
0xab: {  	[dreg:$0x4] =	wrdreg $0xC0  }
0xac: {  	_ =	task [dreg:s8], $0x5FFFF  }
0xad: {  	[dreg:$0x1] =	wrdreg $0xFFFFFFFF  }
0xae: {  	[dreg:$0x0] =	wrdreg $0x60  }
0xaf: {  	[dreg:$0x2] =	wrdreg s2  }
0xb0: {  	[dreg:$0x3] =	wrdreg s18  }
0xb1: {  	[dreg:$0x4] =	wrdreg s24  }
0xb2: {  	[dreg:$0x5] =	wrdreg $0x9  }
0xb3: {  	_ =	task.clear_ibuf [dreg:s8], $0x6FFFF;
	_ =	strace $0x90000046  }
0xb4: {  	s29 =	simm.s32 $0x9;
	_ =	strace $0x80000048  }
0xb5: {  	_ =	swait.ge [sflag:s29], $0x1  }
0xb6: {  	[sflag:s29] =	ssyncadd.s32 $0xFFFFFFFF  }
0xb7: {  	_ =	strace $0x90000048  }
0xb8: {  	_ =	sfence  }
0xb9: {  	s30 =	sld [smem:$0x0];
	_ =	sdelay $0x2  }
0xba: {  	s31 =	sshll.u32 s1, $0xD;
	s1 =	sshrl.u32 s1, $0x2  }
0xbb: {  	s3 =	sand.u32 $0x4000, s31;
	s1 =	sadd.s32 s1, s30  }
0xbc: {  	s0 =	sor.u32 s3, s0;
	s1 =	sshll.u32 s1, $0x11  }
0xbd: {  	s0 =	sor.u32 s1, s0  }
0xbe: {  	s0 =	sadd.s32 $0x8F2B, s0  }
0xbf: {  	[sflag:s0] =	ssyncadd.remote.s32 $0x1  }
0xc0: {  	_ =	sfence.sel $0xFFFF  }
0xc1: {  	[dreg:$0x0] =	wrdreg $0xFFFFFFFF;
	(pc) =	sbr.abs _section_cstart, $3  }
0xc2: {  	[dreg:$0x1] =	wrdreg $0xFFFFFFFF  }
0xc3: {  	_ =	task.clear_ibuf [dreg:s8], $0x2FFFF;
	_ =	strace $0x9FFFFFFF  }
0xc4: {  	(tm) =	ssettm $0x7FFFFFFF  }
0xc5: {  	_ =	shalt  }
tec
execute0_lowered:
.L_overlay_start_1:
0x0: {  	(tag) =	ssettag $0x1  }
0x1: {  	s0 =	rddreg [dreg:$0x0]  }
0x2: {  	s2 =	rddreg [dreg:$0x1]  }
0x3: {  	s5 =	rddreg [dreg:$0x2];
	s1 =	simm.s32 $0x0  }
0x4: {  	s4 =	srdreg.scid;
	s10 =	stileid.u32;
	s19 =	simm.s32 $0x3  }
0x5: {  	s28 =	simm.s32 $0xE00;
	s29 =	simm.s32 $0x2E00;
	s30 =	simm.s32 $0x4E00  }
0x6: {  	[smem:$0x7FF] =	sst s1;
	s6 =	sadd.s32 $0x2200, s5;
	s3 =	sadd.s32 $0x24C200, s5  }
0x7: {  	s7 =	sand.u32 $0x1, s4;
	s4 =	sadd.s32 $0x188C00, s5;
	s10 =	sshll.u32 s10, $0x7  }
0x8: {  	s5 =	sadd.s32 $0x4A00, s5;
	s8 =	ssub.s32 $0x2, s7;
	s7 =	sshll.u32 s7, $0x6  }
0x9: {  	_ =	strace $0x80000047;
	s9 =	sshrl.u32 s8, $0x1;
	s7 =	sor.u32 s7, s10  }
0xa: {  	s8 =	ssub.s32 s8, s9;
	s0 =	sadd.s32 s0, s7;
	s20 =	sadd.s32 s2, s7  }
0xb: {  	s21 =	sor.u32 $0x800, s7;
	s22 =	sadd.s32 s6, s7;
	s24 =	sor.u32 $0x1000, s7  }
0xc: {  	s26 =	sor.u32 $0x1800, s7;
	s10 =	sor.u32 $0x2000, s7;
	[dreg:$0x4] =	wrdreg s0  }
0xd: {  	s12 =	sadd.s32 s5, s7;
	s7 =	simm.s32 $0x18E00;
	[dreg:$0x5] =	wrdreg s20  }
0xe: {  	s9 =	simm.s32 $0x0;
	[dreg:$0x6] =	wrdreg s22;
	s23 =	sadd.s32 s6, s21  }
0xf: {  	s25 =	sadd.s32 s6, s24;
	s11 =	sadd.s32 s6, s26;
	s6 =	sadd.s32 s6, s10  }
0x10: {  	s0 =	sadd.s32 s5, s21;
	s31 =	sadd.s32 s5, s24;
	[dreg:$0x7] =	wrdreg s23  }
0x11: {  	s15 =	sadd.s32 s5, s26;
	s16 =	sadd.s32 s5, s10;
	[dreg:$0x8] =	wrdreg s25  }
0x12: {  	v0 =	vlaneseq.u32;
	s17 =	sadd.s32 $0x2800, s12;
	s18 =	smax.u32 s8, $0x1;
	[dreg:$0x9] =	wrdreg s11  }
0x13: {  	v1 =	vmul.u32 $0x40, v0;
	s26 =	simm.s32 $0x80;
	s21 =	simm.s32 $0x1;
	[dreg:$0xa] =	wrdreg s6  }
0x14: {  	s5 =	simm.s32 $0xEE00;
	s22 =	simm.s32 $0x10E00;
	[dreg:$0xb] =	wrdreg s0  }
0x15: {  	v2 =	vor.u32 $0x8000, v1;
	s24 =	simm.s32 $0x16E00;
	s8 =	simm.s32 $0x2;
	[dreg:$0xc] =	wrdreg s31  }
0x16: {  	v3 =	vor.u32 $0x6000, v1;
	v4 =	vor.u32 $0x4000, v1;
	v5 =	vor.u32 $0x2000, v1;
	s6 =	simm.s32 $0x12E00;
	s23 =	simm.s32 $0x14E00;
	s25 =	simm.s32 $0x1AE00  }
.LBB2_1:
0x17: {  	s0 =	rddreg [dreg:$0x4]  }
0x18: {  	[tilespmem:s1], [sflag:$0x3] =	stream.linear.gather [hbm4b:s0+s1], $0x200, $0x38;
	[tilespmem:$0x1DA00] =	vst v63  }
0x19: {  	_ =	swait.ge [sflag:s19], $0x200  }
0x1a: {  	[sflag:s19] =	ssyncset.done $0x0  }
0x1b: {  	s2 =	simm.s32 $0x200;
	s10 =	rddreg [dreg:$0x5];
	[sflag:s19] =	ssyncadd.s32 $0xFFFFFE00  }
0x1c: {  	[tilespmem:s2], [sflag:$0x3] =	stream.linear.gather [hbm4b:s10+s1], $0x200, $0x38;
	[tilespmem:$0x1DA00] =	vst v63  }
0x1d: {  	_ =	swait.ge [sflag:s19], $0x200  }
0x1e: {  	[sflag:s19] =	ssyncset.done $0x0  }
0x1f: {  	s10 =	simm.s32 $0x400;
	s11 =	rddreg [dreg:$0x6];
	[sflag:s19] =	ssyncadd.s32 $0xFFFFFE00  }
0x20: {  	[tilespmem:s10], [sflag:$0x3] =	stream.linear.gather [hbm4b:s11+s1], $0x200, $0x38;
	[tilespmem:$0x1DA00] =	vst v63  }
0x21: {  	_ =	swait.ge [sflag:s19], $0x200  }
0x22: {  	[sflag:s19] =	ssyncset.done $0x0  }
0x23: {  	s11 =	simm.s32 $0x600;
	s13 =	rddreg [dreg:$0x7];
	[sflag:s19] =	ssyncadd.s32 $0xFFFFFE00  }
0x24: {  	[tilespmem:s11], [sflag:$0x3] =	stream.linear.gather [hbm4b:s13+s1], $0x200, $0x38;
	[tilespmem:$0x1DA00] =	vst v63  }
0x25: {  	_ =	swait.ge [sflag:s19], $0x200  }
0x26: {  	[sflag:s19] =	ssyncset.done $0x0  }
0x27: {  	s13 =	simm.s32 $0x800;
	s14 =	rddreg [dreg:$0x8];
	[sflag:s19] =	ssyncadd.s32 $0xFFFFFE00  }
0x28: {  	[tilespmem:s13], [sflag:$0x3] =	stream.linear.gather [hbm4b:s14+s1], $0x200, $0x38;
	[tilespmem:$0x1DA00] =	vst v63  }
0x29: {  	_ =	swait.ge [sflag:s19], $0x200  }
0x2a: {  	[sflag:s19] =	ssyncset.done $0x0  }
0x2b: {  	s14 =	simm.s32 $0xA00;
	s20 =	rddreg [dreg:$0x9];
	[sflag:s19] =	ssyncadd.s32 $0xFFFFFE00  }
0x2c: {  	[tilespmem:s14], [sflag:$0x3] =	stream.linear.gather [hbm4b:s20+s1], $0x200, $0x38;
	[tilespmem:$0x1DA00] =	vst v63  }
0x2d: {  	_ =	swait.ge [sflag:s19], $0x200  }
0x2e: {  	[sflag:s19] =	ssyncset.done $0x0  }
0x2f: {  	s20 =	simm.s32 $0xC00;
	s0 =	rddreg [dreg:$0xa];
	[sflag:s19] =	ssyncadd.s32 $0xFFFFFE00  }
0x30: {  	[tilespmem:s20], [sflag:$0x3] =	stream.linear.gather [hbm4b:s0+s1], $0x200, $0x38;
	[tilespmem:$0x1DA00] =	vst v63  }
0x31: {  	_ =	swait.ge [sflag:s19], $0x200  }
0x32: {  	[sflag:s19] =	ssyncset.done $0x0  }
0x33: {  	[sflag:s19] =	ssyncadd.s32 $0xFFFFFE00  }
0x34: {  	[tilespmem:s28], [sflag:$0x1] =	stream.indirect.gather [hbm4b:s3+s26], $0x40, s1, s26, $0xb8;
	[tilespmem:$0x1DA00] =	vst v63  }
0x35: {  	_ = 	snop  }
0x36: {  	[tilespmem:s29], [sflag:$0x1] =	stream.indirect.gather [hbm4b:s4+s26], $0x40, s2, s26, $0xb8;
	[tilespmem:$0x1DA00] =	vst v63  }
0x37: {  	_ = 	snop  }
0x38: {  	[tilespmem:s30], [sflag:$0x1] =	stream.indirect.gather [hbm4b:s4+s26], $0x40, s10, s26, $0xb8;
	[tilespmem:$0x1DA00] =	vst v63  }
0x39: {  	s10 =	simm.s32 $0x6E00  }
0x3a: {  	[tilespmem:s10], [sflag:$0x1] =	stream.indirect.gather [hbm4b:s4+s26], $0x40, s11, s26, $0xb8;
	[tilespmem:$0x1DA00] =	vst v63  }
0x3b: {  	s11 =	simm.s32 $0x8E00  }
0x3c: {  	[tilespmem:s11], [sflag:$0x1] =	stream.indirect.gather [hbm4b:s4+s26], $0x40, s13, s26, $0xb8;
	[tilespmem:$0x1DA00] =	vst v63  }
0x3d: {  	s13 =	simm.s32 $0xAE00  }
0x3e: {  	[tilespmem:s13], [sflag:$0x1] =	stream.indirect.gather [hbm4b:s4+s26], $0x40, s14, s26, $0xb8;
	[tilespmem:$0x1DA00] =	vst v63  }
0x3f: {  	s14 =	simm.s32 $0xCE00  }
0x40: {  	[tilespmem:s14], [sflag:$0x1] =	stream.indirect.gather [hbm4b:s4+s26], $0x40, s20, s26, $0xb8;
	[tilespmem:$0x1DA00] =	vst v63  }
0x41: {  	_ =	swait.ge [sflag:s21], $0x2000  }
0x42: {  	[sflag:s21] =	ssyncset.done $0x0  }
0x43: {  	[sflag:s21] =	ssyncadd.s32 $0xFFFFE000  }
0x44: {  	_ =	swait.ge [sflag:s21], $0x2000  }
0x45: {  	[sflag:s21] =	ssyncset.done $0x0  }
0x46: {  	[sflag:s21] =	ssyncadd.s32 $0xFFFFE000  }
0x47: {  	_ =	swait.ge [sflag:s21], $0x2000  }
0x48: {  	[sflag:s21] =	ssyncset.done $0x0  }
0x49: {  	[sflag:s21] =	ssyncadd.s32 $0xFFFFE000  }
0x4a: {  	_ =	swait.ge [sflag:s21], $0x2000  }
0x4b: {  	[sflag:s21] =	ssyncset.done $0x0  }
0x4c: {  	[sflag:s21] =	ssyncadd.s32 $0xFFFFE000  }
0x4d: {  	_ =	swait.ge [sflag:s21], $0x2000  }
0x4e: {  	[sflag:s21] =	ssyncset.done $0x0  }
0x4f: {  	[sflag:s21] =	ssyncadd.s32 $0xFFFFE000  }
0x50: {  	_ =	swait.ge [sflag:s21], $0x2000  }
0x51: {  	[sflag:s21] =	ssyncset.done $0x0  }
0x52: {  	[sflag:s21] =	ssyncadd.s32 $0xFFFFE000  }
0x53: {  	_ =	swait.ge [sflag:s21], $0x2000  }
0x54: {  	[sflag:s21] =	ssyncset.done $0x0  }
0x55: {  	[sflag:s21] =	ssyncadd.s32 $0xFFFFE000  }
0x56: {  	[tilespmem:s5], [sflag:$0x2] =	stream.indirect.gather [hbm4b:s3+s26], $0x40, s26, s26, $0xb8;
	[tilespmem:$0x1DA00] =	vst v63  }
0x57: {  	s2 =	simm.s32 $0x280  }
0x58: {  	[tilespmem:s22], [sflag:$0x2] =	stream.indirect.gather [hbm4b:s4+s26], $0x40, s2, s26, $0xb8;
	[tilespmem:$0x1DA00] =	vst v63  }
0x59: {  	s10 =	simm.s32 $0x480  }
0x5a: {  	[tilespmem:s6], [sflag:$0x2] =	stream.indirect.gather [hbm4b:s4+s26], $0x40, s10, s26, $0xb8;
	[tilespmem:$0x1DA00] =	vst v63  }
0x5b: {  	s11 =	simm.s32 $0x680  }
0x5c: {  	[tilespmem:s23], [sflag:$0x2] =	stream.indirect.gather [hbm4b:s4+s26], $0x40, s11, s26, $0xb8;
	[tilespmem:$0x1DA00] =	vst v63  }
0x5d: {  	s13 =	simm.s32 $0x880  }
0x5e: {  	[tilespmem:s24], [sflag:$0x2] =	stream.indirect.gather [hbm4b:s4+s26], $0x40, s13, s26, $0xb8;
	[tilespmem:$0x1DA00] =	vst v63  }
0x5f: {  	s14 =	simm.s32 $0xA80  }
0x60: {  	[tilespmem:s7], [sflag:$0x2] =	stream.indirect.gather [hbm4b:s4+s26], $0x40, s14, s26, $0xb8;
	[tilespmem:$0x1DA00] =	vst v63  }
0x61: {  	s31 =	simm.s32 $0x0;
	s20 =	simm.s32 $0xC80  }
0x62: {  	[tilespmem:s25], [sflag:$0x2] =	stream.indirect.gather [hbm4b:s4+s26], $0x40, s20, s26, $0xb8;
	[tilespmem:$0x1DA00] =	vst v63  }
.LBB2_2:
0x63: {  	s10 =	sshll.u32 s31, $0x4  }
0x64: {  	s0 =	simm.s32 $0x1;
	v6 =	vmov s10  }
0x65: {  	v8 =	vadd.s32 s0, v0;
	v7 =	vshll.u32 v6, $0x6  }
0x66: {  	s14 =	simm.s32 $0x2;
	v13 =	vand.u32 $0x3F, v8;
	v6 =	vor.u32 v5, v7  }
0x67: {  	v10 =	vadd.s32 s14, v0;
	v8 =	vor.u32 v1, v7;
	v12 =	vor.u32 v6, v13  }
0x68: {  	v10 =	vand.u32 $0x3F, v10;
	v9 =	vor.u32 v2, v7;
	v14 =	vor.u32 v8, v13  }
0x69: {  	v11 =	vor.u32 v4, v7;
	v15 =	vor.u32 v9, v10  }
0x6a: {  	v16 =	vor.u32 v11, v10;
	_ =	sdelay $0x1  }
0x6b: {  	v17 =	vor.u32 v11, v13;
	v18 =	vld.idx.msk [tilespmem:v12+s30+$0x0], $0xffff  }
0x6c: {  	v19 =	vor.u32 v8, v10;
	v23 =	vld.idx.msk [tilespmem:v14+s29+$0x0], $0xffff  }
0x6d: {  	v21 =	vor.u32 v9, v13;
	v24 =	vld.idx.msk [tilespmem:v15+s30+$0x0], $0xffff  }
0x6e: {  	v29 =	vld.idx.msk [tilespmem:v16+s30+$0x0], $0xffff  }
0x6f: {  	v16 =	vld.idx.msk [tilespmem:v14+s30+$0x0], $0xffff  }
0x70: {  	s20 =	simm.s32 $0x3;
	v25 =	vld.idx.msk [tilespmem:v17+s30+$0x0], $0xffff  }
0x71: {  	s2 =	simm.s32 $0x0;
	v15 =	vor.u32 v6, v10;
	v12 =	vor.u32 v3, v7;
	v20 =	vld.idx.msk [tilespmem:v19+s29+$0x0], $0xffff;
	v7 =	vadd.s32 s20, v0  }
0x72: {  	v17 =	vadd.s32 s2, v0;
	v26 =	vld.idx.msk [tilespmem:v21+s30+$0x0], $0xffff;
	v22 =	vor.u32 v12, v10;
	v31 =	vand.u32 $0x3F, v7  }
0x73: {  	v37 =	vld.idx.msk [tilespmem:v19+s30+$0x0], $0xffff;
	v7 =	vand.u32 $0x3F, v17;
	v21 =	vor.u32 v8, v31  }
0x74: {  	v36 =	vld.idx.msk [tilespmem:v19+s28+$0x0], $0xffff;
	v43 =	vor.u32 v8, v7  }
0x75: {  	v10 =	vld.idx.msk [tilespmem:v14+s28+$0x0], $0xffff;
	v14 =	vor.u32 v9, v7  }
0x76: {  	v38 =	vor.u32 v12, v7;
	v35 =	vld.idx.msk [tilespmem:v15+s30+$0x0], $0xffff  }
0x77: {  	v19 =	vor.u32 v11, v7;
	v34 =	vld.idx.msk [tilespmem:v22+s30+$0x0], $0xffff  }
0x78: {  	v32 =	vimm.f32 $0.0e+00;
	v17 =	vor.u32 v12, v13;
	v22 =	vor.u32 v6, v7;
	v7 =	vld.idx.msk [tilespmem:v21+s28+$0x0], $0xffff  }
0x79: {  	v27 =	vor.u32 v11, v31;
	v33 =	vor.u32 v9, v31;
	v13 =	vmul.f32 v37, v36;
	v28 =	vld.idx.msk [tilespmem:v43+s28+$0x0], $0xffff  }
0x7a: {  	v30 =	vor.u32 v6, v31;
	v15 =	vmul.f32 v23, v10;
	v16 =	vmul.f32 v16, v10;
	v40 =	vld.idx.msk [tilespmem:v14+s30+$0x0], $0xffff  }
0x7b: {  	v37 =	vimm.f32 $0.0e+00;
	v18 =	vmul.f32 v18, v10;
	v23 =	vmul.f32 v25, v10;
	v41 =	vld.idx.msk [tilespmem:v38+s30+$0x0], $0xffff  }
0x7c: {  	v25 =	vmul.f32 v24, v36;
	v24 =	vimm.f32 $0.0e+00;
	v38 =	vmul.f32 v26, v10;
	v39 =	vld.idx.msk [tilespmem:v19+s30+$0x0], $0xffff  }
0x7d: {  	v26 =	vor.u32 v12, v31;
	v42 =	vld.idx.msk [tilespmem:v43+s30+$0x0], $0xffff;
	v14 =	vmul.f32 v29, v36;
	v31 =	vimm.f32 $0.0e+00  }
0x7e: {  	s2 =	simm.s32 $0x4;
	v43 =	vld.idx.msk [tilespmem:v43+s29+$0x0], $0xffff;
	v29 =	vimm.f32 $0.0e+00;
	v19 =	vmul.f32 v35, v36;
	v35 =	vimm.f32 $0.0e+00  }
.LBB2_3:
0x7f: {  	s20 =	sadd.s32 $0x1, s2  }
0x80: {  	s13 =	sadd.s32 $0x2, s2;
	v44 =	vmul.f32 v20, v36;
	v45 =	vmul.f32 v34, v36;
	v20 =	vld.idx.msk [tilespmem:v33+s30+$0x0], $0xffff;
	s11 =	smov.u32 s2;
	s0 =	sadd.s32 $0x4, s2  }
0x81: {  	p0 =	sne.s32 s2, $0x3C;
	v33 =	vadd.s32 s20, v0;
	v34 =	vadd.s32 s13, v0;
	v36 =	vld.idx.msk [tilespmem:v22+s30+$0x0], $0xffff;
	v22 =	vmul.f32 v40, v28  }
0x82: {  	v40 =	vmul.f32 v41, v28;
	v33 =	vand.u32 $0x3F, v33;
	v34 =	vand.u32 $0x3F, v34;
	v27 =	vld.idx.msk [tilespmem:v27+s30+$0x0], $0xffff  }
0x83: {  	v41 =	vor.u32 v6, v33;
	v46 =	vor.u32 v9, v34;
	v47 =	vld.idx.msk [tilespmem:v21+s29+$0x0], $0xffff  }
0x84: {  	v48 =	vor.u32 v8, v33;
	v49 =	vor.u32 v11, v34;
	v42 =	vmul.f32 v42, v28;
	v21 =	vld.idx.msk [tilespmem:v21+s30+$0x0], $0xffff  }
0x85: {  	v50 =	vor.u32 v9, v33;
	v22 =	vadd.f32 v22, v32;
	v43 =	vmul.f32 v43, v28;
	v30 =	vld.idx.msk [tilespmem:v30+s30+$0x0], $0xffff  }
0x86: {  	v39 =	vmul.f32 v39, v28;
	v32 =	vor.u32 v11, v33;
	v51 =	vor.u32 v6, v34;
	v52 =	vld.idx.msk [tilespmem:v26+s30+$0x0], $0xffff  }
0x87: {  	v53 =	vor.u32 v8, v34;
	v55 =	vmul.f32 v20, v7;
	v26 =	vadd.s32 s11, v0;
	v54 =	vld.idx.msk [tilespmem:v17+s30+$0x0], $0xffff  }
0x88: {  	v20 =	vadd.f32 v38, v22;
	v17 =	vand.u32 $0x3F, v26;
	v26 =	vadd.f32 v43, v37;
	v56 =	vld.idx.msk [tilespmem:v41+s30+$0x0], $0xffff  }
0x89: {  	v28 =	vmul.f32 v36, v28;
	v43 =	vor.u32 v8, v17;
	v22 =	vor.u32 v6, v17;
	v38 =	vld.idx.msk [tilespmem:v48+s29+$0x0], $0xffff  }
0x8a: {  	v25 =	vadd.f32 v25, v20;
	v57 =	vor.u32 v11, v17;
	v41 =	vor.u32 v12, v17;
	v46 =	vld.idx.msk [tilespmem:v46+s30+$0x0], $0xffff  }
0x8b: {  	v35 =	vadd.f32 v39, v35;
	v58 =	vor.u32 v9, v17;
	v36 =	vmul.f32 v30, v7;
	v49 =	vld.idx.msk [tilespmem:v49+s30+$0x0], $0xffff  }
0x8c: {  	v34 =	vor.u32 v12, v34;
	v30 =	vadd.f32 v42, v31;
	v31 =	vmul.f32 v21, v7;
	v39 =	vld.idx.msk [tilespmem:v48+s30+$0x0], $0xffff  }
0x8d: {  	s2 =	sadd.s32 $0x3, s11;
	v17 =	vor.u32 v12, v33;
	v21 =	vadd.f32 v28, v24;
	v24 =	vadd.f32 v40, v29;
	v42 =	vld.idx.msk [tilespmem:v32+s30+$0x0], $0xffff  }
0x8e: {  	v23 =	vadd.f32 v23, v35;
	v35 =	vmul.f32 v27, v7;
	v28 =	vadd.s32 s2, v0;
	v20 =	vld.idx.msk [tilespmem:v53+s29+$0x0], $0xffff  }
0x8f: {  	v28 =	vand.u32 $0x3F, v28;
	v16 =	vadd.f32 v16, v30;
	v18 =	vadd.f32 v18, v21;
	v50 =	vld.idx.msk [tilespmem:v50+s30+$0x0], $0xffff  }
0x90: {  	v15 =	vadd.f32 v15, v26;
	v21 =	vor.u32 v8, v28;
	v27 =	vor.u32 v11, v28;
	v51 =	vld.idx.msk [tilespmem:v51+s30+$0x0], $0xffff  }
0x91: {  	v33 =	vor.u32 v9, v28;
	v29 =	vmul.f32 v54, v10;
	v18 =	vadd.f32 v19, v18;
	v10 =	vld.idx.msk [tilespmem:v48+s28+$0x0], $0xffff  }
0x92: {  	v30 =	vor.u32 v6, v28;
	v26 =	vor.u32 v12, v28;
	v32 =	vadd.f32 v55, v25;
	v19 =	vld.idx.msk [tilespmem:v53+s30+$0x0], $0xffff  }
0x93: {  	v25 =	vadd.f32 v29, v24;
	v24 =	vadd.f32 v36, v18;
	v18 =	vmul.f32 v52, v7;
	v34 =	vld.idx.msk [tilespmem:v34+s30+$0x0], $0xffff  }
0x94: {  	v15 =	vadd.f32 v44, v15;
	v13 =	vadd.f32 v13, v16;
	v16 =	vmul.f32 v47, v7;
	v36 =	vld.idx.msk [tilespmem:v53+s28+$0x0], $0xffff  }
0x95: {  	v14 =	vadd.f32 v14, v23;
	v23 =	vadd.f32 v45, v25;
	v7 =	vld.idx.msk [tilespmem:v21+s28+$0x0], $0xffff  }
0x96: {  	v37 =	vadd.f32 v16, v15;
	v31 =	vadd.f32 v31, v13;
	v28 =	vld.idx.msk [tilespmem:v43+s28+$0x0], $0xffff  }
.Ltmp0:
0x97: {  	v29 =	vadd.f32 v18, v23;
	v15 =	vmul.f32 v38, v10;
	v16 =	vmul.f32 v39, v10;
	v40 =	vld.idx.msk [tilespmem:v58+s30+$0x0], $0xffff;
	(pc) =	sbr.rel @p0 .LBB2_3-.Ltmp0, $4  }
0x98: {  	v35 =	vadd.f32 v35, v14;
	v18 =	vmul.f32 v56, v10;
	v23 =	vmul.f32 v42, v10;
	v41 =	vld.idx.msk [tilespmem:v41+s30+$0x0], $0xffff  }
0x99: {  	v38 =	vmul.f32 v50, v10;
	v39 =	vld.idx.msk [tilespmem:v57+s30+$0x0], $0xffff  }
0x9a: {  	v13 =	vmul.f32 v19, v36;
	v25 =	vmul.f32 v46, v36;
	v42 =	vld.idx.msk [tilespmem:v43+s30+$0x0], $0xffff  }
0x9b: {  	s2 =	smov.u32 s0;
	v19 =	vmul.f32 v51, v36;
	v14 =	vmul.f32 v49, v36;
	v43 =	vld.idx.msk [tilespmem:v43+s29+$0x0], $0xffff  }
0x9c: {  	_ =	sdelay $0x3  }
0x9d: {  	v6 =	vld.idx.msk [tilespmem:v22+s30+$0x0], $0xffff  }
0x9e: {  	v8 =	vmul.f32 v40, v28;
	v17 =	vld.idx.msk [tilespmem:v17+s30+$0x0], $0xffff  }
0x9f: {  	v9 =	vmul.f32 v41, v28  }
0xa0: {  	v8 =	vadd.f32 v8, v32;
	v51 =	vmul.f32 v39, v28  }
0xa1: {  	v54 =	vld.idx.msk [tilespmem:v27+s30+$0x0], $0xffff;
	v50 =	vmul.f32 v42, v28;
	v9 =	vadd.f32 v9, v29;
	v11 =	vmul.f32 v43, v28  }
0xa2: {  	v52 =	vld.idx.msk [tilespmem:v21+s30+$0x0], $0xffff;
	v8 =	vadd.f32 v38, v8;
	v53 =	vadd.f32 v51, v35;
	v6 =	vmul.f32 v6, v28  }
0xa3: {  	v26 =	vld.idx.msk [tilespmem:v26+s30+$0x0], $0xffff;
	v22 =	vadd.f32 v50, v31;
	v10 =	vmul.f32 v17, v10;
	v11 =	vadd.f32 v11, v37  }
0xa4: {  	v30 =	vld.idx.msk [tilespmem:v30+s30+$0x0], $0xffff;
	v20 =	vmul.f32 v20, v36;
	v23 =	vadd.f32 v23, v53;
	v6 =	vadd.f32 v6, v24  }
0xa5: {  	v12 =	vld.idx.msk [tilespmem:v21+s29+$0x0], $0xffff;
	v55 =	vmul.f32 v34, v36;
	v16 =	vadd.f32 v16, v22;
	v9 =	vadd.f32 v10, v9  }
0xa6: {  	v56 =	vld.idx.msk [tilespmem:v33+s30+$0x0], $0xffff;
	v60 =	vmul.f32 v54, v7;
	v11 =	vadd.f32 v15, v11;
	v61 =	vadd.f32 v14, v23  }
0xa7: {  	v57 =	vmul.f32 v52, v7;
	v6 =	vadd.f32 v18, v6;
	v13 =	vadd.f32 v13, v16  }
0xa8: {  	v62 =	vmul.f32 v26, v7;
	v9 =	vadd.f32 v55, v9;
	v63 =	vadd.f32 v60, v61  }
0xa9: {  	s31 =	sadd.s32 $0x1, s31;
	v58 =	vmul.f32 v30, v7;
	v6 =	vadd.f32 v19, v6;
	v13 =	vadd.f32 v57, v13  }
0xaa: {  	p0 =	sne.s32 s31, $0x8;
	v12 =	vmul.f32 v12, v7;
	v11 =	vadd.f32 v20, v11;
	v9 =	vadd.f32 v62, v9;
	[tilespmem:s10+$0x1D400] =	vst v63  }
.Ltmp1:
0xab: {  	v7 =	vmul.f32 v56, v7;
	v8 =	vadd.f32 v25, v8;
	v6 =	vadd.f32 v58, v6;
	[tilespmem:s10+$0x1D000] =	vst v13;
	(pc) =	sbr.rel @p0 .LBB2_2-.Ltmp1, $4  }
0xac: {  	v59 =	vadd.f32 v12, v11;
	[tilespmem:s10+$0x1D600] =	vst v9  }
0xad: {  	[tilespmem:s10+$0x1D200] =	vst v6;
	v6 =	vadd.f32 v7, v8  }
0xae: {  	[tilespmem:s10+$0x1CE00] =	vst v59  }
0xaf: {  	[tilespmem:s10+$0x1D800] =	vst v6  }
0xb0: {  	_ =	swait.ge [sflag:s8], $0x2000  }
0xb1: {  	[sflag:s8] =	ssyncset.done $0x0  }
0xb2: {  	[sflag:s8] =	ssyncadd.s32 $0xFFFFE000  }
0xb3: {  	_ =	swait.ge [sflag:s8], $0x2000  }
0xb4: {  	[sflag:s8] =	ssyncset.done $0x0  }
0xb5: {  	[sflag:s8] =	ssyncadd.s32 $0xFFFFE000  }
0xb6: {  	_ =	swait.ge [sflag:s8], $0x2000  }
0xb7: {  	[sflag:s8] =	ssyncset.done $0x0  }
0xb8: {  	[sflag:s8] =	ssyncadd.s32 $0xFFFFE000  }
0xb9: {  	_ =	swait.ge [sflag:s8], $0x2000  }
0xba: {  	[sflag:s8] =	ssyncset.done $0x0  }
0xbb: {  	[sflag:s8] =	ssyncadd.s32 $0xFFFFE000  }
0xbc: {  	_ =	swait.ge [sflag:s8], $0x2000  }
0xbd: {  	[sflag:s8] =	ssyncset.done $0x0  }
0xbe: {  	[sflag:s8] =	ssyncadd.s32 $0xFFFFE000  }
0xbf: {  	_ =	swait.ge [sflag:s8], $0x2000  }
0xc0: {  	[sflag:s8] =	ssyncset.done $0x0  }
0xc1: {  	[sflag:s8] =	ssyncadd.s32 $0xFFFFE000  }
0xc2: {  	_ =	swait.ge [sflag:s8], $0x2000  }
0xc3: {  	[sflag:s8] =	ssyncset.done $0x0  }
0xc4: {  	s0 =	simm.s32 $0x100;
	[sflag:s8] =	ssyncadd.s32 $0xFFFFE000  }
0xc5: {  	[tilespmem:s28], [sflag:$0x1] =	stream.indirect.gather [hbm4b:s3+s26], $0x40, s0, s26, $0xb8;
	[tilespmem:$0x1DA00] =	vst v63  }
0xc6: {  	s13 =	simm.s32 $0x300  }
0xc7: {  	[tilespmem:s29], [sflag:$0x1] =	stream.indirect.gather [hbm4b:s4+s26], $0x40, s13, s26, $0xb8;
	[tilespmem:$0x1DA00] =	vst v63  }
0xc8: {  	s14 =	simm.s32 $0x500  }
0xc9: {  	[tilespmem:s30], [sflag:$0x1] =	stream.indirect.gather [hbm4b:s4+s26], $0x40, s14, s26, $0xb8;
	[tilespmem:$0x1DA00] =	vst v63  }
0xca: {  	s20 =	simm.s32 $0x6E00;
	s2 =	simm.s32 $0x700  }
0xcb: {  	[tilespmem:s20], [sflag:$0x1] =	stream.indirect.gather [hbm4b:s4+s26], $0x40, s2, s26, $0xb8;
	[tilespmem:$0x1DA00] =	vst v63  }
0xcc: {  	s10 =	simm.s32 $0x900;
	s2 =	simm.s32 $0x8E00  }
0xcd: {  	[tilespmem:s2], [sflag:$0x1] =	stream.indirect.gather [hbm4b:s4+s26], $0x40, s10, s26, $0xb8;
	[tilespmem:$0x1DA00] =	vst v63  }
0xce: {  	s11 =	simm.s32 $0xAE00;
	s31 =	simm.s32 $0x0;
	s13 =	simm.s32 $0xB00  }
0xcf: {  	[tilespmem:s11], [sflag:$0x1] =	stream.indirect.gather [hbm4b:s4+s26], $0x40, s13, s26, $0xb8;
	[tilespmem:$0x1DA00] =	vst v63  }
0xd0: {  	s14 =	simm.s32 $0xCE00;
	s20 =	simm.s32 $0xD00;
	s10 =	simm.s32 $0x0  }
0xd1: {  	[tilespmem:s14], [sflag:$0x1] =	stream.indirect.gather [hbm4b:s4+s26], $0x40, s20, s26, $0xb8;
	[tilespmem:$0x1DA00] =	vst v63  }
.LBB2_6:
0xd2: {  	s0 =	sshll.u32 s10, $0x4  }
0xd3: {  	s2 =	simm.s32 $0x1;
	v6 =	vmov s0  }
0xd4: {  	v8 =	vadd.s32 s2, v0;
	v7 =	vshll.u32 v6, $0x6  }
0xd5: {  	s14 =	simm.s32 $0x2;
	v13 =	vand.u32 $0x3F, v8;
	v6 =	vor.u32 v5, v7  }
0xd6: {  	v10 =	vadd.s32 s14, v0;
	v8 =	vor.u32 v1, v7;
	v12 =	vor.u32 v6, v13  }
0xd7: {  	v10 =	vand.u32 $0x3F, v10;
	v9 =	vor.u32 v2, v7;
	v14 =	vor.u32 v8, v13  }
0xd8: {  	v11 =	vor.u32 v4, v7;
	v15 =	vor.u32 v9, v10  }
0xd9: {  	v16 =	vor.u32 v11, v10;
	_ =	sdelay $0x1  }
0xda: {  	v17 =	vor.u32 v11, v13;
	v18 =	vld.idx.msk [tilespmem:v12+s6+$0x0], $0xffff  }
0xdb: {  	v19 =	vor.u32 v8, v10;
	v23 =	vld.idx.msk [tilespmem:v14+s22+$0x0], $0xffff  }
0xdc: {  	v21 =	vor.u32 v9, v13;
	v24 =	vld.idx.msk [tilespmem:v15+s6+$0x0], $0xffff  }
0xdd: {  	v29 =	vld.idx.msk [tilespmem:v16+s6+$0x0], $0xffff  }
0xde: {  	v16 =	vld.idx.msk [tilespmem:v14+s6+$0x0], $0xffff  }
0xdf: {  	s20 =	simm.s32 $0x3;
	v25 =	vld.idx.msk [tilespmem:v17+s6+$0x0], $0xffff  }
0xe0: {  	v15 =	vor.u32 v6, v10;
	v12 =	vor.u32 v3, v7;
	v20 =	vld.idx.msk [tilespmem:v19+s22+$0x0], $0xffff;
	v7 =	vadd.s32 s20, v0  }
0xe1: {  	v17 =	vadd.s32 s31, v0;
	v26 =	vld.idx.msk [tilespmem:v21+s6+$0x0], $0xffff;
	v22 =	vor.u32 v12, v10;
	v31 =	vand.u32 $0x3F, v7  }
0xe2: {  	v37 =	vld.idx.msk [tilespmem:v19+s6+$0x0], $0xffff;
	v7 =	vand.u32 $0x3F, v17;
	v21 =	vor.u32 v8, v31  }
0xe3: {  	v36 =	vld.idx.msk [tilespmem:v19+s5+$0x0], $0xffff;
	v43 =	vor.u32 v8, v7  }
0xe4: {  	v10 =	vld.idx.msk [tilespmem:v14+s5+$0x0], $0xffff;
	v14 =	vor.u32 v9, v7  }
0xe5: {  	v38 =	vor.u32 v12, v7;
	v35 =	vld.idx.msk [tilespmem:v15+s6+$0x0], $0xffff  }
0xe6: {  	v19 =	vor.u32 v11, v7;
	v34 =	vld.idx.msk [tilespmem:v22+s6+$0x0], $0xffff  }
0xe7: {  	v32 =	vimm.f32 $0.0e+00;
	v17 =	vor.u32 v12, v13;
	v22 =	vor.u32 v6, v7;
	v7 =	vld.idx.msk [tilespmem:v21+s5+$0x0], $0xffff  }
0xe8: {  	v27 =	vor.u32 v11, v31;
	v33 =	vor.u32 v9, v31;
	v13 =	vmul.f32 v37, v36;
	v28 =	vld.idx.msk [tilespmem:v43+s5+$0x0], $0xffff  }
0xe9: {  	v30 =	vor.u32 v6, v31;
	v15 =	vmul.f32 v23, v10;
	v16 =	vmul.f32 v16, v10;
	v40 =	vld.idx.msk [tilespmem:v14+s6+$0x0], $0xffff  }
0xea: {  	v37 =	vimm.f32 $0.0e+00;
	v18 =	vmul.f32 v18, v10;
	v23 =	vmul.f32 v25, v10;
	v41 =	vld.idx.msk [tilespmem:v38+s6+$0x0], $0xffff  }
0xeb: {  	v25 =	vmul.f32 v24, v36;
	v24 =	vimm.f32 $0.0e+00;
	v38 =	vmul.f32 v26, v10;
	v39 =	vld.idx.msk [tilespmem:v19+s6+$0x0], $0xffff  }
0xec: {  	v26 =	vor.u32 v12, v31;
	v42 =	vld.idx.msk [tilespmem:v43+s6+$0x0], $0xffff;
	v14 =	vmul.f32 v29, v36;
	v31 =	vimm.f32 $0.0e+00  }
0xed: {  	s11 =	simm.s32 $0x4;
	v43 =	vld.idx.msk [tilespmem:v43+s22+$0x0], $0xffff;
	v29 =	vimm.f32 $0.0e+00;
	v19 =	vmul.f32 v35, v36;
	v35 =	vimm.f32 $0.0e+00  }
.LBB2_7:
0xee: {  	s13 =	sadd.s32 $0x1, s11  }
0xef: {  	s14 =	sadd.s32 $0x2, s11;
	v44 =	vmul.f32 v20, v36;
	v45 =	vmul.f32 v34, v36;
	v20 =	vld.idx.msk [tilespmem:v33+s6+$0x0], $0xffff;
	s2 =	smov.u32 s11;
	s20 =	sadd.s32 $0x4, s11  }
0xf0: {  	p0 =	sne.s32 s11, $0x3C;
	v33 =	vadd.s32 s13, v0;
	v34 =	vadd.s32 s14, v0;
	v36 =	vld.idx.msk [tilespmem:v22+s6+$0x0], $0xffff;
	v22 =	vmul.f32 v40, v28  }
0xf1: {  	v40 =	vmul.f32 v41, v28;
	v33 =	vand.u32 $0x3F, v33;
	v34 =	vand.u32 $0x3F, v34;
	v27 =	vld.idx.msk [tilespmem:v27+s6+$0x0], $0xffff  }
0xf2: {  	v41 =	vor.u32 v6, v33;
	v46 =	vor.u32 v9, v34;
	v47 =	vld.idx.msk [tilespmem:v21+s22+$0x0], $0xffff  }
0xf3: {  	v48 =	vor.u32 v8, v33;
	v49 =	vor.u32 v11, v34;
	v42 =	vmul.f32 v42, v28;
	v21 =	vld.idx.msk [tilespmem:v21+s6+$0x0], $0xffff  }
0xf4: {  	v50 =	vor.u32 v9, v33;
	v22 =	vadd.f32 v22, v32;
	v43 =	vmul.f32 v43, v28;
	v30 =	vld.idx.msk [tilespmem:v30+s6+$0x0], $0xffff  }
0xf5: {  	v39 =	vmul.f32 v39, v28;
	v32 =	vor.u32 v11, v33;
	v51 =	vor.u32 v6, v34;
	v52 =	vld.idx.msk [tilespmem:v26+s6+$0x0], $0xffff  }
0xf6: {  	v53 =	vor.u32 v8, v34;
	v55 =	vmul.f32 v20, v7;
	v26 =	vadd.s32 s2, v0;
	v54 =	vld.idx.msk [tilespmem:v17+s6+$0x0], $0xffff  }
0xf7: {  	v20 =	vadd.f32 v38, v22;
	v17 =	vand.u32 $0x3F, v26;
	v26 =	vadd.f32 v43, v37;
	v56 =	vld.idx.msk [tilespmem:v41+s6+$0x0], $0xffff  }
0xf8: {  	v28 =	vmul.f32 v36, v28;
	v43 =	vor.u32 v8, v17;
	v22 =	vor.u32 v6, v17;
	v38 =	vld.idx.msk [tilespmem:v48+s22+$0x0], $0xffff  }
0xf9: {  	v25 =	vadd.f32 v25, v20;
	v57 =	vor.u32 v11, v17;
	v41 =	vor.u32 v12, v17;
	v46 =	vld.idx.msk [tilespmem:v46+s6+$0x0], $0xffff  }
0xfa: {  	v35 =	vadd.f32 v39, v35;
	v58 =	vor.u32 v9, v17;
	v36 =	vmul.f32 v30, v7;
	v49 =	vld.idx.msk [tilespmem:v49+s6+$0x0], $0xffff  }
0xfb: {  	v34 =	vor.u32 v12, v34;
	v30 =	vadd.f32 v42, v31;
	v31 =	vmul.f32 v21, v7;
	v39 =	vld.idx.msk [tilespmem:v48+s6+$0x0], $0xffff  }
0xfc: {  	s2 =	sadd.s32 $0x3, s2;
	v17 =	vor.u32 v12, v33;
	v21 =	vadd.f32 v28, v24;
	v24 =	vadd.f32 v40, v29;
	v42 =	vld.idx.msk [tilespmem:v32+s6+$0x0], $0xffff  }
0xfd: {  	v23 =	vadd.f32 v23, v35;
	v35 =	vmul.f32 v27, v7;
	v28 =	vadd.s32 s2, v0;
	v20 =	vld.idx.msk [tilespmem:v53+s22+$0x0], $0xffff  }
0xfe: {  	v28 =	vand.u32 $0x3F, v28;
	v16 =	vadd.f32 v16, v30;
	v18 =	vadd.f32 v18, v21;
	v50 =	vld.idx.msk [tilespmem:v50+s6+$0x0], $0xffff  }
0xff: {  	v15 =	vadd.f32 v15, v26;
	v21 =	vor.u32 v8, v28;
	v27 =	vor.u32 v11, v28;
	v51 =	vld.idx.msk [tilespmem:v51+s6+$0x0], $0xffff  }
0x100: {  	v33 =	vor.u32 v9, v28;
	v29 =	vmul.f32 v54, v10;
	v18 =	vadd.f32 v19, v18;
	v10 =	vld.idx.msk [tilespmem:v48+s5+$0x0], $0xffff  }
0x101: {  	v30 =	vor.u32 v6, v28;
	v26 =	vor.u32 v12, v28;
	v32 =	vadd.f32 v55, v25;
	v19 =	vld.idx.msk [tilespmem:v53+s6+$0x0], $0xffff  }
0x102: {  	v25 =	vadd.f32 v29, v24;
	v24 =	vadd.f32 v36, v18;
	v18 =	vmul.f32 v52, v7;
	v34 =	vld.idx.msk [tilespmem:v34+s6+$0x0], $0xffff  }
0x103: {  	v15 =	vadd.f32 v44, v15;
	v13 =	vadd.f32 v13, v16;
	v16 =	vmul.f32 v47, v7;
	v36 =	vld.idx.msk [tilespmem:v53+s5+$0x0], $0xffff  }
0x104: {  	v14 =	vadd.f32 v14, v23;
	v23 =	vadd.f32 v45, v25;
	v7 =	vld.idx.msk [tilespmem:v21+s5+$0x0], $0xffff  }
0x105: {  	v37 =	vadd.f32 v16, v15;
	v31 =	vadd.f32 v31, v13;
	v28 =	vld.idx.msk [tilespmem:v43+s5+$0x0], $0xffff  }
.Ltmp2:
0x106: {  	v29 =	vadd.f32 v18, v23;
	v15 =	vmul.f32 v38, v10;
	v16 =	vmul.f32 v39, v10;
	v40 =	vld.idx.msk [tilespmem:v58+s6+$0x0], $0xffff;
	(pc) =	sbr.rel @p0 .LBB2_7-.Ltmp2, $4  }
0x107: {  	v35 =	vadd.f32 v35, v14;
	v18 =	vmul.f32 v56, v10;
	v23 =	vmul.f32 v42, v10;
	v41 =	vld.idx.msk [tilespmem:v41+s6+$0x0], $0xffff  }
0x108: {  	v38 =	vmul.f32 v50, v10;
	v39 =	vld.idx.msk [tilespmem:v57+s6+$0x0], $0xffff  }
0x109: {  	v13 =	vmul.f32 v19, v36;
	v25 =	vmul.f32 v46, v36;
	v42 =	vld.idx.msk [tilespmem:v43+s6+$0x0], $0xffff  }
0x10a: {  	s11 =	smov.u32 s20;
	v19 =	vmul.f32 v51, v36;
	v14 =	vmul.f32 v49, v36;
	v43 =	vld.idx.msk [tilespmem:v43+s22+$0x0], $0xffff  }
0x10b: {  	_ =	sdelay $0x3  }
0x10c: {  	v6 =	vld.idx.msk [tilespmem:v22+s6+$0x0], $0xffff  }
0x10d: {  	v8 =	vmul.f32 v40, v28;
	v17 =	vld.idx.msk [tilespmem:v17+s6+$0x0], $0xffff  }
0x10e: {  	v9 =	vmul.f32 v41, v28  }
0x10f: {  	v8 =	vadd.f32 v8, v32;
	v51 =	vmul.f32 v39, v28  }
0x110: {  	v54 =	vld.idx.msk [tilespmem:v27+s6+$0x0], $0xffff;
	v50 =	vmul.f32 v42, v28;
	v9 =	vadd.f32 v9, v29;
	v11 =	vmul.f32 v43, v28  }
0x111: {  	v52 =	vld.idx.msk [tilespmem:v21+s6+$0x0], $0xffff;
	v8 =	vadd.f32 v38, v8;
	v53 =	vadd.f32 v51, v35;
	v6 =	vmul.f32 v6, v28  }
0x112: {  	v26 =	vld.idx.msk [tilespmem:v26+s6+$0x0], $0xffff;
	v22 =	vadd.f32 v50, v31;
	v10 =	vmul.f32 v17, v10;
	v11 =	vadd.f32 v11, v37  }
0x113: {  	v30 =	vld.idx.msk [tilespmem:v30+s6+$0x0], $0xffff;
	v20 =	vmul.f32 v20, v36;
	v23 =	vadd.f32 v23, v53;
	v6 =	vadd.f32 v6, v24  }
0x114: {  	v12 =	vld.idx.msk [tilespmem:v21+s22+$0x0], $0xffff;
	v55 =	vmul.f32 v34, v36;
	v16 =	vadd.f32 v16, v22;
	v9 =	vadd.f32 v10, v9  }
0x115: {  	v56 =	vld.idx.msk [tilespmem:v33+s6+$0x0], $0xffff;
	v60 =	vmul.f32 v54, v7;
	v11 =	vadd.f32 v15, v11;
	v61 =	vadd.f32 v14, v23  }
0x116: {  	v57 =	vmul.f32 v52, v7;
	v6 =	vadd.f32 v18, v6;
	v13 =	vadd.f32 v13, v16  }
0x117: {  	v62 =	vmul.f32 v26, v7;
	v9 =	vadd.f32 v55, v9;
	v63 =	vadd.f32 v60, v61  }
0x118: {  	s10 =	sadd.s32 $0x1, s10;
	v58 =	vmul.f32 v30, v7;
	v6 =	vadd.f32 v19, v6;
	v13 =	vadd.f32 v57, v13  }
0x119: {  	p0 =	sne.s32 s10, $0x8;
	v12 =	vmul.f32 v12, v7;
	v11 =	vadd.f32 v20, v11;
	v9 =	vadd.f32 v62, v9;
	[tilespmem:s0+$0x1D480] =	vst v63  }
.Ltmp3:
0x11a: {  	v7 =	vmul.f32 v56, v7;
	v8 =	vadd.f32 v25, v8;
	v6 =	vadd.f32 v58, v6;
	[tilespmem:s0+$0x1D080] =	vst v13;
	(pc) =	sbr.rel @p0 .LBB2_6-.Ltmp3, $4  }
0x11b: {  	v59 =	vadd.f32 v12, v11;
	[tilespmem:s0+$0x1D680] =	vst v9  }
0x11c: {  	[tilespmem:s0+$0x1D280] =	vst v6;
	v6 =	vadd.f32 v7, v8  }
0x11d: {  	[tilespmem:s0+$0x1CE80] =	vst v59  }
0x11e: {  	[tilespmem:s0+$0x1D880] =	vst v6  }
0x11f: {  	_ =	swait.ge [sflag:s21], $0x2000  }
0x120: {  	[sflag:s21] =	ssyncset.done $0x0  }
0x121: {  	[sflag:s21] =	ssyncadd.s32 $0xFFFFE000  }
0x122: {  	_ =	swait.ge [sflag:s21], $0x2000  }
0x123: {  	[sflag:s21] =	ssyncset.done $0x0  }
0x124: {  	[sflag:s21] =	ssyncadd.s32 $0xFFFFE000  }
0x125: {  	_ =	swait.ge [sflag:s21], $0x2000  }
0x126: {  	[sflag:s21] =	ssyncset.done $0x0  }
0x127: {  	[sflag:s21] =	ssyncadd.s32 $0xFFFFE000  }
0x128: {  	_ =	swait.ge [sflag:s21], $0x2000  }
0x129: {  	[sflag:s21] =	ssyncset.done $0x0  }
0x12a: {  	[sflag:s21] =	ssyncadd.s32 $0xFFFFE000  }
0x12b: {  	_ =	swait.ge [sflag:s21], $0x2000  }
0x12c: {  	[sflag:s21] =	ssyncset.done $0x0  }
0x12d: {  	[sflag:s21] =	ssyncadd.s32 $0xFFFFE000  }
0x12e: {  	_ =	swait.ge [sflag:s21], $0x2000  }
0x12f: {  	[sflag:s21] =	ssyncset.done $0x0  }
0x130: {  	[sflag:s21] =	ssyncadd.s32 $0xFFFFE000  }
0x131: {  	_ =	swait.ge [sflag:s21], $0x2000  }
0x132: {  	[sflag:s21] =	ssyncset.done $0x0  }
0x133: {  	s0 =	simm.s32 $0x180;
	[sflag:s21] =	ssyncadd.s32 $0xFFFFE000  }
0x134: {  	[tilespmem:s5], [sflag:$0x2] =	stream.indirect.gather [hbm4b:s3+s26], $0x40, s0, s26, $0xb8;
	[tilespmem:$0x1DA00] =	vst v63  }
0x135: {  	s2 =	simm.s32 $0x380  }
0x136: {  	[tilespmem:s22], [sflag:$0x2] =	stream.indirect.gather [hbm4b:s4+s26], $0x40, s2, s26, $0xb8;
	[tilespmem:$0x1DA00] =	vst v63  }
0x137: {  	s10 =	simm.s32 $0x580  }
0x138: {  	[tilespmem:s6], [sflag:$0x2] =	stream.indirect.gather [hbm4b:s4+s26], $0x40, s10, s26, $0xb8;
	[tilespmem:$0x1DA00] =	vst v63  }
0x139: {  	s11 =	simm.s32 $0x780  }
0x13a: {  	[tilespmem:s23], [sflag:$0x2] =	stream.indirect.gather [hbm4b:s4+s26], $0x40, s11, s26, $0xb8;
	[tilespmem:$0x1DA00] =	vst v63  }
0x13b: {  	s13 =	simm.s32 $0x980  }
0x13c: {  	[tilespmem:s24], [sflag:$0x2] =	stream.indirect.gather [hbm4b:s4+s26], $0x40, s13, s26, $0xb8;
	[tilespmem:$0x1DA00] =	vst v63  }
0x13d: {  	s14 =	simm.s32 $0xB80  }
0x13e: {  	[tilespmem:s7], [sflag:$0x2] =	stream.indirect.gather [hbm4b:s4+s26], $0x40, s14, s26, $0xb8;
	[tilespmem:$0x1DA00] =	vst v63  }
0x13f: {  	s20 =	simm.s32 $0xD80;
	s31 =	simm.s32 $0x0;
	s10 =	simm.s32 $0x0  }
0x140: {  	[tilespmem:s25], [sflag:$0x2] =	stream.indirect.gather [hbm4b:s4+s26], $0x40, s20, s26, $0xb8;
	[tilespmem:$0x1DA00] =	vst v63  }
.LBB2_10:
0x141: {  	s0 =	sshll.u32 s10, $0x4  }
0x142: {  	s2 =	simm.s32 $0x1;
	v6 =	vmov s0  }
0x143: {  	v8 =	vadd.s32 s2, v0;
	v7 =	vshll.u32 v6, $0x6  }
0x144: {  	s14 =	simm.s32 $0x2;
	v13 =	vand.u32 $0x3F, v8;
	v6 =	vor.u32 v5, v7  }
0x145: {  	v10 =	vadd.s32 s14, v0;
	v8 =	vor.u32 v1, v7;
	v12 =	vor.u32 v6, v13  }
0x146: {  	v10 =	vand.u32 $0x3F, v10;
	v9 =	vor.u32 v2, v7;
	v14 =	vor.u32 v8, v13  }
0x147: {  	v11 =	vor.u32 v4, v7;
	v15 =	vor.u32 v9, v10  }
0x148: {  	v16 =	vor.u32 v11, v10;
	_ =	sdelay $0x1  }
0x149: {  	v17 =	vor.u32 v11, v13;
	v18 =	vld.idx.msk [tilespmem:v12+s30+$0x0], $0xffff  }
0x14a: {  	v19 =	vor.u32 v8, v10;
	v23 =	vld.idx.msk [tilespmem:v14+s29+$0x0], $0xffff  }
0x14b: {  	v21 =	vor.u32 v9, v13;
	v24 =	vld.idx.msk [tilespmem:v15+s30+$0x0], $0xffff  }
0x14c: {  	v29 =	vld.idx.msk [tilespmem:v16+s30+$0x0], $0xffff  }
0x14d: {  	v16 =	vld.idx.msk [tilespmem:v14+s30+$0x0], $0xffff  }
0x14e: {  	s20 =	simm.s32 $0x3;
	v25 =	vld.idx.msk [tilespmem:v17+s30+$0x0], $0xffff  }
0x14f: {  	v15 =	vor.u32 v6, v10;
	v12 =	vor.u32 v3, v7;
	v20 =	vld.idx.msk [tilespmem:v19+s29+$0x0], $0xffff;
	v7 =	vadd.s32 s20, v0  }
0x150: {  	v17 =	vadd.s32 s31, v0;
	v26 =	vld.idx.msk [tilespmem:v21+s30+$0x0], $0xffff;
	v22 =	vor.u32 v12, v10;
	v31 =	vand.u32 $0x3F, v7  }
0x151: {  	v37 =	vld.idx.msk [tilespmem:v19+s30+$0x0], $0xffff;
	v7 =	vand.u32 $0x3F, v17;
	v21 =	vor.u32 v8, v31  }
0x152: {  	v36 =	vld.idx.msk [tilespmem:v19+s28+$0x0], $0xffff;
	v43 =	vor.u32 v8, v7  }
0x153: {  	v10 =	vld.idx.msk [tilespmem:v14+s28+$0x0], $0xffff;
	v14 =	vor.u32 v9, v7  }
0x154: {  	v38 =	vor.u32 v12, v7;
	v35 =	vld.idx.msk [tilespmem:v15+s30+$0x0], $0xffff  }
0x155: {  	v19 =	vor.u32 v11, v7;
	v34 =	vld.idx.msk [tilespmem:v22+s30+$0x0], $0xffff  }
0x156: {  	v32 =	vimm.f32 $0.0e+00;
	v17 =	vor.u32 v12, v13;
	v22 =	vor.u32 v6, v7;
	v7 =	vld.idx.msk [tilespmem:v21+s28+$0x0], $0xffff  }
0x157: {  	v27 =	vor.u32 v11, v31;
	v33 =	vor.u32 v9, v31;
	v13 =	vmul.f32 v37, v36;
	v28 =	vld.idx.msk [tilespmem:v43+s28+$0x0], $0xffff  }
0x158: {  	v30 =	vor.u32 v6, v31;
	v15 =	vmul.f32 v23, v10;
	v16 =	vmul.f32 v16, v10;
	v40 =	vld.idx.msk [tilespmem:v14+s30+$0x0], $0xffff  }
0x159: {  	v37 =	vimm.f32 $0.0e+00;
	v18 =	vmul.f32 v18, v10;
	v23 =	vmul.f32 v25, v10;
	v41 =	vld.idx.msk [tilespmem:v38+s30+$0x0], $0xffff  }
0x15a: {  	v25 =	vmul.f32 v24, v36;
	v24 =	vimm.f32 $0.0e+00;
	v38 =	vmul.f32 v26, v10;
	v39 =	vld.idx.msk [tilespmem:v19+s30+$0x0], $0xffff  }
0x15b: {  	v26 =	vor.u32 v12, v31;
	v42 =	vld.idx.msk [tilespmem:v43+s30+$0x0], $0xffff;
	v14 =	vmul.f32 v29, v36;
	v31 =	vimm.f32 $0.0e+00  }
0x15c: {  	s20 =	simm.s32 $0x4;
	v43 =	vld.idx.msk [tilespmem:v43+s29+$0x0], $0xffff;
	v29 =	vimm.f32 $0.0e+00;
	v19 =	vmul.f32 v35, v36;
	v35 =	vimm.f32 $0.0e+00  }
.LBB2_11:
0x15d: {  	s13 =	sadd.s32 $0x1, s20  }
0x15e: {  	s14 =	sadd.s32 $0x2, s20;
	v44 =	vmul.f32 v20, v36;
	v45 =	vmul.f32 v34, v36;
	v20 =	vld.idx.msk [tilespmem:v33+s30+$0x0], $0xffff;
	s2 =	smov.u32 s20;
	s11 =	sadd.s32 $0x4, s20  }
0x15f: {  	p0 =	sne.s32 s20, $0x3C;
	v33 =	vadd.s32 s13, v0;
	v34 =	vadd.s32 s14, v0;
	v36 =	vld.idx.msk [tilespmem:v22+s30+$0x0], $0xffff;
	v22 =	vmul.f32 v40, v28  }
0x160: {  	v40 =	vmul.f32 v41, v28;
	v33 =	vand.u32 $0x3F, v33;
	v34 =	vand.u32 $0x3F, v34;
	v27 =	vld.idx.msk [tilespmem:v27+s30+$0x0], $0xffff  }
0x161: {  	v41 =	vor.u32 v6, v33;
	v46 =	vor.u32 v9, v34;
	v47 =	vld.idx.msk [tilespmem:v21+s29+$0x0], $0xffff  }
0x162: {  	v48 =	vor.u32 v8, v33;
	v49 =	vor.u32 v11, v34;
	v42 =	vmul.f32 v42, v28;
	v21 =	vld.idx.msk [tilespmem:v21+s30+$0x0], $0xffff  }
0x163: {  	v50 =	vor.u32 v9, v33;
	v22 =	vadd.f32 v22, v32;
	v43 =	vmul.f32 v43, v28;
	v30 =	vld.idx.msk [tilespmem:v30+s30+$0x0], $0xffff  }
0x164: {  	v39 =	vmul.f32 v39, v28;
	v32 =	vor.u32 v11, v33;
	v51 =	vor.u32 v6, v34;
	v52 =	vld.idx.msk [tilespmem:v26+s30+$0x0], $0xffff  }
0x165: {  	v53 =	vor.u32 v8, v34;
	v55 =	vmul.f32 v20, v7;
	v26 =	vadd.s32 s2, v0;
	v54 =	vld.idx.msk [tilespmem:v17+s30+$0x0], $0xffff  }
0x166: {  	v20 =	vadd.f32 v38, v22;
	v17 =	vand.u32 $0x3F, v26;
	v26 =	vadd.f32 v43, v37;
	v56 =	vld.idx.msk [tilespmem:v41+s30+$0x0], $0xffff  }
0x167: {  	v28 =	vmul.f32 v36, v28;
	v43 =	vor.u32 v8, v17;
	v22 =	vor.u32 v6, v17;
	v38 =	vld.idx.msk [tilespmem:v48+s29+$0x0], $0xffff  }
0x168: {  	v25 =	vadd.f32 v25, v20;
	v57 =	vor.u32 v11, v17;
	v41 =	vor.u32 v12, v17;
	v46 =	vld.idx.msk [tilespmem:v46+s30+$0x0], $0xffff  }
0x169: {  	v35 =	vadd.f32 v39, v35;
	v58 =	vor.u32 v9, v17;
	v36 =	vmul.f32 v30, v7;
	v49 =	vld.idx.msk [tilespmem:v49+s30+$0x0], $0xffff  }
0x16a: {  	v34 =	vor.u32 v12, v34;
	v30 =	vadd.f32 v42, v31;
	v31 =	vmul.f32 v21, v7;
	v39 =	vld.idx.msk [tilespmem:v48+s30+$0x0], $0xffff  }
0x16b: {  	s2 =	sadd.s32 $0x3, s2;
	v17 =	vor.u32 v12, v33;
	v21 =	vadd.f32 v28, v24;
	v24 =	vadd.f32 v40, v29;
	v42 =	vld.idx.msk [tilespmem:v32+s30+$0x0], $0xffff  }
0x16c: {  	v23 =	vadd.f32 v23, v35;
	v35 =	vmul.f32 v27, v7;
	v28 =	vadd.s32 s2, v0;
	v20 =	vld.idx.msk [tilespmem:v53+s29+$0x0], $0xffff  }
0x16d: {  	v28 =	vand.u32 $0x3F, v28;
	v16 =	vadd.f32 v16, v30;
	v18 =	vadd.f32 v18, v21;
	v50 =	vld.idx.msk [tilespmem:v50+s30+$0x0], $0xffff  }
0x16e: {  	v15 =	vadd.f32 v15, v26;
	v21 =	vor.u32 v8, v28;
	v27 =	vor.u32 v11, v28;
	v51 =	vld.idx.msk [tilespmem:v51+s30+$0x0], $0xffff  }
0x16f: {  	v33 =	vor.u32 v9, v28;
	v29 =	vmul.f32 v54, v10;
	v18 =	vadd.f32 v19, v18;
	v10 =	vld.idx.msk [tilespmem:v48+s28+$0x0], $0xffff  }
0x170: {  	v30 =	vor.u32 v6, v28;
	v26 =	vor.u32 v12, v28;
	v32 =	vadd.f32 v55, v25;
	v19 =	vld.idx.msk [tilespmem:v53+s30+$0x0], $0xffff  }
0x171: {  	v25 =	vadd.f32 v29, v24;
	v24 =	vadd.f32 v36, v18;
	v18 =	vmul.f32 v52, v7;
	v34 =	vld.idx.msk [tilespmem:v34+s30+$0x0], $0xffff  }
0x172: {  	v15 =	vadd.f32 v44, v15;
	v13 =	vadd.f32 v13, v16;
	v16 =	vmul.f32 v47, v7;
	v36 =	vld.idx.msk [tilespmem:v53+s28+$0x0], $0xffff  }
0x173: {  	v14 =	vadd.f32 v14, v23;
	v23 =	vadd.f32 v45, v25;
	v7 =	vld.idx.msk [tilespmem:v21+s28+$0x0], $0xffff  }
0x174: {  	v37 =	vadd.f32 v16, v15;
	v31 =	vadd.f32 v31, v13;
	v28 =	vld.idx.msk [tilespmem:v43+s28+$0x0], $0xffff  }
.Ltmp4:
0x175: {  	v29 =	vadd.f32 v18, v23;
	v15 =	vmul.f32 v38, v10;
	v16 =	vmul.f32 v39, v10;
	v40 =	vld.idx.msk [tilespmem:v58+s30+$0x0], $0xffff;
	(pc) =	sbr.rel @p0 .LBB2_11-.Ltmp4, $4  }
0x176: {  	v35 =	vadd.f32 v35, v14;
	v18 =	vmul.f32 v56, v10;
	v23 =	vmul.f32 v42, v10;
	v41 =	vld.idx.msk [tilespmem:v41+s30+$0x0], $0xffff  }
0x177: {  	v38 =	vmul.f32 v50, v10;
	v39 =	vld.idx.msk [tilespmem:v57+s30+$0x0], $0xffff  }
0x178: {  	v13 =	vmul.f32 v19, v36;
	v25 =	vmul.f32 v46, v36;
	v42 =	vld.idx.msk [tilespmem:v43+s30+$0x0], $0xffff  }
0x179: {  	s20 =	smov.u32 s11;
	v19 =	vmul.f32 v51, v36;
	v14 =	vmul.f32 v49, v36;
	v43 =	vld.idx.msk [tilespmem:v43+s29+$0x0], $0xffff  }
0x17a: {  	_ =	sdelay $0x3  }
0x17b: {  	v6 =	vld.idx.msk [tilespmem:v22+s30+$0x0], $0xffff  }
0x17c: {  	v8 =	vmul.f32 v40, v28;
	v17 =	vld.idx.msk [tilespmem:v17+s30+$0x0], $0xffff  }
0x17d: {  	v9 =	vmul.f32 v41, v28  }
0x17e: {  	v8 =	vadd.f32 v8, v32;
	v51 =	vmul.f32 v39, v28  }
0x17f: {  	v54 =	vld.idx.msk [tilespmem:v27+s30+$0x0], $0xffff;
	v50 =	vmul.f32 v42, v28;
	v9 =	vadd.f32 v9, v29;
	v11 =	vmul.f32 v43, v28  }
0x180: {  	v52 =	vld.idx.msk [tilespmem:v21+s30+$0x0], $0xffff;
	v8 =	vadd.f32 v38, v8;
	v53 =	vadd.f32 v51, v35;
	v6 =	vmul.f32 v6, v28  }
0x181: {  	v26 =	vld.idx.msk [tilespmem:v26+s30+$0x0], $0xffff;
	v22 =	vadd.f32 v50, v31;
	v10 =	vmul.f32 v17, v10;
	v11 =	vadd.f32 v11, v37  }
0x182: {  	v30 =	vld.idx.msk [tilespmem:v30+s30+$0x0], $0xffff;
	v20 =	vmul.f32 v20, v36;
	v23 =	vadd.f32 v23, v53;
	v6 =	vadd.f32 v6, v24  }
0x183: {  	v12 =	vld.idx.msk [tilespmem:v21+s29+$0x0], $0xffff;
	v55 =	vmul.f32 v34, v36;
	v16 =	vadd.f32 v16, v22;
	v9 =	vadd.f32 v10, v9  }
0x184: {  	v56 =	vld.idx.msk [tilespmem:v33+s30+$0x0], $0xffff;
	v60 =	vmul.f32 v54, v7;
	v11 =	vadd.f32 v15, v11;
	v61 =	vadd.f32 v14, v23  }
0x185: {  	v57 =	vmul.f32 v52, v7;
	v6 =	vadd.f32 v18, v6;
	v13 =	vadd.f32 v13, v16  }
0x186: {  	v62 =	vmul.f32 v26, v7;
	v9 =	vadd.f32 v55, v9;
	v63 =	vadd.f32 v60, v61  }
0x187: {  	s10 =	sadd.s32 $0x1, s10;
	v58 =	vmul.f32 v30, v7;
	v6 =	vadd.f32 v19, v6;
	v13 =	vadd.f32 v57, v13  }
0x188: {  	p0 =	sne.s32 s10, $0x8;
	v12 =	vmul.f32 v12, v7;
	v11 =	vadd.f32 v20, v11;
	v9 =	vadd.f32 v62, v9;
	[tilespmem:s0+$0x1D500] =	vst v63  }
.Ltmp5:
0x189: {  	v7 =	vmul.f32 v56, v7;
	v8 =	vadd.f32 v25, v8;
	v6 =	vadd.f32 v58, v6;
	[tilespmem:s0+$0x1D100] =	vst v13;
	(pc) =	sbr.rel @p0 .LBB2_10-.Ltmp5, $4  }
0x18a: {  	v59 =	vadd.f32 v12, v11;
	[tilespmem:s0+$0x1D700] =	vst v9  }
0x18b: {  	[tilespmem:s0+$0x1D300] =	vst v6;
	v6 =	vadd.f32 v7, v8  }
0x18c: {  	[tilespmem:s0+$0x1CF00] =	vst v59  }
0x18d: {  	[tilespmem:s0+$0x1D900] =	vst v6  }
0x18e: {  	_ =	swait.ge [sflag:s8], $0x2000  }
0x18f: {  	[sflag:s8] =	ssyncset.done $0x0  }
0x190: {  	[sflag:s8] =	ssyncadd.s32 $0xFFFFE000  }
0x191: {  	_ =	swait.ge [sflag:s8], $0x2000  }
0x192: {  	[sflag:s8] =	ssyncset.done $0x0  }
0x193: {  	[sflag:s8] =	ssyncadd.s32 $0xFFFFE000  }
0x194: {  	_ =	swait.ge [sflag:s8], $0x2000  }
0x195: {  	[sflag:s8] =	ssyncset.done $0x0  }
0x196: {  	[sflag:s8] =	ssyncadd.s32 $0xFFFFE000  }
0x197: {  	_ =	swait.ge [sflag:s8], $0x2000  }
0x198: {  	[sflag:s8] =	ssyncset.done $0x0  }
0x199: {  	[sflag:s8] =	ssyncadd.s32 $0xFFFFE000  }
0x19a: {  	_ =	swait.ge [sflag:s8], $0x2000  }
0x19b: {  	[sflag:s8] =	ssyncset.done $0x0  }
0x19c: {  	[sflag:s8] =	ssyncadd.s32 $0xFFFFE000  }
0x19d: {  	_ =	swait.ge [sflag:s8], $0x2000  }
0x19e: {  	[sflag:s8] =	ssyncset.done $0x0  }
0x19f: {  	[sflag:s8] =	ssyncadd.s32 $0xFFFFE000  }
0x1a0: {  	_ =	swait.ge [sflag:s8], $0x2000  }
0x1a1: {  	[sflag:s8] =	ssyncset.done $0x0  }
0x1a2: {  	s31 =	simm.s32 $0x0;
	s10 =	simm.s32 $0x0;
	[sflag:s8] =	ssyncadd.s32 $0xFFFFE000  }
.LBB2_14:
0x1a3: {  	s0 =	sshll.u32 s10, $0x4  }
0x1a4: {  	s2 =	simm.s32 $0x1;
	v6 =	vmov s0  }
0x1a5: {  	v8 =	vadd.s32 s2, v0;
	v7 =	vshll.u32 v6, $0x6  }
0x1a6: {  	s14 =	simm.s32 $0x2;
	v13 =	vand.u32 $0x3F, v8;
	v6 =	vor.u32 v5, v7  }
0x1a7: {  	v10 =	vadd.s32 s14, v0;
	v8 =	vor.u32 v1, v7;
	v12 =	vor.u32 v6, v13  }
0x1a8: {  	v10 =	vand.u32 $0x3F, v10;
	v9 =	vor.u32 v2, v7;
	v14 =	vor.u32 v8, v13  }
0x1a9: {  	v11 =	vor.u32 v4, v7;
	v15 =	vor.u32 v9, v10  }
0x1aa: {  	v16 =	vor.u32 v11, v10;
	_ =	sdelay $0x1  }
0x1ab: {  	v17 =	vor.u32 v11, v13;
	v18 =	vld.idx.msk [tilespmem:v12+s6+$0x0], $0xffff  }
0x1ac: {  	v19 =	vor.u32 v8, v10;
	v23 =	vld.idx.msk [tilespmem:v14+s22+$0x0], $0xffff  }
0x1ad: {  	v21 =	vor.u32 v9, v13;
	v24 =	vld.idx.msk [tilespmem:v15+s6+$0x0], $0xffff  }
0x1ae: {  	v29 =	vld.idx.msk [tilespmem:v16+s6+$0x0], $0xffff  }
0x1af: {  	v16 =	vld.idx.msk [tilespmem:v14+s6+$0x0], $0xffff  }
0x1b0: {  	s20 =	simm.s32 $0x3;
	v25 =	vld.idx.msk [tilespmem:v17+s6+$0x0], $0xffff  }
0x1b1: {  	v15 =	vor.u32 v6, v10;
	v12 =	vor.u32 v3, v7;
	v20 =	vld.idx.msk [tilespmem:v19+s22+$0x0], $0xffff;
	v7 =	vadd.s32 s20, v0  }
0x1b2: {  	v17 =	vadd.s32 s31, v0;
	v26 =	vld.idx.msk [tilespmem:v21+s6+$0x0], $0xffff;
	v22 =	vor.u32 v12, v10;
	v31 =	vand.u32 $0x3F, v7  }
0x1b3: {  	v37 =	vld.idx.msk [tilespmem:v19+s6+$0x0], $0xffff;
	v7 =	vand.u32 $0x3F, v17;
	v21 =	vor.u32 v8, v31  }
0x1b4: {  	v36 =	vld.idx.msk [tilespmem:v19+s5+$0x0], $0xffff;
	v43 =	vor.u32 v8, v7  }
0x1b5: {  	v10 =	vld.idx.msk [tilespmem:v14+s5+$0x0], $0xffff;
	v14 =	vor.u32 v9, v7  }
0x1b6: {  	v38 =	vor.u32 v12, v7;
	v35 =	vld.idx.msk [tilespmem:v15+s6+$0x0], $0xffff  }
0x1b7: {  	v19 =	vor.u32 v11, v7;
	v34 =	vld.idx.msk [tilespmem:v22+s6+$0x0], $0xffff  }
0x1b8: {  	v32 =	vimm.f32 $0.0e+00;
	v17 =	vor.u32 v12, v13;
	v22 =	vor.u32 v6, v7;
	v7 =	vld.idx.msk [tilespmem:v21+s5+$0x0], $0xffff  }
0x1b9: {  	v27 =	vor.u32 v11, v31;
	v33 =	vor.u32 v9, v31;
	v13 =	vmul.f32 v37, v36;
	v28 =	vld.idx.msk [tilespmem:v43+s5+$0x0], $0xffff  }
0x1ba: {  	v30 =	vor.u32 v6, v31;
	v15 =	vmul.f32 v23, v10;
	v16 =	vmul.f32 v16, v10;
	v40 =	vld.idx.msk [tilespmem:v14+s6+$0x0], $0xffff  }
0x1bb: {  	v37 =	vimm.f32 $0.0e+00;
	v18 =	vmul.f32 v18, v10;
	v23 =	vmul.f32 v25, v10;
	v41 =	vld.idx.msk [tilespmem:v38+s6+$0x0], $0xffff  }
0x1bc: {  	v25 =	vmul.f32 v24, v36;
	v24 =	vimm.f32 $0.0e+00;
	v38 =	vmul.f32 v26, v10;
	v39 =	vld.idx.msk [tilespmem:v19+s6+$0x0], $0xffff  }
0x1bd: {  	v26 =	vor.u32 v12, v31;
	v42 =	vld.idx.msk [tilespmem:v43+s6+$0x0], $0xffff;
	v14 =	vmul.f32 v29, v36;
	v31 =	vimm.f32 $0.0e+00  }
0x1be: {  	s20 =	simm.s32 $0x4;
	v43 =	vld.idx.msk [tilespmem:v43+s22+$0x0], $0xffff;
	v29 =	vimm.f32 $0.0e+00;
	v19 =	vmul.f32 v35, v36;
	v35 =	vimm.f32 $0.0e+00  }
.LBB2_15:
0x1bf: {  	s13 =	sadd.s32 $0x1, s20  }
0x1c0: {  	s14 =	sadd.s32 $0x2, s20;
	v44 =	vmul.f32 v20, v36;
	v45 =	vmul.f32 v34, v36;
	v20 =	vld.idx.msk [tilespmem:v33+s6+$0x0], $0xffff;
	s2 =	smov.u32 s20;
	s11 =	sadd.s32 $0x4, s20  }
0x1c1: {  	p0 =	sne.s32 s20, $0x3C;
	v33 =	vadd.s32 s13, v0;
	v34 =	vadd.s32 s14, v0;
	v36 =	vld.idx.msk [tilespmem:v22+s6+$0x0], $0xffff;
	v22 =	vmul.f32 v40, v28  }
0x1c2: {  	v40 =	vmul.f32 v41, v28;
	v33 =	vand.u32 $0x3F, v33;
	v34 =	vand.u32 $0x3F, v34;
	v27 =	vld.idx.msk [tilespmem:v27+s6+$0x0], $0xffff  }
0x1c3: {  	v41 =	vor.u32 v6, v33;
	v46 =	vor.u32 v9, v34;
	v47 =	vld.idx.msk [tilespmem:v21+s22+$0x0], $0xffff  }
0x1c4: {  	v48 =	vor.u32 v8, v33;
	v49 =	vor.u32 v11, v34;
	v42 =	vmul.f32 v42, v28;
	v21 =	vld.idx.msk [tilespmem:v21+s6+$0x0], $0xffff  }
0x1c5: {  	v50 =	vor.u32 v9, v33;
	v22 =	vadd.f32 v22, v32;
	v43 =	vmul.f32 v43, v28;
	v30 =	vld.idx.msk [tilespmem:v30+s6+$0x0], $0xffff  }
0x1c6: {  	v39 =	vmul.f32 v39, v28;
	v32 =	vor.u32 v11, v33;
	v51 =	vor.u32 v6, v34;
	v52 =	vld.idx.msk [tilespmem:v26+s6+$0x0], $0xffff  }
0x1c7: {  	v53 =	vor.u32 v8, v34;
	v55 =	vmul.f32 v20, v7;
	v26 =	vadd.s32 s2, v0;
	v54 =	vld.idx.msk [tilespmem:v17+s6+$0x0], $0xffff  }
0x1c8: {  	v20 =	vadd.f32 v38, v22;
	v17 =	vand.u32 $0x3F, v26;
	v26 =	vadd.f32 v43, v37;
	v56 =	vld.idx.msk [tilespmem:v41+s6+$0x0], $0xffff  }
0x1c9: {  	v28 =	vmul.f32 v36, v28;
	v43 =	vor.u32 v8, v17;
	v22 =	vor.u32 v6, v17;
	v38 =	vld.idx.msk [tilespmem:v48+s22+$0x0], $0xffff  }
0x1ca: {  	v25 =	vadd.f32 v25, v20;
	v57 =	vor.u32 v11, v17;
	v41 =	vor.u32 v12, v17;
	v46 =	vld.idx.msk [tilespmem:v46+s6+$0x0], $0xffff  }
0x1cb: {  	v35 =	vadd.f32 v39, v35;
	v58 =	vor.u32 v9, v17;
	v36 =	vmul.f32 v30, v7;
	v49 =	vld.idx.msk [tilespmem:v49+s6+$0x0], $0xffff  }
0x1cc: {  	v34 =	vor.u32 v12, v34;
	v30 =	vadd.f32 v42, v31;
	v31 =	vmul.f32 v21, v7;
	v39 =	vld.idx.msk [tilespmem:v48+s6+$0x0], $0xffff  }
0x1cd: {  	s2 =	sadd.s32 $0x3, s2;
	v17 =	vor.u32 v12, v33;
	v21 =	vadd.f32 v28, v24;
	v24 =	vadd.f32 v40, v29;
	v42 =	vld.idx.msk [tilespmem:v32+s6+$0x0], $0xffff  }
0x1ce: {  	v23 =	vadd.f32 v23, v35;
	v35 =	vmul.f32 v27, v7;
	v28 =	vadd.s32 s2, v0;
	v20 =	vld.idx.msk [tilespmem:v53+s22+$0x0], $0xffff  }
0x1cf: {  	v28 =	vand.u32 $0x3F, v28;
	v16 =	vadd.f32 v16, v30;
	v18 =	vadd.f32 v18, v21;
	v50 =	vld.idx.msk [tilespmem:v50+s6+$0x0], $0xffff  }
0x1d0: {  	v15 =	vadd.f32 v15, v26;
	v21 =	vor.u32 v8, v28;
	v27 =	vor.u32 v11, v28;
	v51 =	vld.idx.msk [tilespmem:v51+s6+$0x0], $0xffff  }
0x1d1: {  	v33 =	vor.u32 v9, v28;
	v29 =	vmul.f32 v54, v10;
	v18 =	vadd.f32 v19, v18;
	v10 =	vld.idx.msk [tilespmem:v48+s5+$0x0], $0xffff  }
0x1d2: {  	v30 =	vor.u32 v6, v28;
	v26 =	vor.u32 v12, v28;
	v32 =	vadd.f32 v55, v25;
	v19 =	vld.idx.msk [tilespmem:v53+s6+$0x0], $0xffff  }
0x1d3: {  	v25 =	vadd.f32 v29, v24;
	v24 =	vadd.f32 v36, v18;
	v18 =	vmul.f32 v52, v7;
	v34 =	vld.idx.msk [tilespmem:v34+s6+$0x0], $0xffff  }
0x1d4: {  	v15 =	vadd.f32 v44, v15;
	v13 =	vadd.f32 v13, v16;
	v16 =	vmul.f32 v47, v7;
	v36 =	vld.idx.msk [tilespmem:v53+s5+$0x0], $0xffff  }
0x1d5: {  	v14 =	vadd.f32 v14, v23;
	v23 =	vadd.f32 v45, v25;
	v7 =	vld.idx.msk [tilespmem:v21+s5+$0x0], $0xffff  }
0x1d6: {  	v37 =	vadd.f32 v16, v15;
	v31 =	vadd.f32 v31, v13;
	v28 =	vld.idx.msk [tilespmem:v43+s5+$0x0], $0xffff  }
.Ltmp6:
0x1d7: {  	v29 =	vadd.f32 v18, v23;
	v15 =	vmul.f32 v38, v10;
	v16 =	vmul.f32 v39, v10;
	v40 =	vld.idx.msk [tilespmem:v58+s6+$0x0], $0xffff;
	(pc) =	sbr.rel @p0 .LBB2_15-.Ltmp6, $4  }
0x1d8: {  	v35 =	vadd.f32 v35, v14;
	v18 =	vmul.f32 v56, v10;
	v23 =	vmul.f32 v42, v10;
	v41 =	vld.idx.msk [tilespmem:v41+s6+$0x0], $0xffff  }
0x1d9: {  	v38 =	vmul.f32 v50, v10;
	v39 =	vld.idx.msk [tilespmem:v57+s6+$0x0], $0xffff  }
0x1da: {  	v13 =	vmul.f32 v19, v36;
	v25 =	vmul.f32 v46, v36;
	v42 =	vld.idx.msk [tilespmem:v43+s6+$0x0], $0xffff  }
0x1db: {  	s20 =	smov.u32 s11;
	v19 =	vmul.f32 v51, v36;
	v14 =	vmul.f32 v49, v36;
	v43 =	vld.idx.msk [tilespmem:v43+s22+$0x0], $0xffff  }
0x1dc: {  	_ =	sdelay $0x3  }
0x1dd: {  	v6 =	vld.idx.msk [tilespmem:v22+s6+$0x0], $0xffff  }
0x1de: {  	v8 =	vmul.f32 v40, v28;
	v17 =	vld.idx.msk [tilespmem:v17+s6+$0x0], $0xffff  }
0x1df: {  	v9 =	vmul.f32 v41, v28  }
0x1e0: {  	v8 =	vadd.f32 v8, v32;
	v51 =	vmul.f32 v39, v28  }
0x1e1: {  	v54 =	vld.idx.msk [tilespmem:v27+s6+$0x0], $0xffff;
	v50 =	vmul.f32 v42, v28;
	v9 =	vadd.f32 v9, v29;
	v11 =	vmul.f32 v43, v28  }
0x1e2: {  	v52 =	vld.idx.msk [tilespmem:v21+s6+$0x0], $0xffff;
	v8 =	vadd.f32 v38, v8;
	v53 =	vadd.f32 v51, v35;
	v6 =	vmul.f32 v6, v28  }
0x1e3: {  	v26 =	vld.idx.msk [tilespmem:v26+s6+$0x0], $0xffff;
	v22 =	vadd.f32 v50, v31;
	v10 =	vmul.f32 v17, v10;
	v11 =	vadd.f32 v11, v37  }
0x1e4: {  	v30 =	vld.idx.msk [tilespmem:v30+s6+$0x0], $0xffff;
	v20 =	vmul.f32 v20, v36;
	v23 =	vadd.f32 v23, v53;
	v6 =	vadd.f32 v6, v24  }
0x1e5: {  	v12 =	vld.idx.msk [tilespmem:v21+s22+$0x0], $0xffff;
	v55 =	vmul.f32 v34, v36;
	v16 =	vadd.f32 v16, v22;
	v9 =	vadd.f32 v10, v9  }
0x1e6: {  	v56 =	vld.idx.msk [tilespmem:v33+s6+$0x0], $0xffff;
	v60 =	vmul.f32 v54, v7;
	v11 =	vadd.f32 v15, v11;
	v61 =	vadd.f32 v14, v23  }
0x1e7: {  	v57 =	vmul.f32 v52, v7;
	v6 =	vadd.f32 v18, v6;
	v13 =	vadd.f32 v13, v16  }
0x1e8: {  	v62 =	vmul.f32 v26, v7;
	v9 =	vadd.f32 v55, v9;
	v63 =	vadd.f32 v60, v61  }
0x1e9: {  	s10 =	sadd.s32 $0x1, s10;
	v58 =	vmul.f32 v30, v7;
	v6 =	vadd.f32 v19, v6;
	v13 =	vadd.f32 v57, v13  }
0x1ea: {  	p0 =	sne.s32 s10, $0x8;
	v12 =	vmul.f32 v12, v7;
	v11 =	vadd.f32 v20, v11;
	v9 =	vadd.f32 v62, v9;
	[tilespmem:s0+$0x1D580] =	vst v63  }
.Ltmp7:
0x1eb: {  	v7 =	vmul.f32 v56, v7;
	v8 =	vadd.f32 v25, v8;
	v6 =	vadd.f32 v58, v6;
	[tilespmem:s0+$0x1D180] =	vst v13;
	(pc) =	sbr.rel @p0 .LBB2_14-.Ltmp7, $4  }
0x1ec: {  	v59 =	vadd.f32 v12, v11;
	[tilespmem:s0+$0x1D780] =	vst v9  }
0x1ed: {  	[tilespmem:s0+$0x1D380] =	vst v6;
	v6 =	vadd.f32 v7, v8  }
0x1ee: {  	[tilespmem:s0+$0x1CF80] =	vst v59  }
0x1ef: {  	[tilespmem:s0+$0x1D980] =	vst v6  }
0x1f0: {  	s0 =	simm.s32 $0x1CE00  }
0x1f1: {  	[hbm4b:s12+s1] =	stream.linear.scatter [tilespmem:s0], [sflag:$0x3], $0x200, $0x38;
	[tilespmem:$0x1DA00] =	vst v63  }
0x1f2: {  	_ =	swait.ge [sflag:s19], $0x200  }
0x1f3: {  	[sflag:s19] =	ssyncset.done $0x0  }
0x1f4: {  	s2 =	simm.s32 $0x1D000;
	s10 =	rddreg [dreg:$0xb];
	[sflag:s19] =	ssyncadd.s32 $0xFFFFFE00  }
0x1f5: {  	[hbm4b:s10+s1] =	stream.linear.scatter [tilespmem:s2], [sflag:$0x3], $0x200, $0x38;
	[tilespmem:$0x1DA00] =	vst v63  }
0x1f6: {  	_ =	swait.ge [sflag:s19], $0x200  }
0x1f7: {  	[sflag:s19] =	ssyncset.done $0x0  }
0x1f8: {  	s13 =	simm.s32 $0x1D200;
	s11 =	rddreg [dreg:$0xc];
	[sflag:s19] =	ssyncadd.s32 $0xFFFFFE00  }
0x1f9: {  	[hbm4b:s11+s1] =	stream.linear.scatter [tilespmem:s13], [sflag:$0x3], $0x200, $0x38;
	[tilespmem:$0x1DA00] =	vst v63  }
0x1fa: {  	_ =	swait.ge [sflag:s19], $0x200  }
0x1fb: {  	[sflag:s19] =	ssyncset.done $0x0  }
0x1fc: {  	s14 =	simm.s32 $0x1D400;
	[sflag:s19] =	ssyncadd.s32 $0xFFFFFE00  }
0x1fd: {  	[hbm4b:s15+s1] =	stream.linear.scatter [tilespmem:s14], [sflag:$0x3], $0x200, $0x38;
	[tilespmem:$0x1DA00] =	vst v63  }
0x1fe: {  	_ =	swait.ge [sflag:s19], $0x200  }
0x1ff: {  	[sflag:s19] =	ssyncset.done $0x0  }
0x200: {  	s20 =	simm.s32 $0x1D600;
	[sflag:s19] =	ssyncadd.s32 $0xFFFFFE00  }
0x201: {  	[hbm4b:s16+s1] =	stream.linear.scatter [tilespmem:s20], [sflag:$0x3], $0x200, $0x38;
	[tilespmem:$0x1DA00] =	vst v63  }
0x202: {  	s9 =	sadd.s32 $0x1, s9;
	_ =	swait.ge [sflag:s19], $0x200  }
0x203: {  	p0 =	sne.s32 s9, s18;
	[sflag:s19] =	ssyncset.done $0x0  }
.Ltmp8:
0x204: {  	s31 =	simm.s32 $0x1D800;
	[sflag:s19] =	ssyncadd.s32 $0xFFFFFE00;
	(pc) =	sbr.rel @p0 .LBB2_1-.Ltmp8, $4  }
0x205: {  	[hbm4b:s17+s1] =	stream.linear.scatter [tilespmem:s31], [sflag:$0x3], $0x200, $0x38;
	[tilespmem:$0x1DA00] =	vst v63  }
0x206: {  	_ =	swait.ge [sflag:s19], $0x200  }
0x207: {  	[sflag:s19] =	ssyncset.done $0x0  }
0x208: {  	[sflag:s19] =	ssyncadd.s32 $0xFFFFFE00  }
0x209: {  	_ =	sfence.sel $0x180000  }
0x20a: {  	[bflag:$0x0] =	sbarrier.arrive $0xFFFF  }
0x20b: {  	_ =	strace $0x90000047  }
0x20c: {  	s0 =	stileid.u32;
	[bflag:$0x2] =	sbarrier.arrive $0xFFFF  }
0x20d: {  	p0 =	sne.s32 s0, $0x0;
	s0 =	rddreg [dreg:$0x3]  }
0x20e: {  	s0 =	sadd.s32 @!p0 $0x100000, s0  }
0x20f: {  	[sflag:s0] =	ssyncadd.tile.s32 @!p0 $0x1;
	_ =	shalt  }
.Lfunc_end2:
_tile_overlayer_lowered:
.L_overlay_start_2:
0x210: {  	(tag) =	ssettag $0x2  }
0x211: {  	s0 =	rddreg [dreg:$0x0];
	s2 =	stileid.u32  }
0x212: {  	s1 =	rddreg [dreg:$0x1];
	p0 =	sne.s32 s2, $0x0  }
0x213: {  	s3 =	rddreg [dreg:$0x2];
	[bflag:$0x3] =	sbarrier.arrive $0xFFFF;
	s2 =	simm.s32 @!p0 $0x1C03  }
0x214: {  	[timem:s3], [sflag:s2] =	dma.local @!p0 [hbm:s0], s1  }
0x215: {  	s0 =	simm.s32 @!p0 $0x3  }
0x216: {  	_ =	swait.ge @!p0 [sflag:s0], s1  }
0x217: {  	s1 =	ssub.s32 @!p0 $0x0, s1;
	[sflag:s0] =	ssyncset.done @!p0 $0x0  }
0x218: {  	[sflag:s0] =	ssyncadd.s32 @!p0 s1  }
0x219: {  	[bflag:$0x3] =	sbarrier.arrive $0xFFFF  }
0x21a: {  	_ =	shalt  }

</sc_bundles>
